<compile_context>
chip_gen: v7x
topology: tpu7x:2x2x1
jax: 0.10.2.dev20260603
libtpu: 0.0.44.dev20260713+nightly
codegen_flags: <defaults>
</compile_context>

<pallas_src>
import functools

import jax
import jax.numpy as jnp
from jax import lax
from jax.experimental import pallas as pl
from jax.experimental.pallas import tpu as pltpu
from jax.experimental.pallas import tpu_sc as plsc

N = 10000
E = 320000
F_IN = 128
NHID = 32
H = 64
G = 128
C = 10

NC = 2
NS = 16
NW = NC * NS
EDGES_PER_W = E // NW
CHUNK = 80
NCHUNK = EDGES_PER_W // CHUNK
ROWS_PER_TILE = 624
ROWS_REM = N - NS * ROWS_PER_TILE
DEG_W = 16


def _sliced_copy(s, src_at, dst_at):
    r0 = s * ROWS_PER_TILE
    pltpu.sync_copy(src_at(r0, ROWS_PER_TILE), dst_at(r0, ROWS_PER_TILE))

    @pl.when(s == NS - 1)
    def _():
        t0 = NS * ROWS_PER_TILE
        pltpu.sync_copy(src_at(t0, ROWS_REM), dst_at(t0, ROWS_REM))

@functools.lru_cache(maxsize=None)
def _make_agg(D):
    mesh = plsc.VectorSubcoreMesh(core_axis_name="c", subcore_axis_name="s")

    @functools.partial(
        pl.kernel,
        out_type=jax.ShapeDtypeStruct((NC, N, D), jnp.float32),
        mesh=mesh,
        compiler_params=pltpu.CompilerParams(use_tc_tiling_on_sc=False),
        scratch_types=[
            pltpu.VMEM((CHUNK,), jnp.int32),
            pltpu.VMEM((CHUNK,), jnp.int32),
            pltpu.VMEM((CHUNK, D), jnp.float32),
            pltpu.VMEM_SHARED((N, D), jnp.float32),
            pltpu.SemaphoreType.DMA,
        ],
    )
    def agg(h_hbm, src_hbm, dst_hbm, zero_hbm, out_hbm, sidx, didx, rows, acc, sem):
        c = lax.axis_index("c")
        s = lax.axis_index("s")
        w = c * NS + s
        _sliced_copy(s, lambda r, n: zero_hbm.at[pl.ds(r, n)],
                     lambda r, n: acc.at[pl.ds(r, n)])
        plsc.subcore_barrier()
        base = w * EDGES_PER_W

        def body(j, carry):
            off = base + j * CHUNK
            pltpu.sync_copy(src_hbm.at[pl.ds(off, CHUNK)], sidx)
            pltpu.sync_copy(dst_hbm.at[pl.ds(off, CHUNK)], didx)
            pltpu.async_copy(h_hbm.at[sidx], rows, sem).wait()
            pltpu.sync_copy(rows, acc.at[didx], add=True)
            return carry

        lax.fori_loop(0, NCHUNK, body, 0)
        plsc.subcore_barrier()
        _sliced_copy(s, lambda r, n: acc.at[pl.ds(r, n)],
                     lambda r, n: out_hbm.at[c, pl.ds(r, n)])

    return agg


@functools.lru_cache(maxsize=None)
def _make_deg():
    mesh = plsc.VectorSubcoreMesh(core_axis_name="c", subcore_axis_name="s")

    @functools.partial(
        pl.kernel,
        out_type=jax.ShapeDtypeStruct((NC, N, DEG_W), jnp.float32),
        mesh=mesh,
        compiler_params=pltpu.CompilerParams(use_tc_tiling_on_sc=False),
        scratch_types=[
            pltpu.VMEM((CHUNK,), jnp.int32),
            pltpu.VMEM((CHUNK, DEG_W), jnp.float32),
            pltpu.VMEM_SHARED((N, DEG_W), jnp.float32),
            pltpu.SemaphoreType.DMA,
        ],
    )
    def deg(dst_hbm, ones_hbm, zero_hbm, out_hbm, didx, ones_v, acc, sem):
        c = lax.axis_index("c")
        s = lax.axis_index("s")
        w = c * NS + s
        _sliced_copy(s, lambda r, n: zero_hbm.at[pl.ds(r, n)],
                     lambda r, n: acc.at[pl.ds(r, n)])
        pltpu.sync_copy(ones_hbm, ones_v)
        plsc.subcore_barrier()
        base = w * EDGES_PER_W

        def body(j, carry):
            off = base + j * CHUNK
            pltpu.sync_copy(dst_hbm.at[pl.ds(off, CHUNK)], didx)
            pltpu.sync_copy(ones_v, acc.at[didx], add=True)
            return carry

        lax.fori_loop(0, NCHUNK, body, 0)
        plsc.subcore_barrier()
        _sliced_copy(s, lambda r, n: acc.at[pl.ds(r, n)],
                     lambda r, n: out_hbm.at[c, pl.ds(r, n)])

    return deg


POOL_ROWS = 312
POOL_CHUNK = 104
POOL_REM = N - NW * POOL_ROWS


@functools.lru_cache(maxsize=None)
def _make_pool():
    mesh = plsc.VectorSubcoreMesh(core_axis_name="c", subcore_axis_name="s")

    @functools.partial(
        pl.kernel,
        out_type=jax.ShapeDtypeStruct((NC, G, H), jnp.float32),
        mesh=mesh,
        compiler_params=pltpu.CompilerParams(use_tc_tiling_on_sc=False),
        scratch_types=[
            pltpu.VMEM((POOL_CHUNK,), jnp.int32),
            pltpu.VMEM((POOL_CHUNK, H), jnp.float32),
            pltpu.VMEM((POOL_REM,), jnp.int32),
            pltpu.VMEM((POOL_REM, H), jnp.float32),
            pltpu.VMEM_SHARED((G, H), jnp.float32),
            pltpu.SemaphoreType.DMA,
        ],
    )
    def pool(h_hbm, batch_hbm, zero_hbm, out_hbm, bidx, hbuf, tidx, tbuf, acc, sem):
        c = lax.axis_index("c")
        s = lax.axis_index("s")
        w = c * NS + s
        g0 = s * (G // NS)
        pltpu.sync_copy(zero_hbm.at[pl.ds(g0, G // NS)],
                        acc.at[pl.ds(g0, G // NS)])
        plsc.subcore_barrier()
        base = w * POOL_ROWS

        def body(j, carry):
            off = base + j * POOL_CHUNK
            pltpu.sync_copy(batch_hbm.at[pl.ds(off, POOL_CHUNK)], bidx)
            pltpu.sync_copy(h_hbm.at[pl.ds(off, POOL_CHUNK)], hbuf)
            pltpu.sync_copy(hbuf, acc.at[bidx], add=True)
            return carry

        lax.fori_loop(0, POOL_ROWS // POOL_CHUNK, body, 0)

        @pl.when(w == NW - 1)
        def _():
            off = NW * POOL_ROWS
            pltpu.sync_copy(batch_hbm.at[pl.ds(off, POOL_REM)], tidx)
            pltpu.sync_copy(h_hbm.at[pl.ds(off, POOL_REM)], tbuf)
            pltpu.sync_copy(tbuf, acc.at[tidx], add=True)

        plsc.subcore_barrier()
        pltpu.sync_copy(acc.at[pl.ds(g0, G // NS)],
                        out_hbm.at[c, pl.ds(g0, G // NS)])

    return pool


def _dot(a, b):
    return lax.dot_general(a, b, (((1,), (0,)), ((), ())),
                           preferred_element_type=jnp.float32)


def _bn_relu(h, g, b):
    m = jnp.mean(h, axis=0, keepdims=True)
    v = jnp.mean((h - m) ** 2, axis=0, keepdims=True)
    return jnp.maximum((h - m) / jnp.sqrt(v + 1e-5) * g + b, 0.0)


def _pre_body(x_ref, w_ref, b_ref, g_ref, be_ref, o_ref):
    h = _dot(x_ref[...], w_ref[...]) + b_ref[...]
    o_ref[...] = _bn_relu(h, g_ref[...], be_ref[...])


def _upd_body(h_ref, p_ref, dp_ref, wl_ref, wr_ref, b_ref, g_ref, be_ref, o_ref):
    deg = jnp.maximum(dp_ref[0, :, 0:1] + dp_ref[1, :, 0:1], 1.0)
    mean = (p_ref[0] + p_ref[1]) / deg
    z = (_dot(mean, wl_ref[...]) + b_ref[...]) + _dot(h_ref[...], wr_ref[...])
    o_ref[...] = _bn_relu(z, g_ref[...], be_ref[...])


def _ro_body(pp_ref, wp_ref, bp_ref, g_ref, be_ref, wr_ref, br_ref, o_ref):
    pooled = pp_ref[0] + pp_ref[1]
    hh = jnp.maximum(_dot(pooled, wp_ref[...]) + bp_ref[...], 0.0)
    hh = _bn_relu(hh, g_ref[...], be_ref[...])
    o_ref[...] = _dot(hh, wr_ref[...]) + br_ref[...]


def kernel(x, edge_index, batch, W_pre, b_pre, g_pre, be_pre, Wl0, Wr0, bl0,
           Wl, Wr, bl, bn_g, bn_b, W_post, b_post, g_post, be_post, W_ro, b_ro):
    src = edge_index[0]
    dst = edge_index[1]
    zeros32 = jnp.zeros((N, NHID), jnp.float32)
    zeros64 = jnp.zeros((N, H), jnp.float32)
    zeros_d = jnp.zeros((N, DEG_W), jnp.float32)
    ones_d = jnp.ones((CHUNK, DEG_W), jnp.float32)

    degp = _make_deg()(dst, ones_d, zeros_d)

    h0 = pl.pallas_call(
        _pre_body, out_shape=jax.ShapeDtypeStruct((N, NHID), jnp.float32),
    )(x, W_pre.T, b_pre[None], g_pre[None], be_pre[None])

    def upd(h, parts, wl_, wr_, b_, g_, be_):
        return pl.pallas_call(
            _upd_body, out_shape=jax.ShapeDtypeStruct((N, H), jnp.float32),
        )(h, parts, degp, wl_.T, wr_.T, b_[None], g_[None], be_[None])

    p = _make_agg(NHID)(h0, src, dst, zeros32)
    h = upd(h0, p, Wl0, Wr0, bl0, bn_g[0], bn_b[0])
    for i in range(4):
        p = _make_agg(H)(h, src, dst, zeros64)
        h = upd(h, p, Wl[i], Wr[i], bl[i], bn_g[i + 1], bn_b[i + 1])

    zeros_g = jnp.zeros((G, H), jnp.float32)
    pooled_p = _make_pool()(h, batch, zeros_g)
    out = pl.pallas_call(
        _ro_body, out_shape=jax.ShapeDtypeStruct((G, C), jnp.float32),
    )(pooled_p, W_post.T, b_post[None], g_post[None], be_post[None],
      W_ro.T, b_ro[None])
    return out

# --- scband reference (transcript-rebuilt; emitter-appended) ---
"""Pipeline reference for scband-graph-sage-small-49160195670362 (READ-ONLY COPY).

The authoritative reference and input builder live on the scoring server;
editing this copy changes nothing except your own understanding.
"""

import jax, jax.numpy as jnp
import numpy as np

N = 10000
E = 320000
F_IN = 128
NHID = 32
H = 64
G = 128
C = 10

def setup_inputs(seed: int = 0) -> dict:
    key = jax.random.key(seed)
    ks = jax.random.split(key, 24)
    def rn(k, shape, fan_in):
        return jax.random.normal(k, shape, dtype=jnp.float32) * (1.0 / np.sqrt(fan_in))
    x = jax.random.normal(ks[0], (N, F_IN), dtype=jnp.float32)
    edge_index = jax.random.randint(ks[1], (2, E), 0, N, dtype=jnp.int32)
    batch = jnp.sort(jax.random.randint(ks[2], (N,), 0, G, dtype=jnp.int32))
    inp = {
        'x': x,
        'edge_index': edge_index,
        'batch': batch,
        'W_pre': rn(ks[3], (NHID, F_IN), F_IN),
        'b_pre': jnp.zeros((NHID,), jnp.float32),
        'g_pre': jnp.ones((NHID,), jnp.float32),
        'be_pre': jnp.zeros((NHID,), jnp.float32),
        'Wl0': rn(ks[4], (H, NHID), NHID),
        'Wr0': rn(ks[5], (H, NHID), NHID),
        'bl0': jnp.zeros((H,), jnp.float32),
        'Wl': rn(ks[6], (4, H, H), H),
        'Wr': rn(ks[7], (4, H, H), H),
        'bl': jnp.zeros((4, H), jnp.float32),
        'bn_g': jnp.ones((5, H), jnp.float32),
        'bn_b': jnp.zeros((5, H), jnp.float32),
        'W_post': rn(ks[8], (H, H), H),
        'b_post': jnp.zeros((H,), jnp.float32),
        'g_post': jnp.ones((H,), jnp.float32),
        'be_post': jnp.zeros((H,), jnp.float32),
        'W_ro': rn(ks[9], (C, H), H),
        'b_ro': jnp.zeros((C,), jnp.float32),
    }
    return inp

def _bn(h, g, b):
    m = h.mean(axis=0)
    v = ((h - m) ** 2).mean(axis=0)
    return (h - m) / jnp.sqrt(v + 1e-5) * g + b

def reference(x, edge_index, batch, W_pre, b_pre, g_pre, be_pre, Wl0, Wr0, bl0, Wl, Wr, bl, bn_g, bn_b, W_post, b_post, g_post, be_post, W_ro, b_ro):
    src = edge_index[0]
    dst = edge_index[1]
    ones = jnp.ones((E,), jnp.float32)
    deg = jax.ops.segment_sum(ones, dst, num_segments=N)
    deg = jnp.maximum(deg, 1.0)

    def sage(h, Wl_, bl_, Wr_):
        agg = jax.ops.segment_sum(h[src], dst, num_segments=N)
        mean = agg / deg[:, None]
        return mean @ Wl_.T + bl_ + h @ Wr_.T

    h = x @ W_pre.T + b_pre
    h = _bn(h, g_pre, be_pre)
    h = jax.nn.relu(h)
    h = sage(h, Wl0, bl0, Wr0)
    h = _bn(h, bn_g[0], bn_b[0])
    h = jax.nn.relu(h)
    for i in range(4):
        h = sage(h, Wl[i], bl[i], Wr[i])
        h = _bn(h, bn_g[i + 1], bn_b[i + 1])
        h = jax.nn.relu(h)
    pooled = jax.ops.segment_sum(h, batch, num_segments=G)
    h = jax.nn.relu(pooled @ W_post.T + b_post)
    h = _bn(h, g_post, be_post)
    h = jax.nn.relu(h)
    out = h @ W_ro.T + b_ro
    return out

if __name__ == "__main__":
    import jax
    _d = setup_inputs()
    print(jax.jit(kernel)(*tuple(_d.values())))

</pallas_src>

<mosaic_0001>
#map = affine_map<(d0, d1) -> (0, 0)>
#map1 = affine_map<(d0, d1) -> (0)>
#map2 = affine_map<(d0, d1) -> (0, 0, 0)>
module attributes {stable_mosaic.version = 14 : i64} {
  func.func @agg(%arg0: i32, %arg1: i32, %arg2: memref<10000x64xf32, #tpu.memory_space<hbm>>, %arg3: memref<320000xi32, #tpu.memory_space<hbm>>, %arg4: memref<320000xi32, #tpu.memory_space<hbm>>, %arg5: memref<10000x64xf32, #tpu.memory_space<hbm>>, %arg6: memref<2x10000x64xf32, #tpu.memory_space<hbm>>, %arg7: memref<80xi32, #tpu.memory_space<vmem>>, %arg8: memref<80xi32, #tpu.memory_space<vmem>>, %arg9: memref<80x64xf32, #tpu.memory_space<vmem>>, %arg10: memref<10000x64xf32, #tpu.memory_space<vmem_shared>>, %arg11: memref<!tpu.dma_semaphore, #tpu.memory_space<semaphore_mem>>) attributes {dimension_semantics = [#tpu.dimension_semantics<core_parallel>, #tpu.dimension_semantics<subcore_parallel>], iteration_bounds = array<i64: 2, 16>, scalar_prefetch = 0 : i64, scratch_operands = 5 : i64, tpu.core_type = #tpu.core_type<sc_vector_subcore>, window_params = [{transform_indices = #map}, {transform_indices = #map1}, {transform_indices = #map1}, {transform_indices = #map}, {transform_indices = #map2}]} {
    %mul3A = arith.constant 16 : i32
    %mul3A_0 = arith.muli %arg0, %mul3A : i32
    %add3A = arith.addi %mul3A_0, %arg1 : i32
    %mul3A_1 = arith.constant 624 : i32
    %mul3A_2 = arith.muli %arg1, %mul3A_1 : i32
    "tpu.region"() ({
      %run_scoped3A = tpu.sem_alloc : memref<!tpu.dma_semaphore, #tpu.memory_space<semaphore_mem>>
      %dma_start3A = arith.constant 0 : i32
      %dma_start3A_20 = tpu.memref_slice %arg10[%mul3A_2, %dma_start3A] : memref<10000x64xf32, #tpu.memory_space<vmem_shared>> -> memref<624x64xf32, #tpu.memory_space<vmem_shared>>
      %dma_start3A_21 = arith.constant 0 : i32
      %dma_start3A_22 = tpu.memref_slice %arg5[%mul3A_2, %dma_start3A_21] : memref<10000x64xf32, #tpu.memory_space<hbm>> -> memref<624x64xf32, #tpu.memory_space<hbm>>
      tpu.enqueue_dma source(%dma_start3A_22 : memref<624x64xf32, #tpu.memory_space<hbm>>) target(%dma_start3A_20 : memref<624x64xf32, #tpu.memory_space<vmem_shared>>) target_semaphore(%run_scoped3A : memref<!tpu.dma_semaphore, #tpu.memory_space<semaphore_mem>>)
      %dma_wait3A = arith.constant 0 : i32
      %dma_wait3A_23 = tpu.memref_slice %arg10[%mul3A_2, %dma_wait3A] : memref<10000x64xf32, #tpu.memory_space<vmem_shared>> -> memref<624x64xf32, #tpu.memory_space<vmem_shared>>
      %dma_wait3A_24 = arith.constant 0 : i32
      %dma_wait3A_25 = tpu.memref_slice %arg5[%mul3A_2, %dma_wait3A_24] : memref<10000x64xf32, #tpu.memory_space<hbm>> -> memref<624x64xf32, #tpu.memory_space<hbm>>
      tpu.wait_dma2 semaphore(%run_scoped3A : memref<!tpu.dma_semaphore, #tpu.memory_space<semaphore_mem>>) src(%dma_wait3A_25 : memref<624x64xf32, #tpu.memory_space<hbm>>) dst(%dma_wait3A_23 : memref<624x64xf32, #tpu.memory_space<vmem_shared>>)
      tpu.yield
    }) : () -> ()
    %eq3A = arith.constant 15 : i32
    %eq3A_3 = arith.cmpi eq, %arg1, %eq3A : i32
    %convert_element_type3A = arith.extui %eq3A_3 : i1 to i32
    %cond3A = arith.constant 0 : i32
    %cond3A_4 = arith.cmpi ne, %convert_element_type3A, %cond3A : i32
    scf.if %cond3A_4 {
      "tpu.region"() ({
        %run_scoped3A = tpu.sem_alloc : memref<!tpu.dma_semaphore, #tpu.memory_space<semaphore_mem>>
        %dma_start3A = arith.constant 9984 : i32
        %dma_start3A_20 = arith.constant 0 : i32
        %dma_start3A_21 = tpu.memref_slice %arg10[%dma_start3A, %dma_start3A_20] : memref<10000x64xf32, #tpu.memory_space<vmem_shared>> -> memref<16x64xf32, #tpu.memory_space<vmem_shared>>
        %dma_start3A_22 = arith.constant 9984 : i32
        %dma_start3A_23 = arith.constant 0 : i32
        %dma_start3A_24 = tpu.memref_slice %arg5[%dma_start3A_22, %dma_start3A_23] : memref<10000x64xf32, #tpu.memory_space<hbm>> -> memref<16x64xf32, #tpu.memory_space<hbm>>
        tpu.enqueue_dma source(%dma_start3A_24 : memref<16x64xf32, #tpu.memory_space<hbm>>) target(%dma_start3A_21 : memref<16x64xf32, #tpu.memory_space<vmem_shared>>) target_semaphore(%run_scoped3A : memref<!tpu.dma_semaphore, #tpu.memory_space<semaphore_mem>>)
        %dma_wait3A = arith.constant 9984 : i32
        %dma_wait3A_25 = arith.constant 0 : i32
        %dma_wait3A_26 = tpu.memref_slice %arg10[%dma_wait3A, %dma_wait3A_25] : memref<10000x64xf32, #tpu.memory_space<vmem_shared>> -> memref<16x64xf32, #tpu.memory_space<vmem_shared>>
        %dma_wait3A_27 = arith.constant 9984 : i32
        %dma_wait3A_28 = arith.constant 0 : i32
        %dma_wait3A_29 = tpu.memref_slice %arg5[%dma_wait3A_27, %dma_wait3A_28] : memref<10000x64xf32, #tpu.memory_space<hbm>> -> memref<16x64xf32, #tpu.memory_space<hbm>>
        tpu.wait_dma2 semaphore(%run_scoped3A : memref<!tpu.dma_semaphore, #tpu.memory_space<semaphore_mem>>) src(%dma_wait3A_29 : memref<16x64xf32, #tpu.memory_space<hbm>>) dst(%dma_wait3A_26 : memref<16x64xf32, #tpu.memory_space<vmem_shared>>)
        tpu.yield
      }) : () -> ()
    } else {
    }
    %barrier3A = arith.constant 0 : index
    tpu.barrier barrier_id(%barrier3A)
    %mul3A_5 = arith.constant 10000 : i32
    %mul3A_6 = arith.muli %add3A, %mul3A_5 : i32
    %scan3A = arith.constant 0 : i32
    %scan3A_7 = arith.constant 0 : i32
    %scan3A_8 = arith.constant 125 : i32
    %scan3A_9 = arith.addi %scan3A_7, %scan3A_8 : i32
    %scan3A_10 = arith.constant 1 : i32
    scf.for %scan3A_20 = %scan3A_7 to %scan3A_9 step %scan3A_10  : i32 {
      %mul3A_21 = arith.constant 80 : i32
      %mul3A_22 = arith.muli %scan3A_20, %mul3A_21 : i32
      %add3A_23 = arith.addi %mul3A_6, %mul3A_22 : i32
      "tpu.region"() ({
        %run_scoped3A = tpu.sem_alloc : memref<!tpu.dma_semaphore, #tpu.memory_space<semaphore_mem>>
        %dma_start3A_28 = tpu.memref_slice %arg3[%add3A_23] : memref<320000xi32, #tpu.memory_space<hbm>> -> memref<80xi32, #tpu.memory_space<hbm>>
        %dma_start3A_29 = tpu.memref_slice %arg3[%add3A_23] : memref<320000xi32, #tpu.memory_space<hbm>> -> memref<80xi32, #tpu.memory_space<hbm>>
        tpu.enqueue_dma source(%dma_start3A_29 : memref<80xi32, #tpu.memory_space<hbm>>) target(%arg7 : memref<80xi32, #tpu.memory_space<vmem>>) target_semaphore(%run_scoped3A : memref<!tpu.dma_semaphore, #tpu.memory_space<semaphore_mem>>)
        %dma_wait3A_30 = tpu.memref_slice %arg3[%add3A_23] : memref<320000xi32, #tpu.memory_space<hbm>> -> memref<80xi32, #tpu.memory_space<hbm>>
        %dma_wait3A_31 = tpu.memref_slice %arg3[%add3A_23] : memref<320000xi32, #tpu.memory_space<hbm>> -> memref<80xi32, #tpu.memory_space<hbm>>
        tpu.wait_dma2 semaphore(%run_scoped3A : memref<!tpu.dma_semaphore, #tpu.memory_space<semaphore_mem>>) src(%dma_wait3A_31 : memref<80xi32, #tpu.memory_space<hbm>>) dst(%arg7 : memref<80xi32, #tpu.memory_space<vmem>>)
        tpu.yield
      }) : () -> ()
      "tpu.region"() ({
        %run_scoped3A = tpu.sem_alloc : memref<!tpu.dma_semaphore, #tpu.memory_space<semaphore_mem>>
        %dma_start3A_28 = tpu.memref_slice %arg4[%add3A_23] : memref<320000xi32, #tpu.memory_space<hbm>> -> memref<80xi32, #tpu.memory_space<hbm>>
        %dma_start3A_29 = tpu.memref_slice %arg4[%add3A_23] : memref<320000xi32, #tpu.memory_space<hbm>> -> memref<80xi32, #tpu.memory_space<hbm>>
        tpu.enqueue_dma source(%dma_start3A_29 : memref<80xi32, #tpu.memory_space<hbm>>) target(%arg8 : memref<80xi32, #tpu.memory_space<vmem>>) target_semaphore(%run_scoped3A : memref<!tpu.dma_semaphore, #tpu.memory_space<semaphore_mem>>)
        %dma_wait3A_30 = tpu.memref_slice %arg4[%add3A_23] : memref<320000xi32, #tpu.memory_space<hbm>> -> memref<80xi32, #tpu.memory_space<hbm>>
        %dma_wait3A_31 = tpu.memref_slice %arg4[%add3A_23] : memref<320000xi32, #tpu.memory_space<hbm>> -> memref<80xi32, #tpu.memory_space<hbm>>
        tpu.wait_dma2 semaphore(%run_scoped3A : memref<!tpu.dma_semaphore, #tpu.memory_space<semaphore_mem>>) src(%dma_wait3A_31 : memref<80xi32, #tpu.memory_space<hbm>>) dst(%arg8 : memref<80xi32, #tpu.memory_space<vmem>>)
        tpu.yield
      }) : () -> ()
      %dma_start3A = arith.constant 0 : i32
      %dma_start3A_24 = arith.constant 0 : i32
      %dma_start3A_25 = tpu.memref_slice %arg2[%dma_start3A, %dma_start3A_24] : memref<10000x64xf32, #tpu.memory_space<hbm>> -> memref<10000x64xf32, #tpu.memory_space<hbm>>
      tpu.enqueue_indirect_dma source(%dma_start3A_25 : memref<10000x64xf32, #tpu.memory_space<hbm>>) target(%arg9 : memref<80x64xf32, #tpu.memory_space<vmem>>) offsets(%arg7 : memref<80xi32, #tpu.memory_space<vmem>>) semaphore(%arg11 : memref<!tpu.dma_semaphore, #tpu.memory_space<semaphore_mem>>)
      %dma_wait3A = arith.constant 0 : i32
      %dma_wait3A_26 = arith.constant 0 : i32
      %dma_wait3A_27 = tpu.memref_slice %arg2[%dma_wait3A, %dma_wait3A_26] : memref<10000x64xf32, #tpu.memory_space<hbm>> -> memref<10000x64xf32, #tpu.memory_space<hbm>>
      tpu.wait_indirect_dma semaphore(%arg11 : memref<!tpu.dma_semaphore, #tpu.memory_space<semaphore_mem>>) src(%dma_wait3A_27 : memref<10000x64xf32, #tpu.memory_space<hbm>>) dst(%arg9 : memref<80x64xf32, #tpu.memory_space<vmem>>)
      "tpu.region"() ({
        %run_scoped3A = tpu.sem_alloc : memref<!tpu.dma_semaphore, #tpu.memory_space<semaphore_mem>>
        %dma_start3A_28 = arith.constant 0 : i32
        %dma_start3A_29 = arith.constant 0 : i32
        %dma_start3A_30 = tpu.memref_slice %arg10[%dma_start3A_28, %dma_start3A_29] : memref<10000x64xf32, #tpu.memory_space<vmem_shared>> -> memref<10000x64xf32, #tpu.memory_space<vmem_shared>>
        tpu.enqueue_indirect_dma source(%arg9 : memref<80x64xf32, #tpu.memory_space<vmem>>) target(%dma_start3A_30 : memref<10000x64xf32, #tpu.memory_space<vmem_shared>>) offsets(%arg8 : memref<80xi32, #tpu.memory_space<vmem>>) semaphore(%run_scoped3A : memref<!tpu.dma_semaphore, #tpu.memory_space<semaphore_mem>>) {add = true}
        %dma_wait3A_31 = arith.constant 0 : i32
        %dma_wait3A_32 = arith.constant 0 : i32
        %dma_wait3A_33 = tpu.memref_slice %arg10[%dma_wait3A_31, %dma_wait3A_32] : memref<10000x64xf32, #tpu.memory_space<vmem_shared>> -> memref<10000x64xf32, #tpu.memory_space<vmem_shared>>
        tpu.wait_indirect_dma semaphore(%run_scoped3A : memref<!tpu.dma_semaphore, #tpu.memory_space<semaphore_mem>>) src(%arg9 : memref<80x64xf32, #tpu.memory_space<vmem>>) dst(%dma_wait3A_33 : memref<10000x64xf32, #tpu.memory_space<vmem_shared>>)
        tpu.yield
      }) : () -> ()
    }
    %scan3A_11 = arith.constant 125 : i32
    %barrier3A_12 = arith.constant 0 : index
    tpu.barrier barrier_id(%barrier3A_12)
    %mul3A_13 = arith.constant 624 : i32
    %mul3A_14 = arith.muli %arg1, %mul3A_13 : i32
    "tpu.region"() ({
      %run_scoped3A = tpu.sem_alloc : memref<!tpu.dma_semaphore, #tpu.memory_space<semaphore_mem>>
      %dma_start3A = arith.constant 0 : i32
      %dma_start3A_20 = tpu.memref_slice %arg6[%arg0, %mul3A_14, %dma_start3A] : memref<2x10000x64xf32, #tpu.memory_space<hbm>> -> memref<1x624x64xf32, #tpu.memory_space<hbm>>
      %dma_start3A_21 = tpu.memref_squeeze %dma_start3A_20 : memref<1x624x64xf32, #tpu.memory_space<hbm>> -> memref<624x64xf32, #tpu.memory_space<hbm>>
      %dma_start3A_22 = arith.constant 0 : i32
      %dma_start3A_23 = tpu.memref_slice %arg10[%mul3A_14, %dma_start3A_22] : memref<10000x64xf32, #tpu.memory_space<vmem_shared>> -> memref<624x64xf32, #tpu.memory_space<vmem_shared>>
      tpu.enqueue_dma source(%dma_start3A_23 : memref<624x64xf32, #tpu.memory_space<vmem_shared>>) target(%dma_start3A_21 : memref<624x64xf32, #tpu.memory_space<hbm>>) target_semaphore(%run_scoped3A : memref<!tpu.dma_semaphore, #tpu.memory_space<semaphore_mem>>)
      %dma_wait3A = arith.constant 0 : i32
      %dma_wait3A_24 = tpu.memref_slice %arg6[%arg0, %mul3A_14, %dma_wait3A] : memref<2x10000x64xf32, #tpu.memory_space<hbm>> -> memref<1x624x64xf32, #tpu.memory_space<hbm>>
      %dma_wait3A_25 = tpu.memref_squeeze %dma_wait3A_24 : memref<1x624x64xf32, #tpu.memory_space<hbm>> -> memref<624x64xf32, #tpu.memory_space<hbm>>
      %dma_wait3A_26 = arith.constant 0 : i32
      %dma_wait3A_27 = tpu.memref_slice %arg10[%mul3A_14, %dma_wait3A_26] : memref<10000x64xf32, #tpu.memory_space<vmem_shared>> -> memref<624x64xf32, #tpu.memory_space<vmem_shared>>
      tpu.wait_dma2 semaphore(%run_scoped3A : memref<!tpu.dma_semaphore, #tpu.memory_space<semaphore_mem>>) src(%dma_wait3A_27 : memref<624x64xf32, #tpu.memory_space<vmem_shared>>) dst(%dma_wait3A_25 : memref<624x64xf32, #tpu.memory_space<hbm>>)
      tpu.yield
    }) : () -> ()
    %eq3A_15 = arith.constant 15 : i32
    %eq3A_16 = arith.cmpi eq, %arg1, %eq3A_15 : i32
    %convert_element_type3A_17 = arith.extui %eq3A_16 : i1 to i32
    %cond3A_18 = arith.constant 0 : i32
    %cond3A_19 = arith.cmpi ne, %convert_element_type3A_17, %cond3A_18 : i32
    scf.if %cond3A_19 {
      "tpu.region"() ({
        %run_scoped3A = tpu.sem_alloc : memref<!tpu.dma_semaphore, #tpu.memory_space<semaphore_mem>>
        %dma_start3A = arith.constant 9984 : i32
        %dma_start3A_20 = arith.constant 0 : i32
        %dma_start3A_21 = tpu.memref_slice %arg6[%arg0, %dma_start3A, %dma_start3A_20] : memref<2x10000x64xf32, #tpu.memory_space<hbm>> -> memref<1x16x64xf32, #tpu.memory_space<hbm>>
        %dma_start3A_22 = tpu.memref_squeeze %dma_start3A_21 : memref<1x16x64xf32, #tpu.memory_space<hbm>> -> memref<16x64xf32, #tpu.memory_space<hbm>>
        %dma_start3A_23 = arith.constant 9984 : i32
        %dma_start3A_24 = arith.constant 0 : i32
        %dma_start3A_25 = tpu.memref_slice %arg10[%dma_start3A_23, %dma_start3A_24] : memref<10000x64xf32, #tpu.memory_space<vmem_shared>> -> memref<16x64xf32, #tpu.memory_space<vmem_shared>>
        tpu.enqueue_dma source(%dma_start3A_25 : memref<16x64xf32, #tpu.memory_space<vmem_shared>>) target(%dma_start3A_22 : memref<16x64xf32, #tpu.memory_space<hbm>>) target_semaphore(%run_scoped3A : memref<!tpu.dma_semaphore, #tpu.memory_space<semaphore_mem>>)
        %dma_wait3A = arith.constant 9984 : i32
        %dma_wait3A_26 = arith.constant 0 : i32
        %dma_wait3A_27 = tpu.memref_slice %arg6[%arg0, %dma_wait3A, %dma_wait3A_26] : memref<2x10000x64xf32, #tpu.memory_space<hbm>> -> memref<1x16x64xf32, #tpu.memory_space<hbm>>
        %dma_wait3A_28 = tpu.memref_squeeze %dma_wait3A_27 : memref<1x16x64xf32, #tpu.memory_space<hbm>> -> memref<16x64xf32, #tpu.memory_space<hbm>>
        %dma_wait3A_29 = arith.constant 9984 : i32
        %dma_wait3A_30 = arith.constant 0 : i32
        %dma_wait3A_31 = tpu.memref_slice %arg10[%dma_wait3A_29, %dma_wait3A_30] : memref<10000x64xf32, #tpu.memory_space<vmem_shared>> -> memref<16x64xf32, #tpu.memory_space<vmem_shared>>
        tpu.wait_dma2 semaphore(%run_scoped3A : memref<!tpu.dma_semaphore, #tpu.memory_space<semaphore_mem>>) src(%dma_wait3A_31 : memref<16x64xf32, #tpu.memory_space<vmem_shared>>) dst(%dma_wait3A_28 : memref<16x64xf32, #tpu.memory_space<hbm>>)
        tpu.yield
      }) : () -> ()
    } else {
    }
    return
  }
}

#map = affine_map<(d0, d1) -> (0, 0)>
#map1 = affine_map<(d0, d1) -> (0)>
#map2 = affine_map<(d0, d1) -> (0, 0, 0)>
module attributes {stable_mosaic.version = 14 : i64} {
  func.func @agg(%arg0: i32, %arg1: i32, %arg2: memref<10000x32xf32, #tpu.memory_space<hbm>>, %arg3: memref<320000xi32, #tpu.memory_space<hbm>>, %arg4: memref<320000xi32, #tpu.memory_space<hbm>>, %arg5: memref<10000x32xf32, #tpu.memory_space<hbm>>, %arg6: memref<2x10000x32xf32, #tpu.memory_space<hbm>>, %arg7: memref<80xi32, #tpu.memory_space<vmem>>, %arg8: memref<80xi32, #tpu.memory_space<vmem>>, %arg9: memref<80x32xf32, #tpu.memory_space<vmem>>, %arg10: memref<10000x32xf32, #tpu.memory_space<vmem_shared>>, %arg11: memref<!tpu.dma_semaphore, #tpu.memory_space<semaphore_mem>>) attributes {dimension_semantics = [#tpu.dimension_semantics<core_parallel>, #tpu.dimension_semantics<subcore_parallel>], iteration_bounds = array<i64: 2, 16>, scalar_prefetch = 0 : i64, scratch_operands = 5 : i64, tpu.core_type = #tpu.core_type<sc_vector_subcore>, window_params = [{transform_indices = #map}, {transform_indices = #map1}, {transform_indices = #map1}, {transform_indices = #map}, {transform_indices = #map2}]} {
    %mul3A = arith.constant 16 : i32
    %mul3A_0 = arith.muli %arg0, %mul3A : i32
    %add3A = arith.addi %mul3A_0, %arg1 : i32
    %mul3A_1 = arith.constant 624 : i32
    %mul3A_2 = arith.muli %arg1, %mul3A_1 : i32
    "tpu.region"() ({
      %run_scoped3A = tpu.sem_alloc : memref<!tpu.dma_semaphore, #tpu.memory_space<semaphore_mem>>
      %dma_start3A = arith.constant 0 : i32
      %dma_start3A_20 = tpu.memref_slice %arg10[%mul3A_2, %dma_start3A] : memref<10000x32xf32, #tpu.memory_space<vmem_shared>> -> memref<624x32xf32, #tpu.memory_space<vmem_shared>>
      %dma_start3A_21 = arith.constant 0 : i32
      %dma_start3A_22 = tpu.memref_slice %arg5[%mul3A_2, %dma_start3A_21] : memref<10000x32xf32, #tpu.memory_space<hbm>> -> memref<624x32xf32, #tpu.memory_space<hbm>>
      tpu.enqueue_dma source(%dma_start3A_22 : memref<624x32xf32, #tpu.memory_space<hbm>>) target(%dma_start3A_20 : memref<624x32xf32, #tpu.memory_space<vmem_shared>>) target_semaphore(%run_scoped3A : memref<!tpu.dma_semaphore, #tpu.memory_space<semaphore_mem>>)
      %dma_wait3A = arith.constant 0 : i32
      %dma_wait3A_23 = tpu.memref_slice %arg10[%mul3A_2, %dma_wait3A] : memref<10000x32xf32, #tpu.memory_space<vmem_shared>> -> memref<624x32xf32, #tpu.memory_space<vmem_shared>>
      %dma_wait3A_24 = arith.constant 0 : i32
      %dma_wait3A_25 = tpu.memref_slice %arg5[%mul3A_2, %dma_wait3A_24] : memref<10000x32xf32, #tpu.memory_space<hbm>> -> memref<624x32xf32, #tpu.memory_space<hbm>>
      tpu.wait_dma2 semaphore(%run_scoped3A : memref<!tpu.dma_semaphore, #tpu.memory_space<semaphore_mem>>) src(%dma_wait3A_25 : memref<624x32xf32, #tpu.memory_space<hbm>>) dst(%dma_wait3A_23 : memref<624x32xf32, #tpu.memory_space<vmem_shared>>)
      tpu.yield
    }) : () -> ()
    %eq3A = arith.constant 15 : i32
    %eq3A_3 = arith.cmpi eq, %arg1, %eq3A : i32
    %convert_element_type3A = arith.extui %eq3A_3 : i1 to i32
    %cond3A = arith.constant 0 : i32
    %cond3A_4 = arith.cmpi ne, %convert_element_type3A, %cond3A : i32
    scf.if %cond3A_4 {
      "tpu.region"() ({
        %run_scoped3A = tpu.sem_alloc : memref<!tpu.dma_semaphore, #tpu.memory_space<semaphore_mem>>
        %dma_start3A = arith.constant 9984 : i32
        %dma_start3A_20 = arith.constant 0 : i32
        %dma_start3A_21 = tpu.memref_slice %arg10[%dma_start3A, %dma_start3A_20] : memref<10000x32xf32, #tpu.memory_space<vmem_shared>> -> memref<16x32xf32, #tpu.memory_space<vmem_shared>>
        %dma_start3A_22 = arith.constant 9984 : i32
        %dma_start3A_23 = arith.constant 0 : i32
        %dma_start3A_24 = tpu.memref_slice %arg5[%dma_start3A_22, %dma_start3A_23] : memref<10000x32xf32, #tpu.memory_space<hbm>> -> memref<16x32xf32, #tpu.memory_space<hbm>>
        tpu.enqueue_dma source(%dma_start3A_24 : memref<16x32xf32, #tpu.memory_space<hbm>>) target(%dma_start3A_21 : memref<16x32xf32, #tpu.memory_space<vmem_shared>>) target_semaphore(%run_scoped3A : memref<!tpu.dma_semaphore, #tpu.memory_space<semaphore_mem>>)
        %dma_wait3A = arith.constant 9984 : i32
        %dma_wait3A_25 = arith.constant 0 : i32
        %dma_wait3A_26 = tpu.memref_slice %arg10[%dma_wait3A, %dma_wait3A_25] : memref<10000x32xf32, #tpu.memory_space<vmem_shared>> -> memref<16x32xf32, #tpu.memory_space<vmem_shared>>
        %dma_wait3A_27 = arith.constant 9984 : i32
        %dma_wait3A_28 = arith.constant 0 : i32
        %dma_wait3A_29 = tpu.memref_slice %arg5[%dma_wait3A_27, %dma_wait3A_28] : memref<10000x32xf32, #tpu.memory_space<hbm>> -> memref<16x32xf32, #tpu.memory_space<hbm>>
        tpu.wait_dma2 semaphore(%run_scoped3A : memref<!tpu.dma_semaphore, #tpu.memory_space<semaphore_mem>>) src(%dma_wait3A_29 : memref<16x32xf32, #tpu.memory_space<hbm>>) dst(%dma_wait3A_26 : memref<16x32xf32, #tpu.memory_space<vmem_shared>>)
        tpu.yield
      }) : () -> ()
    } else {
    }
    %barrier3A = arith.constant 0 : index
    tpu.barrier barrier_id(%barrier3A)
    %mul3A_5 = arith.constant 10000 : i32
    %mul3A_6 = arith.muli %add3A, %mul3A_5 : i32
    %scan3A = arith.constant 0 : i32
    %scan3A_7 = arith.constant 0 : i32
    %scan3A_8 = arith.constant 125 : i32
    %scan3A_9 = arith.addi %scan3A_7, %scan3A_8 : i32
    %scan3A_10 = arith.constant 1 : i32
    scf.for %scan3A_20 = %scan3A_7 to %scan3A_9 step %scan3A_10  : i32 {
      %mul3A_21 = arith.constant 80 : i32
      %mul3A_22 = arith.muli %scan3A_20, %mul3A_21 : i32
      %add3A_23 = arith.addi %mul3A_6, %mul3A_22 : i32
      "tpu.region"() ({
        %run_scoped3A = tpu.sem_alloc : memref<!tpu.dma_semaphore, #tpu.memory_space<semaphore_mem>>
        %dma_start3A_28 = tpu.memref_slice %arg3[%add3A_23] : memref<320000xi32, #tpu.memory_space<hbm>> -> memref<80xi32, #tpu.memory_space<hbm>>
        %dma_start3A_29 = tpu.memref_slice %arg3[%add3A_23] : memref<320000xi32, #tpu.memory_space<hbm>> -> memref<80xi32, #tpu.memory_space<hbm>>
        tpu.enqueue_dma source(%dma_start3A_29 : memref<80xi32, #tpu.memory_space<hbm>>) target(%arg7 : memref<80xi32, #tpu.memory_space<vmem>>) target_semaphore(%run_scoped3A : memref<!tpu.dma_semaphore, #tpu.memory_space<semaphore_mem>>)
        %dma_wait3A_30 = tpu.memref_slice %arg3[%add3A_23] : memref<320000xi32, #tpu.memory_space<hbm>> -> memref<80xi32, #tpu.memory_space<hbm>>
        %dma_wait3A_31 = tpu.memref_slice %arg3[%add3A_23] : memref<320000xi32, #tpu.memory_space<hbm>> -> memref<80xi32, #tpu.memory_space<hbm>>
        tpu.wait_dma2 semaphore(%run_scoped3A : memref<!tpu.dma_semaphore, #tpu.memory_space<semaphore_mem>>) src(%dma_wait3A_31 : memref<80xi32, #tpu.memory_space<hbm>>) dst(%arg7 : memref<80xi32, #tpu.memory_space<vmem>>)
        tpu.yield
      }) : () -> ()
      "tpu.region"() ({
        %run_scoped3A = tpu.sem_alloc : memref<!tpu.dma_semaphore, #tpu.memory_space<semaphore_mem>>
        %dma_start3A_28 = tpu.memref_slice %arg4[%add3A_23] : memref<320000xi32, #tpu.memory_space<hbm>> -> memref<80xi32, #tpu.memory_space<hbm>>
        %dma_start3A_29 = tpu.memref_slice %arg4[%add3A_23] : memref<320000xi32, #tpu.memory_space<hbm>> -> memref<80xi32, #tpu.memory_space<hbm>>
        tpu.enqueue_dma source(%dma_start3A_29 : memref<80xi32, #tpu.memory_space<hbm>>) target(%arg8 : memref<80xi32, #tpu.memory_space<vmem>>) target_semaphore(%run_scoped3A : memref<!tpu.dma_semaphore, #tpu.memory_space<semaphore_mem>>)
        %dma_wait3A_30 = tpu.memref_slice %arg4[%add3A_23] : memref<320000xi32, #tpu.memory_space<hbm>> -> memref<80xi32, #tpu.memory_space<hbm>>
        %dma_wait3A_31 = tpu.memref_slice %arg4[%add3A_23] : memref<320000xi32, #tpu.memory_space<hbm>> -> memref<80xi32, #tpu.memory_space<hbm>>
        tpu.wait_dma2 semaphore(%run_scoped3A : memref<!tpu.dma_semaphore, #tpu.memory_space<semaphore_mem>>) src(%dma_wait3A_31 : memref<80xi32, #tpu.memory_space<hbm>>) dst(%arg8 : memref<80xi32, #tpu.memory_space<vmem>>)
        tpu.yield
      }) : () -> ()
      %dma_start3A = arith.constant 0 : i32
      %dma_start3A_24 = arith.constant 0 : i32
      %dma_start3A_25 = tpu.memref_slice %arg2[%dma_start3A, %dma_start3A_24] : memref<10000x32xf32, #tpu.memory_space<hbm>> -> memref<10000x32xf32, #tpu.memory_space<hbm>>
      tpu.enqueue_indirect_dma source(%dma_start3A_25 : memref<10000x32xf32, #tpu.memory_space<hbm>>) target(%arg9 : memref<80x32xf32, #tpu.memory_space<vmem>>) offsets(%arg7 : memref<80xi32, #tpu.memory_space<vmem>>) semaphore(%arg11 : memref<!tpu.dma_semaphore, #tpu.memory_space<semaphore_mem>>)
      %dma_wait3A = arith.constant 0 : i32
      %dma_wait3A_26 = arith.constant 0 : i32
      %dma_wait3A_27 = tpu.memref_slice %arg2[%dma_wait3A, %dma_wait3A_26] : memref<10000x32xf32, #tpu.memory_space<hbm>> -> memref<10000x32xf32, #tpu.memory_space<hbm>>
      tpu.wait_indirect_dma semaphore(%arg11 : memref<!tpu.dma_semaphore, #tpu.memory_space<semaphore_mem>>) src(%dma_wait3A_27 : memref<10000x32xf32, #tpu.memory_space<hbm>>) dst(%arg9 : memref<80x32xf32, #tpu.memory_space<vmem>>)
      "tpu.region"() ({
        %run_scoped3A = tpu.sem_alloc : memref<!tpu.dma_semaphore, #tpu.memory_space<semaphore_mem>>
        %dma_start3A_28 = arith.constant 0 : i32
        %dma_start3A_29 = arith.constant 0 : i32
        %dma_start3A_30 = tpu.memref_slice %arg10[%dma_start3A_28, %dma_start3A_29] : memref<10000x32xf32, #tpu.memory_space<vmem_shared>> -> memref<10000x32xf32, #tpu.memory_space<vmem_shared>>
        tpu.enqueue_indirect_dma source(%arg9 : memref<80x32xf32, #tpu.memory_space<vmem>>) target(%dma_start3A_30 : memref<10000x32xf32, #tpu.memory_space<vmem_shared>>) offsets(%arg8 : memref<80xi32, #tpu.memory_space<vmem>>) semaphore(%run_scoped3A : memref<!tpu.dma_semaphore, #tpu.memory_space<semaphore_mem>>) {add = true}
        %dma_wait3A_31 = arith.constant 0 : i32
        %dma_wait3A_32 = arith.constant 0 : i32
        %dma_wait3A_33 = tpu.memref_slice %arg10[%dma_wait3A_31, %dma_wait3A_32] : memref<10000x32xf32, #tpu.memory_space<vmem_shared>> -> memref<10000x32xf32, #tpu.memory_space<vmem_shared>>
        tpu.wait_indirect_dma semaphore(%run_scoped3A : memref<!tpu.dma_semaphore, #tpu.memory_space<semaphore_mem>>) src(%arg9 : memref<80x32xf32, #tpu.memory_space<vmem>>) dst(%dma_wait3A_33 : memref<10000x32xf32, #tpu.memory_space<vmem_shared>>)
        tpu.yield
      }) : () -> ()
    }
    %scan3A_11 = arith.constant 125 : i32
    %barrier3A_12 = arith.constant 0 : index
    tpu.barrier barrier_id(%barrier3A_12)
    %mul3A_13 = arith.constant 624 : i32
    %mul3A_14 = arith.muli %arg1, %mul3A_13 : i32
    "tpu.region"() ({
      %run_scoped3A = tpu.sem_alloc : memref<!tpu.dma_semaphore, #tpu.memory_space<semaphore_mem>>
      %dma_start3A = arith.constant 0 : i32
      %dma_start3A_20 = tpu.memref_slice %arg6[%arg0, %mul3A_14, %dma_start3A] : memref<2x10000x32xf32, #tpu.memory_space<hbm>> -> memref<1x624x32xf32, #tpu.memory_space<hbm>>
      %dma_start3A_21 = tpu.memref_squeeze %dma_start3A_20 : memref<1x624x32xf32, #tpu.memory_space<hbm>> -> memref<624x32xf32, #tpu.memory_space<hbm>>
      %dma_start3A_22 = arith.constant 0 : i32
      %dma_start3A_23 = tpu.memref_slice %arg10[%mul3A_14, %dma_start3A_22] : memref<10000x32xf32, #tpu.memory_space<vmem_shared>> -> memref<624x32xf32, #tpu.memory_space<vmem_shared>>
      tpu.enqueue_dma source(%dma_start3A_23 : memref<624x32xf32, #tpu.memory_space<vmem_shared>>) target(%dma_start3A_21 : memref<624x32xf32, #tpu.memory_space<hbm>>) target_semaphore(%run_scoped3A : memref<!tpu.dma_semaphore, #tpu.memory_space<semaphore_mem>>)
      %dma_wait3A = arith.constant 0 : i32
      %dma_wait3A_24 = tpu.memref_slice %arg6[%arg0, %mul3A_14, %dma_wait3A] : memref<2x10000x32xf32, #tpu.memory_space<hbm>> -> memref<1x624x32xf32, #tpu.memory_space<hbm>>
      %dma_wait3A_25 = tpu.memref_squeeze %dma_wait3A_24 : memref<1x624x32xf32, #tpu.memory_space<hbm>> -> memref<624x32xf32, #tpu.memory_space<hbm>>
      %dma_wait3A_26 = arith.constant 0 : i32
      %dma_wait3A_27 = tpu.memref_slice %arg10[%mul3A_14, %dma_wait3A_26] : memref<10000x32xf32, #tpu.memory_space<vmem_shared>> -> memref<624x32xf32, #tpu.memory_space<vmem_shared>>
      tpu.wait_dma2 semaphore(%run_scoped3A : memref<!tpu.dma_semaphore, #tpu.memory_space<semaphore_mem>>) src(%dma_wait3A_27 : memref<624x32xf32, #tpu.memory_space<vmem_shared>>) dst(%dma_wait3A_25 : memref<624x32xf32, #tpu.memory_space<hbm>>)
      tpu.yield
    }) : () -> ()
    %eq3A_15 = arith.constant 15 : i32
    %eq3A_16 = arith.cmpi eq, %arg1, %eq3A_15 : i32
    %convert_element_type3A_17 = arith.extui %eq3A_16 : i1 to i32
    %cond3A_18 = arith.constant 0 : i32
    %cond3A_19 = arith.cmpi ne, %convert_element_type3A_17, %cond3A_18 : i32
    scf.if %cond3A_19 {
      "tpu.region"() ({
        %run_scoped3A = tpu.sem_alloc : memref<!tpu.dma_semaphore, #tpu.memory_space<semaphore_mem>>
        %dma_start3A = arith.constant 9984 : i32
        %dma_start3A_20 = arith.constant 0 : i32
        %dma_start3A_21 = tpu.memref_slice %arg6[%arg0, %dma_start3A, %dma_start3A_20] : memref<2x10000x32xf32, #tpu.memory_space<hbm>> -> memref<1x16x32xf32, #tpu.memory_space<hbm>>
        %dma_start3A_22 = tpu.memref_squeeze %dma_start3A_21 : memref<1x16x32xf32, #tpu.memory_space<hbm>> -> memref<16x32xf32, #tpu.memory_space<hbm>>
        %dma_start3A_23 = arith.constant 9984 : i32
        %dma_start3A_24 = arith.constant 0 : i32
        %dma_start3A_25 = tpu.memref_slice %arg10[%dma_start3A_23, %dma_start3A_24] : memref<10000x32xf32, #tpu.memory_space<vmem_shared>> -> memref<16x32xf32, #tpu.memory_space<vmem_shared>>
        tpu.enqueue_dma source(%dma_start3A_25 : memref<16x32xf32, #tpu.memory_space<vmem_shared>>) target(%dma_start3A_22 : memref<16x32xf32, #tpu.memory_space<hbm>>) target_semaphore(%run_scoped3A : memref<!tpu.dma_semaphore, #tpu.memory_space<semaphore_mem>>)
        %dma_wait3A = arith.constant 9984 : i32
        %dma_wait3A_26 = arith.constant 0 : i32
        %dma_wait3A_27 = tpu.memref_slice %arg6[%arg0, %dma_wait3A, %dma_wait3A_26] : memref<2x10000x32xf32, #tpu.memory_space<hbm>> -> memref<1x16x32xf32, #tpu.memory_space<hbm>>
        %dma_wait3A_28 = tpu.memref_squeeze %dma_wait3A_27 : memref<1x16x32xf32, #tpu.memory_space<hbm>> -> memref<16x32xf32, #tpu.memory_space<hbm>>
        %dma_wait3A_29 = arith.constant 9984 : i32
        %dma_wait3A_30 = arith.constant 0 : i32
        %dma_wait3A_31 = tpu.memref_slice %arg10[%dma_wait3A_29, %dma_wait3A_30] : memref<10000x32xf32, #tpu.memory_space<vmem_shared>> -> memref<16x32xf32, #tpu.memory_space<vmem_shared>>
        tpu.wait_dma2 semaphore(%run_scoped3A : memref<!tpu.dma_semaphore, #tpu.memory_space<semaphore_mem>>) src(%dma_wait3A_31 : memref<16x32xf32, #tpu.memory_space<vmem_shared>>) dst(%dma_wait3A_28 : memref<16x32xf32, #tpu.memory_space<hbm>>)
        tpu.yield
      }) : () -> ()
    } else {
    }
    return
  }
}

#map = affine_map<(d0, d1) -> (0)>
#map1 = affine_map<(d0, d1) -> (0, 0)>
#map2 = affine_map<(d0, d1) -> (0, 0, 0)>
module attributes {stable_mosaic.version = 14 : i64} {
  func.func @deg(%arg0: i32, %arg1: i32, %arg2: memref<320000xi32, #tpu.memory_space<hbm>>, %arg3: memref<80x16xf32, #tpu.memory_space<hbm>>, %arg4: memref<10000x16xf32, #tpu.memory_space<hbm>>, %arg5: memref<2x10000x16xf32, #tpu.memory_space<hbm>>, %arg6: memref<80xi32, #tpu.memory_space<vmem>>, %arg7: memref<80x16xf32, #tpu.memory_space<vmem>>, %arg8: memref<10000x16xf32, #tpu.memory_space<vmem_shared>>, %arg9: memref<!tpu.dma_semaphore, #tpu.memory_space<semaphore_mem>>) attributes {dimension_semantics = [#tpu.dimension_semantics<core_parallel>, #tpu.dimension_semantics<subcore_parallel>], iteration_bounds = array<i64: 2, 16>, scalar_prefetch = 0 : i64, scratch_operands = 4 : i64, tpu.core_type = #tpu.core_type<sc_vector_subcore>, window_params = [{transform_indices = #map}, {transform_indices = #map1}, {transform_indices = #map1}, {transform_indices = #map2}]} {
    %mul3A = arith.constant 16 : i32
    %mul3A_0 = arith.muli %arg0, %mul3A : i32
    %add3A = arith.addi %mul3A_0, %arg1 : i32
    %mul3A_1 = arith.constant 624 : i32
    %mul3A_2 = arith.muli %arg1, %mul3A_1 : i32
    "tpu.region"() ({
      %run_scoped3A = tpu.sem_alloc : memref<!tpu.dma_semaphore, #tpu.memory_space<semaphore_mem>>
      %dma_start3A = arith.constant 0 : i32
      %dma_start3A_20 = tpu.memref_slice %arg8[%mul3A_2, %dma_start3A] : memref<10000x16xf32, #tpu.memory_space<vmem_shared>> -> memref<624x16xf32, #tpu.memory_space<vmem_shared>>
      %dma_start3A_21 = arith.constant 0 : i32
      %dma_start3A_22 = tpu.memref_slice %arg4[%mul3A_2, %dma_start3A_21] : memref<10000x16xf32, #tpu.memory_space<hbm>> -> memref<624x16xf32, #tpu.memory_space<hbm>>
      tpu.enqueue_dma source(%dma_start3A_22 : memref<624x16xf32, #tpu.memory_space<hbm>>) target(%dma_start3A_20 : memref<624x16xf32, #tpu.memory_space<vmem_shared>>) target_semaphore(%run_scoped3A : memref<!tpu.dma_semaphore, #tpu.memory_space<semaphore_mem>>)
      %dma_wait3A = arith.constant 0 : i32
      %dma_wait3A_23 = tpu.memref_slice %arg8[%mul3A_2, %dma_wait3A] : memref<10000x16xf32, #tpu.memory_space<vmem_shared>> -> memref<624x16xf32, #tpu.memory_space<vmem_shared>>
      %dma_wait3A_24 = arith.constant 0 : i32
      %dma_wait3A_25 = tpu.memref_slice %arg4[%mul3A_2, %dma_wait3A_24] : memref<10000x16xf32, #tpu.memory_space<hbm>> -> memref<624x16xf32, #tpu.memory_space<hbm>>
      tpu.wait_dma2 semaphore(%run_scoped3A : memref<!tpu.dma_semaphore, #tpu.memory_space<semaphore_mem>>) src(%dma_wait3A_25 : memref<624x16xf32, #tpu.memory_space<hbm>>) dst(%dma_wait3A_23 : memref<624x16xf32, #tpu.memory_space<vmem_shared>>)
      tpu.yield
    }) : () -> ()
    %eq3A = arith.constant 15 : i32
    %eq3A_3 = arith.cmpi eq, %arg1, %eq3A : i32
    %convert_element_type3A = arith.extui %eq3A_3 : i1 to i32
    %cond3A = arith.constant 0 : i32
    %cond3A_4 = arith.cmpi ne, %convert_element_type3A, %cond3A : i32
    scf.if %cond3A_4 {
      "tpu.region"() ({
        %run_scoped3A = tpu.sem_alloc : memref<!tpu.dma_semaphore, #tpu.memory_space<semaphore_mem>>
        %dma_start3A = arith.constant 9984 : i32
        %dma_start3A_20 = arith.constant 0 : i32
        %dma_start3A_21 = tpu.memref_slice %arg8[%dma_start3A, %dma_start3A_20] : memref<10000x16xf32, #tpu.memory_space<vmem_shared>> -> memref<16x16xf32, #tpu.memory_space<vmem_shared>>
        %dma_start3A_22 = arith.constant 9984 : i32
        %dma_start3A_23 = arith.constant 0 : i32
        %dma_start3A_24 = tpu.memref_slice %arg4[%dma_start3A_22, %dma_start3A_23] : memref<10000x16xf32, #tpu.memory_space<hbm>> -> memref<16x16xf32, #tpu.memory_space<hbm>>
        tpu.enqueue_dma source(%dma_start3A_24 : memref<16x16xf32, #tpu.memory_space<hbm>>) target(%dma_start3A_21 : memref<16x16xf32, #tpu.memory_space<vmem_shared>>) target_semaphore(%run_scoped3A : memref<!tpu.dma_semaphore, #tpu.memory_space<semaphore_mem>>)
        %dma_wait3A = arith.constant 9984 : i32
        %dma_wait3A_25 = arith.constant 0 : i32
        %dma_wait3A_26 = tpu.memref_slice %arg8[%dma_wait3A, %dma_wait3A_25] : memref<10000x16xf32, #tpu.memory_space<vmem_shared>> -> memref<16x16xf32, #tpu.memory_space<vmem_shared>>
        %dma_wait3A_27 = arith.constant 9984 : i32
        %dma_wait3A_28 = arith.constant 0 : i32
        %dma_wait3A_29 = tpu.memref_slice %arg4[%dma_wait3A_27, %dma_wait3A_28] : memref<10000x16xf32, #tpu.memory_space<hbm>> -> memref<16x16xf32, #tpu.memory_space<hbm>>
        tpu.wait_dma2 semaphore(%run_scoped3A : memref<!tpu.dma_semaphore, #tpu.memory_space<semaphore_mem>>) src(%dma_wait3A_29 : memref<16x16xf32, #tpu.memory_space<hbm>>) dst(%dma_wait3A_26 : memref<16x16xf32, #tpu.memory_space<vmem_shared>>)
        tpu.yield
      }) : () -> ()
    } else {
    }
    "tpu.region"() ({
      %run_scoped3A = tpu.sem_alloc : memref<!tpu.dma_semaphore, #tpu.memory_space<semaphore_mem>>
      tpu.enqueue_dma source(%arg3 : memref<80x16xf32, #tpu.memory_space<hbm>>) target(%arg7 : memref<80x16xf32, #tpu.memory_space<vmem>>) target_semaphore(%run_scoped3A : memref<!tpu.dma_semaphore, #tpu.memory_space<semaphore_mem>>)
      tpu.wait_dma2 semaphore(%run_scoped3A : memref<!tpu.dma_semaphore, #tpu.memory_space<semaphore_mem>>) src(%arg3 : memref<80x16xf32, #tpu.memory_space<hbm>>) dst(%arg7 : memref<80x16xf32, #tpu.memory_space<vmem>>)
      tpu.yield
    }) : () -> ()
    %barrier3A = arith.constant 0 : index
    tpu.barrier barrier_id(%barrier3A)
    %mul3A_5 = arith.constant 10000 : i32
    %mul3A_6 = arith.muli %add3A, %mul3A_5 : i32
    %scan3A = arith.constant 0 : i32
    %scan3A_7 = arith.constant 0 : i32
    %scan3A_8 = arith.constant 125 : i32
    %scan3A_9 = arith.addi %scan3A_7, %scan3A_8 : i32
    %scan3A_10 = arith.constant 1 : i32
    scf.for %scan3A_20 = %scan3A_7 to %scan3A_9 step %scan3A_10  : i32 {
      %mul3A_21 = arith.constant 80 : i32
      %mul3A_22 = arith.muli %scan3A_20, %mul3A_21 : i32
      %add3A_23 = arith.addi %mul3A_6, %mul3A_22 : i32
      "tpu.region"() ({
        %run_scoped3A = tpu.sem_alloc : memref<!tpu.dma_semaphore, #tpu.memory_space<semaphore_mem>>
        %dma_start3A = tpu.memref_slice %arg2[%add3A_23] : memref<320000xi32, #tpu.memory_space<hbm>> -> memref<80xi32, #tpu.memory_space<hbm>>
        %dma_start3A_24 = tpu.memref_slice %arg2[%add3A_23] : memref<320000xi32, #tpu.memory_space<hbm>> -> memref<80xi32, #tpu.memory_space<hbm>>
        tpu.enqueue_dma source(%dma_start3A_24 : memref<80xi32, #tpu.memory_space<hbm>>) target(%arg6 : memref<80xi32, #tpu.memory_space<vmem>>) target_semaphore(%run_scoped3A : memref<!tpu.dma_semaphore, #tpu.memory_space<semaphore_mem>>)
        %dma_wait3A = tpu.memref_slice %arg2[%add3A_23] : memref<320000xi32, #tpu.memory_space<hbm>> -> memref<80xi32, #tpu.memory_space<hbm>>
        %dma_wait3A_25 = tpu.memref_slice %arg2[%add3A_23] : memref<320000xi32, #tpu.memory_space<hbm>> -> memref<80xi32, #tpu.memory_space<hbm>>
        tpu.wait_dma2 semaphore(%run_scoped3A : memref<!tpu.dma_semaphore, #tpu.memory_space<semaphore_mem>>) src(%dma_wait3A_25 : memref<80xi32, #tpu.memory_space<hbm>>) dst(%arg6 : memref<80xi32, #tpu.memory_space<vmem>>)
        tpu.yield
      }) : () -> ()
      "tpu.region"() ({
        %run_scoped3A = tpu.sem_alloc : memref<!tpu.dma_semaphore, #tpu.memory_space<semaphore_mem>>
        %dma_start3A = arith.constant 0 : i32
        %dma_start3A_24 = arith.constant 0 : i32
        %dma_start3A_25 = tpu.memref_slice %arg8[%dma_start3A, %dma_start3A_24] : memref<10000x16xf32, #tpu.memory_space<vmem_shared>> -> memref<10000x16xf32, #tpu.memory_space<vmem_shared>>
        tpu.enqueue_indirect_dma source(%arg7 : memref<80x16xf32, #tpu.memory_space<vmem>>) target(%dma_start3A_25 : memref<10000x16xf32, #tpu.memory_space<vmem_shared>>) offsets(%arg6 : memref<80xi32, #tpu.memory_space<vmem>>) semaphore(%run_scoped3A : memref<!tpu.dma_semaphore, #tpu.memory_space<semaphore_mem>>) {add = true}
        %dma_wait3A = arith.constant 0 : i32
        %dma_wait3A_26 = arith.constant 0 : i32
        %dma_wait3A_27 = tpu.memref_slice %arg8[%dma_wait3A, %dma_wait3A_26] : memref<10000x16xf32, #tpu.memory_space<vmem_shared>> -> memref<10000x16xf32, #tpu.memory_space<vmem_shared>>
        tpu.wait_indirect_dma semaphore(%run_scoped3A : memref<!tpu.dma_semaphore, #tpu.memory_space<semaphore_mem>>) src(%arg7 : memref<80x16xf32, #tpu.memory_space<vmem>>) dst(%dma_wait3A_27 : memref<10000x16xf32, #tpu.memory_space<vmem_shared>>)
        tpu.yield
      }) : () -> ()
    }
    %scan3A_11 = arith.constant 125 : i32
    %barrier3A_12 = arith.constant 0 : index
    tpu.barrier barrier_id(%barrier3A_12)
    %mul3A_13 = arith.constant 624 : i32
    %mul3A_14 = arith.muli %arg1, %mul3A_13 : i32
    "tpu.region"() ({
      %run_scoped3A = tpu.sem_alloc : memref<!tpu.dma_semaphore, #tpu.memory_space<semaphore_mem>>
      %dma_start3A = arith.constant 0 : i32
      %dma_start3A_20 = tpu.memref_slice %arg5[%arg0, %mul3A_14, %dma_start3A] : memref<2x10000x16xf32, #tpu.memory_space<hbm>> -> memref<1x624x16xf32, #tpu.memory_space<hbm>>
      %dma_start3A_21 = tpu.memref_squeeze %dma_start3A_20 : memref<1x624x16xf32, #tpu.memory_space<hbm>> -> memref<624x16xf32, #tpu.memory_space<hbm>>
      %dma_start3A_22 = arith.constant 0 : i32
      %dma_start3A_23 = tpu.memref_slice %arg8[%mul3A_14, %dma_start3A_22] : memref<10000x16xf32, #tpu.memory_space<vmem_shared>> -> memref<624x16xf32, #tpu.memory_space<vmem_shared>>
      tpu.enqueue_dma source(%dma_start3A_23 : memref<624x16xf32, #tpu.memory_space<vmem_shared>>) target(%dma_start3A_21 : memref<624x16xf32, #tpu.memory_space<hbm>>) target_semaphore(%run_scoped3A : memref<!tpu.dma_semaphore, #tpu.memory_space<semaphore_mem>>)
      %dma_wait3A = arith.constant 0 : i32
      %dma_wait3A_24 = tpu.memref_slice %arg5[%arg0, %mul3A_14, %dma_wait3A] : memref<2x10000x16xf32, #tpu.memory_space<hbm>> -> memref<1x624x16xf32, #tpu.memory_space<hbm>>
      %dma_wait3A_25 = tpu.memref_squeeze %dma_wait3A_24 : memref<1x624x16xf32, #tpu.memory_space<hbm>> -> memref<624x16xf32, #tpu.memory_space<hbm>>
      %dma_wait3A_26 = arith.constant 0 : i32
      %dma_wait3A_27 = tpu.memref_slice %arg8[%mul3A_14, %dma_wait3A_26] : memref<10000x16xf32, #tpu.memory_space<vmem_shared>> -> memref<624x16xf32, #tpu.memory_space<vmem_shared>>
      tpu.wait_dma2 semaphore(%run_scoped3A : memref<!tpu.dma_semaphore, #tpu.memory_space<semaphore_mem>>) src(%dma_wait3A_27 : memref<624x16xf32, #tpu.memory_space<vmem_shared>>) dst(%dma_wait3A_25 : memref<624x16xf32, #tpu.memory_space<hbm>>)
      tpu.yield
    }) : () -> ()
    %eq3A_15 = arith.constant 15 : i32
    %eq3A_16 = arith.cmpi eq, %arg1, %eq3A_15 : i32
    %convert_element_type3A_17 = arith.extui %eq3A_16 : i1 to i32
    %cond3A_18 = arith.constant 0 : i32
    %cond3A_19 = arith.cmpi ne, %convert_element_type3A_17, %cond3A_18 : i32
    scf.if %cond3A_19 {
      "tpu.region"() ({
        %run_scoped3A = tpu.sem_alloc : memref<!tpu.dma_semaphore, #tpu.memory_space<semaphore_mem>>
        %dma_start3A = arith.constant 9984 : i32
        %dma_start3A_20 = arith.constant 0 : i32
        %dma_start3A_21 = tpu.memref_slice %arg5[%arg0, %dma_start3A, %dma_start3A_20] : memref<2x10000x16xf32, #tpu.memory_space<hbm>> -> memref<1x16x16xf32, #tpu.memory_space<hbm>>
        %dma_start3A_22 = tpu.memref_squeeze %dma_start3A_21 : memref<1x16x16xf32, #tpu.memory_space<hbm>> -> memref<16x16xf32, #tpu.memory_space<hbm>>
        %dma_start3A_23 = arith.constant 9984 : i32
        %dma_start3A_24 = arith.constant 0 : i32
        %dma_start3A_25 = tpu.memref_slice %arg8[%dma_start3A_23, %dma_start3A_24] : memref<10000x16xf32, #tpu.memory_space<vmem_shared>> -> memref<16x16xf32, #tpu.memory_space<vmem_shared>>
        tpu.enqueue_dma source(%dma_start3A_25 : memref<16x16xf32, #tpu.memory_space<vmem_shared>>) target(%dma_start3A_22 : memref<16x16xf32, #tpu.memory_space<hbm>>) target_semaphore(%run_scoped3A : memref<!tpu.dma_semaphore, #tpu.memory_space<semaphore_mem>>)
        %dma_wait3A = arith.constant 9984 : i32
        %dma_wait3A_26 = arith.constant 0 : i32
        %dma_wait3A_27 = tpu.memref_slice %arg5[%arg0, %dma_wait3A, %dma_wait3A_26] : memref<2x10000x16xf32, #tpu.memory_space<hbm>> -> memref<1x16x16xf32, #tpu.memory_space<hbm>>
        %dma_wait3A_28 = tpu.memref_squeeze %dma_wait3A_27 : memref<1x16x16xf32, #tpu.memory_space<hbm>> -> memref<16x16xf32, #tpu.memory_space<hbm>>
        %dma_wait3A_29 = arith.constant 9984 : i32
        %dma_wait3A_30 = arith.constant 0 : i32
        %dma_wait3A_31 = tpu.memref_slice %arg8[%dma_wait3A_29, %dma_wait3A_30] : memref<10000x16xf32, #tpu.memory_space<vmem_shared>> -> memref<16x16xf32, #tpu.memory_space<vmem_shared>>
        tpu.wait_dma2 semaphore(%run_scoped3A : memref<!tpu.dma_semaphore, #tpu.memory_space<semaphore_mem>>) src(%dma_wait3A_31 : memref<16x16xf32, #tpu.memory_space<vmem_shared>>) dst(%dma_wait3A_28 : memref<16x16xf32, #tpu.memory_space<hbm>>)
        tpu.yield
      }) : () -> ()
    } else {
    }
    return
  }
}

#map = affine_map<(d0, d1) -> (0, 0)>
#map1 = affine_map<(d0, d1) -> (0)>
#map2 = affine_map<(d0, d1) -> (0, 0, 0)>
module attributes {stable_mosaic.version = 14 : i64} {
  func.func @agg(%arg0: i32, %arg1: i32, %arg2: memref<10000x64xf32, #tpu.memory_space<hbm>>, %arg3: memref<320000xi32, #tpu.memory_space<hbm>>, %arg4: memref<320000xi32, #tpu.memory_space<hbm>>, %arg5: memref<10000x64xf32, #tpu.memory_space<hbm>>, %arg6: memref<2x10000x64xf32, #tpu.memory_space<hbm>>, %arg7: memref<80xi32, #tpu.memory_space<vmem>>, %arg8: memref<80xi32, #tpu.memory_space<vmem>>, %arg9: memref<80x64xf32, #tpu.memory_space<vmem>>, %arg10: memref<10000x64xf32, #tpu.memory_space<vmem_shared>>, %arg11: memref<!tpu.dma_semaphore, #tpu.memory_space<semaphore_mem>>) attributes {dimension_semantics = [#tpu.dimension_semantics<core_parallel>, #tpu.dimension_semantics<subcore_parallel>], iteration_bounds = array<i64: 2, 16>, scalar_prefetch = 0 : i64, scratch_operands = 5 : i64, tpu.core_type = #tpu.core_type<sc_vector_subcore>, window_params = [{transform_indices = #map}, {transform_indices = #map1}, {transform_indices = #map1}, {transform_indices = #map}, {transform_indices = #map2}]} {
    %mul3A = arith.constant 16 : i32
    %mul3A_0 = arith.muli %arg0, %mul3A : i32
    %add3A = arith.addi %mul3A_0, %arg1 : i32
    %mul3A_1 = arith.constant 624 : i32
    %mul3A_2 = arith.muli %arg1, %mul3A_1 : i32
    "tpu.region"() ({
      %run_scoped3A = tpu.sem_alloc : memref<!tpu.dma_semaphore, #tpu.memory_space<semaphore_mem>>
      %dma_start3A = arith.constant 0 : i32
      %dma_start3A_20 = tpu.memref_slice %arg10[%mul3A_2, %dma_start3A] : memref<10000x64xf32, #tpu.memory_space<vmem_shared>> -> memref<624x64xf32, #tpu.memory_space<vmem_shared>>
      %dma_start3A_21 = arith.constant 0 : i32
      %dma_start3A_22 = tpu.memref_slice %arg5[%mul3A_2, %dma_start3A_21] : memref<10000x64xf32, #tpu.memory_space<hbm>> -> memref<624x64xf32, #tpu.memory_space<hbm>>
      tpu.enqueue_dma source(%dma_start3A_22 : memref<624x64xf32, #tpu.memory_space<hbm>>) target(%dma_start3A_20 : memref<624x64xf32, #tpu.memory_space<vmem_shared>>) target_semaphore(%run_scoped3A : memref<!tpu.dma_semaphore, #tpu.memory_space<semaphore_mem>>)
      %dma_wait3A = arith.constant 0 : i32
      %dma_wait3A_23 = tpu.memref_slice %arg10[%mul3A_2, %dma_wait3A] : memref<10000x64xf32, #tpu.memory_space<vmem_shared>> -> memref<624x64xf32, #tpu.memory_space<vmem_shared>>
      %dma_wait3A_24 = arith.constant 0 : i32
      %dma_wait3A_25 = tpu.memref_slice %arg5[%mul3A_2, %dma_wait3A_24] : memref<10000x64xf32, #tpu.memory_space<hbm>> -> memref<624x64xf32, #tpu.memory_space<hbm>>
      tpu.wait_dma2 semaphore(%run_scoped3A : memref<!tpu.dma_semaphore, #tpu.memory_space<semaphore_mem>>) src(%dma_wait3A_25 : memref<624x64xf32, #tpu.memory_space<hbm>>) dst(%dma_wait3A_23 : memref<624x64xf32, #tpu.memory_space<vmem_shared>>)
      tpu.yield
    }) : () -> ()
    %eq3A = arith.constant 15 : i32
    %eq3A_3 = arith.cmpi eq, %arg1, %eq3A : i32
    %convert_element_type3A = arith.extui %eq3A_3 : i1 to i32
    %cond3A = arith.constant 0 : i32
    %cond3A_4 = arith.cmpi ne, %convert_element_type3A, %cond3A : i32
    scf.if %cond3A_4 {
      "tpu.region"() ({
        %run_scoped3A = tpu.sem_alloc : memref<!tpu.dma_semaphore, #tpu.memory_space<semaphore_mem>>
        %dma_start3A = arith.constant 9984 : i32
        %dma_start3A_20 = arith.constant 0 : i32
        %dma_start3A_21 = tpu.memref_slice %arg10[%dma_start3A, %dma_start3A_20] : memref<10000x64xf32, #tpu.memory_space<vmem_shared>> -> memref<16x64xf32, #tpu.memory_space<vmem_shared>>
        %dma_start3A_22 = arith.constant 9984 : i32
        %dma_start3A_23 = arith.constant 0 : i32
        %dma_start3A_24 = tpu.memref_slice %arg5[%dma_start3A_22, %dma_start3A_23] : memref<10000x64xf32, #tpu.memory_space<hbm>> -> memref<16x64xf32, #tpu.memory_space<hbm>>
        tpu.enqueue_dma source(%dma_start3A_24 : memref<16x64xf32, #tpu.memory_space<hbm>>) target(%dma_start3A_21 : memref<16x64xf32, #tpu.memory_space<vmem_shared>>) target_semaphore(%run_scoped3A : memref<!tpu.dma_semaphore, #tpu.memory_space<semaphore_mem>>)
        %dma_wait3A = arith.constant 9984 : i32
        %dma_wait3A_25 = arith.constant 0 : i32
        %dma_wait3A_26 = tpu.memref_slice %arg10[%dma_wait3A, %dma_wait3A_25] : memref<10000x64xf32, #tpu.memory_space<vmem_shared>> -> memref<16x64xf32, #tpu.memory_space<vmem_shared>>
        %dma_wait3A_27 = arith.constant 9984 : i32
        %dma_wait3A_28 = arith.constant 0 : i32
        %dma_wait3A_29 = tpu.memref_slice %arg5[%dma_wait3A_27, %dma_wait3A_28] : memref<10000x64xf32, #tpu.memory_space<hbm>> -> memref<16x64xf32, #tpu.memory_space<hbm>>
        tpu.wait_dma2 semaphore(%run_scoped3A : memref<!tpu.dma_semaphore, #tpu.memory_space<semaphore_mem>>) src(%dma_wait3A_29 : memref<16x64xf32, #tpu.memory_space<hbm>>) dst(%dma_wait3A_26 : memref<16x64xf32, #tpu.memory_space<vmem_shared>>)
        tpu.yield
      }) : () -> ()
    } else {
    }
    %barrier3A = arith.constant 0 : index
    tpu.barrier barrier_id(%barrier3A)
    %mul3A_5 = arith.constant 10000 : i32
    %mul3A_6 = arith.muli %add3A, %mul3A_5 : i32
    %scan3A = arith.constant 0 : i32
    %scan3A_7 = arith.constant 0 : i32
    %scan3A_8 = arith.constant 125 : i32
    %scan3A_9 = arith.addi %scan3A_7, %scan3A_8 : i32
    %scan3A_10 = arith.constant 1 : i32
    scf.for %scan3A_20 = %scan3A_7 to %scan3A_9 step %scan3A_10  : i32 {
      %mul3A_21 = arith.constant 80 : i32
      %mul3A_22 = arith.muli %scan3A_20, %mul3A_21 : i32
      %add3A_23 = arith.addi %mul3A_6, %mul3A_22 : i32
      "tpu.region"() ({
        %run_scoped3A = tpu.sem_alloc : memref<!tpu.dma_semaphore, #tpu.memory_space<semaphore_mem>>
        %dma_start3A_28 = tpu.memref_slice %arg3[%add3A_23] : memref<320000xi32, #tpu.memory_space<hbm>> -> memref<80xi32, #tpu.memory_space<hbm>>
        %dma_start3A_29 = tpu.memref_slice %arg3[%add3A_23] : memref<320000xi32, #tpu.memory_space<hbm>> -> memref<80xi32, #tpu.memory_space<hbm>>
        tpu.enqueue_dma source(%dma_start3A_29 : memref<80xi32, #tpu.memory_space<hbm>>) target(%arg7 : memref<80xi32, #tpu.memory_space<vmem>>) target_semaphore(%run_scoped3A : memref<!tpu.dma_semaphore, #tpu.memory_space<semaphore_mem>>)
        %dma_wait3A_30 = tpu.memref_slice %arg3[%add3A_23] : memref<320000xi32, #tpu.memory_space<hbm>> -> memref<80xi32, #tpu.memory_space<hbm>>
        %dma_wait3A_31 = tpu.memref_slice %arg3[%add3A_23] : memref<320000xi32, #tpu.memory_space<hbm>> -> memref<80xi32, #tpu.memory_space<hbm>>
        tpu.wait_dma2 semaphore(%run_scoped3A : memref<!tpu.dma_semaphore, #tpu.memory_space<semaphore_mem>>) src(%dma_wait3A_31 : memref<80xi32, #tpu.memory_space<hbm>>) dst(%arg7 : memref<80xi32, #tpu.memory_space<vmem>>)
        tpu.yield
      }) : () -> ()
      "tpu.region"() ({
        %run_scoped3A = tpu.sem_alloc : memref<!tpu.dma_semaphore, #tpu.memory_space<semaphore_mem>>
        %dma_start3A_28 = tpu.memref_slice %arg4[%add3A_23] : memref<320000xi32, #tpu.memory_space<hbm>> -> memref<80xi32, #tpu.memory_space<hbm>>
        %dma_start3A_29 = tpu.memref_slice %arg4[%add3A_23] : memref<320000xi32, #tpu.memory_space<hbm>> -> memref<80xi32, #tpu.memory_space<hbm>>
        tpu.enqueue_dma source(%dma_start3A_29 : memref<80xi32, #tpu.memory_space<hbm>>) target(%arg8 : memref<80xi32, #tpu.memory_space<vmem>>) target_semaphore(%run_scoped3A : memref<!tpu.dma_semaphore, #tpu.memory_space<semaphore_mem>>)
        %dma_wait3A_30 = tpu.memref_slice %arg4[%add3A_23] : memref<320000xi32, #tpu.memory_space<hbm>> -> memref<80xi32, #tpu.memory_space<hbm>>
        %dma_wait3A_31 = tpu.memref_slice %arg4[%add3A_23] : memref<320000xi32, #tpu.memory_space<hbm>> -> memref<80xi32, #tpu.memory_space<hbm>>
        tpu.wait_dma2 semaphore(%run_scoped3A : memref<!tpu.dma_semaphore, #tpu.memory_space<semaphore_mem>>) src(%dma_wait3A_31 : memref<80xi32, #tpu.memory_space<hbm>>) dst(%arg8 : memref<80xi32, #tpu.memory_space<vmem>>)
        tpu.yield
      }) : () -> ()
      %dma_start3A = arith.constant 0 : i32
      %dma_start3A_24 = arith.constant 0 : i32
      %dma_start3A_25 = tpu.memref_slice %arg2[%dma_start3A, %dma_start3A_24] : memref<10000x64xf32, #tpu.memory_space<hbm>> -> memref<10000x64xf32, #tpu.memory_space<hbm>>
      tpu.enqueue_indirect_dma source(%dma_start3A_25 : memref<10000x64xf32, #tpu.memory_space<hbm>>) target(%arg9 : memref<80x64xf32, #tpu.memory_space<vmem>>) offsets(%arg7 : memref<80xi32, #tpu.memory_space<vmem>>) semaphore(%arg11 : memref<!tpu.dma_semaphore, #tpu.memory_space<semaphore_mem>>)
      %dma_wait3A = arith.constant 0 : i32
      %dma_wait3A_26 = arith.constant 0 : i32
      %dma_wait3A_27 = tpu.memref_slice %arg2[%dma_wait3A, %dma_wait3A_26] : memref<10000x64xf32, #tpu.memory_space<hbm>> -> memref<10000x64xf32, #tpu.memory_space<hbm>>
      tpu.wait_indirect_dma semaphore(%arg11 : memref<!tpu.dma_semaphore, #tpu.memory_space<semaphore_mem>>) src(%dma_wait3A_27 : memref<10000x64xf32, #tpu.memory_space<hbm>>) dst(%arg9 : memref<80x64xf32, #tpu.memory_space<vmem>>)
      "tpu.region"() ({
        %run_scoped3A = tpu.sem_alloc : memref<!tpu.dma_semaphore, #tpu.memory_space<semaphore_mem>>
        %dma_start3A_28 = arith.constant 0 : i32
        %dma_start3A_29 = arith.constant 0 : i32
        %dma_start3A_30 = tpu.memref_slice %arg10[%dma_start3A_28, %dma_start3A_29] : memref<10000x64xf32, #tpu.memory_space<vmem_shared>> -> memref<10000x64xf32, #tpu.memory_space<vmem_shared>>
        tpu.enqueue_indirect_dma source(%arg9 : memref<80x64xf32, #tpu.memory_space<vmem>>) target(%dma_start3A_30 : memref<10000x64xf32, #tpu.memory_space<vmem_shared>>) offsets(%arg8 : memref<80xi32, #tpu.memory_space<vmem>>) semaphore(%run_scoped3A : memref<!tpu.dma_semaphore, #tpu.memory_space<semaphore_mem>>) {add = true}
        %dma_wait3A_31 = arith.constant 0 : i32
        %dma_wait3A_32 = arith.constant 0 : i32
        %dma_wait3A_33 = tpu.memref_slice %arg10[%dma_wait3A_31, %dma_wait3A_32] : memref<10000x64xf32, #tpu.memory_space<vmem_shared>> -> memref<10000x64xf32, #tpu.memory_space<vmem_shared>>
        tpu.wait_indirect_dma semaphore(%run_scoped3A : memref<!tpu.dma_semaphore, #tpu.memory_space<semaphore_mem>>) src(%arg9 : memref<80x64xf32, #tpu.memory_space<vmem>>) dst(%dma_wait3A_33 : memref<10000x64xf32, #tpu.memory_space<vmem_shared>>)
        tpu.yield
      }) : () -> ()
    }
    %scan3A_11 = arith.constant 125 : i32
    %barrier3A_12 = arith.constant 0 : index
    tpu.barrier barrier_id(%barrier3A_12)
    %mul3A_13 = arith.constant 624 : i32
    %mul3A_14 = arith.muli %arg1, %mul3A_13 : i32
    "tpu.region"() ({
      %run_scoped3A = tpu.sem_alloc : memref<!tpu.dma_semaphore, #tpu.memory_space<semaphore_mem>>
      %dma_start3A = arith.constant 0 : i32
      %dma_start3A_20 = tpu.memref_slice %arg6[%arg0, %mul3A_14, %dma_start3A] : memref<2x10000x64xf32, #tpu.memory_space<hbm>> -> memref<1x624x64xf32, #tpu.memory_space<hbm>>
      %dma_start3A_21 = tpu.memref_squeeze %dma_start3A_20 : memref<1x624x64xf32, #tpu.memory_space<hbm>> -> memref<624x64xf32, #tpu.memory_space<hbm>>
      %dma_start3A_22 = arith.constant 0 : i32
      %dma_start3A_23 = tpu.memref_slice %arg10[%mul3A_14, %dma_start3A_22] : memref<10000x64xf32, #tpu.memory_space<vmem_shared>> -> memref<624x64xf32, #tpu.memory_space<vmem_shared>>
      tpu.enqueue_dma source(%dma_start3A_23 : memref<624x64xf32, #tpu.memory_space<vmem_shared>>) target(%dma_start3A_21 : memref<624x64xf32, #tpu.memory_space<hbm>>) target_semaphore(%run_scoped3A : memref<!tpu.dma_semaphore, #tpu.memory_space<semaphore_mem>>)
      %dma_wait3A = arith.constant 0 : i32
      %dma_wait3A_24 = tpu.memref_slice %arg6[%arg0, %mul3A_14, %dma_wait3A] : memref<2x10000x64xf32, #tpu.memory_space<hbm>> -> memref<1x624x64xf32, #tpu.memory_space<hbm>>
      %dma_wait3A_25 = tpu.memref_squeeze %dma_wait3A_24 : memref<1x624x64xf32, #tpu.memory_space<hbm>> -> memref<624x64xf32, #tpu.memory_space<hbm>>
      %dma_wait3A_26 = arith.constant 0 : i32
      %dma_wait3A_27 = tpu.memref_slice %arg10[%mul3A_14, %dma_wait3A_26] : memref<10000x64xf32, #tpu.memory_space<vmem_shared>> -> memref<624x64xf32, #tpu.memory_space<vmem_shared>>
      tpu.wait_dma2 semaphore(%run_scoped3A : memref<!tpu.dma_semaphore, #tpu.memory_space<semaphore_mem>>) src(%dma_wait3A_27 : memref<624x64xf32, #tpu.memory_space<vmem_shared>>) dst(%dma_wait3A_25 : memref<624x64xf32, #tpu.memory_space<hbm>>)
      tpu.yield
    }) : () -> ()
    %eq3A_15 = arith.constant 15 : i32
    %eq3A_16 = arith.cmpi eq, %arg1, %eq3A_15 : i32
    %convert_element_type3A_17 = arith.extui %eq3A_16 : i1 to i32
    %cond3A_18 = arith.constant 0 : i32
    %cond3A_19 = arith.cmpi ne, %convert_element_type3A_17, %cond3A_18 : i32
    scf.if %cond3A_19 {
      "tpu.region"() ({
        %run_scoped3A = tpu.sem_alloc : memref<!tpu.dma_semaphore, #tpu.memory_space<semaphore_mem>>
        %dma_start3A = arith.constant 9984 : i32
        %dma_start3A_20 = arith.constant 0 : i32
        %dma_start3A_21 = tpu.memref_slice %arg6[%arg0, %dma_start3A, %dma_start3A_20] : memref<2x10000x64xf32, #tpu.memory_space<hbm>> -> memref<1x16x64xf32, #tpu.memory_space<hbm>>
        %dma_start3A_22 = tpu.memref_squeeze %dma_start3A_21 : memref<1x16x64xf32, #tpu.memory_space<hbm>> -> memref<16x64xf32, #tpu.memory_space<hbm>>
        %dma_start3A_23 = arith.constant 9984 : i32
        %dma_start3A_24 = arith.constant 0 : i32
        %dma_start3A_25 = tpu.memref_slice %arg10[%dma_start3A_23, %dma_start3A_24] : memref<10000x64xf32, #tpu.memory_space<vmem_shared>> -> memref<16x64xf32, #tpu.memory_space<vmem_shared>>
        tpu.enqueue_dma source(%dma_start3A_25 : memref<16x64xf32, #tpu.memory_space<vmem_shared>>) target(%dma_start3A_22 : memref<16x64xf32, #tpu.memory_space<hbm>>) target_semaphore(%run_scoped3A : memref<!tpu.dma_semaphore, #tpu.memory_space<semaphore_mem>>)
        %dma_wait3A = arith.constant 9984 : i32
        %dma_wait3A_26 = arith.constant 0 : i32
        %dma_wait3A_27 = tpu.memref_slice %arg6[%arg0, %dma_wait3A, %dma_wait3A_26] : memref<2x10000x64xf32, #tpu.memory_space<hbm>> -> memref<1x16x64xf32, #tpu.memory_space<hbm>>
        %dma_wait3A_28 = tpu.memref_squeeze %dma_wait3A_27 : memref<1x16x64xf32, #tpu.memory_space<hbm>> -> memref<16x64xf32, #tpu.memory_space<hbm>>
        %dma_wait3A_29 = arith.constant 9984 : i32
        %dma_wait3A_30 = arith.constant 0 : i32
        %dma_wait3A_31 = tpu.memref_slice %arg10[%dma_wait3A_29, %dma_wait3A_30] : memref<10000x64xf32, #tpu.memory_space<vmem_shared>> -> memref<16x64xf32, #tpu.memory_space<vmem_shared>>
        tpu.wait_dma2 semaphore(%run_scoped3A : memref<!tpu.dma_semaphore, #tpu.memory_space<semaphore_mem>>) src(%dma_wait3A_31 : memref<16x64xf32, #tpu.memory_space<vmem_shared>>) dst(%dma_wait3A_28 : memref<16x64xf32, #tpu.memory_space<hbm>>)
        tpu.yield
      }) : () -> ()
    } else {
    }
    return
  }
}

#map = affine_map<(d0, d1) -> (0, 0)>
#map1 = affine_map<(d0, d1) -> (0)>
#map2 = affine_map<(d0, d1) -> (0, 0, 0)>
module attributes {stable_mosaic.version = 14 : i64} {
  func.func @agg(%arg0: i32, %arg1: i32, %arg2: memref<10000x64xf32, #tpu.memory_space<hbm>>, %arg3: memref<320000xi32, #tpu.memory_space<hbm>>, %arg4: memref<320000xi32, #tpu.memory_space<hbm>>, %arg5: memref<10000x64xf32, #tpu.memory_space<hbm>>, %arg6: memref<2x10000x64xf32, #tpu.memory_space<hbm>>, %arg7: memref<80xi32, #tpu.memory_space<vmem>>, %arg8: memref<80xi32, #tpu.memory_space<vmem>>, %arg9: memref<80x64xf32, #tpu.memory_space<vmem>>, %arg10: memref<10000x64xf32, #tpu.memory_space<vmem_shared>>, %arg11: memref<!tpu.dma_semaphore, #tpu.memory_space<semaphore_mem>>) attributes {dimension_semantics = [#tpu.dimension_semantics<core_parallel>, #tpu.dimension_semantics<subcore_parallel>], iteration_bounds = array<i64: 2, 16>, scalar_prefetch = 0 : i64, scratch_operands = 5 : i64, tpu.core_type = #tpu.core_type<sc_vector_subcore>, window_params = [{transform_indices = #map}, {transform_indices = #map1}, {transform_indices = #map1}, {transform_indices = #map}, {transform_indices = #map2}]} {
    %mul3A = arith.constant 16 : i32
    %mul3A_0 = arith.muli %arg0, %mul3A : i32
    %add3A = arith.addi %mul3A_0, %arg1 : i32
    %mul3A_1 = arith.constant 624 : i32
    %mul3A_2 = arith.muli %arg1, %mul3A_1 : i32
    "tpu.region"() ({
      %run_scoped3A = tpu.sem_alloc : memref<!tpu.dma_semaphore, #tpu.memory_space<semaphore_mem>>
      %dma_start3A = arith.constant 0 : i32
      %dma_start3A_20 = tpu.memref_slice %arg10[%mul3A_2, %dma_start3A] : memref<10000x64xf32, #tpu.memory_space<vmem_shared>> -> memref<624x64xf32, #tpu.memory_space<vmem_shared>>
      %dma_start3A_21 = arith.constant 0 : i32
      %dma_start3A_22 = tpu.memref_slice %arg5[%mul3A_2, %dma_start3A_21] : memref<10000x64xf32, #tpu.memory_space<hbm>> -> memref<624x64xf32, #tpu.memory_space<hbm>>
      tpu.enqueue_dma source(%dma_start3A_22 : memref<624x64xf32, #tpu.memory_space<hbm>>) target(%dma_start3A_20 : memref<624x64xf32, #tpu.memory_space<vmem_shared>>) target_semaphore(%run_scoped3A : memref<!tpu.dma_semaphore, #tpu.memory_space<semaphore_mem>>)
      %dma_wait3A = arith.constant 0 : i32
      %dma_wait3A_23 = tpu.memref_slice %arg10[%mul3A_2, %dma_wait3A] : memref<10000x64xf32, #tpu.memory_space<vmem_shared>> -> memref<624x64xf32, #tpu.memory_space<vmem_shared>>
      %dma_wait3A_24 = arith.constant 0 : i32
      %dma_wait3A_25 = tpu.memref_slice %arg5[%mul3A_2, %dma_wait3A_24] : memref<10000x64xf32, #tpu.memory_space<hbm>> -> memref<624x64xf32, #tpu.memory_space<hbm>>
      tpu.wait_dma2 semaphore(%run_scoped3A : memref<!tpu.dma_semaphore, #tpu.memory_space<semaphore_mem>>) src(%dma_wait3A_25 : memref<624x64xf32, #tpu.memory_space<hbm>>) dst(%dma_wait3A_23 : memref<624x64xf32, #tpu.memory_space<vmem_shared>>)
      tpu.yield
    }) : () -> ()
    %eq3A = arith.constant 15 : i32
    %eq3A_3 = arith.cmpi eq, %arg1, %eq3A : i32
    %convert_element_type3A = arith.extui %eq3A_3 : i1 to i32
    %cond3A = arith.constant 0 : i32
    %cond3A_4 = arith.cmpi ne, %convert_element_type3A, %cond3A : i32
    scf.if %cond3A_4 {
      "tpu.region"() ({
        %run_scoped3A = tpu.sem_alloc : memref<!tpu.dma_semaphore, #tpu.memory_space<semaphore_mem>>
        %dma_start3A = arith.constant 9984 : i32
        %dma_start3A_20 = arith.constant 0 : i32
        %dma_start3A_21 = tpu.memref_slice %arg10[%dma_start3A, %dma_start3A_20] : memref<10000x64xf32, #tpu.memory_space<vmem_shared>> -> memref<16x64xf32, #tpu.memory_space<vmem_shared>>
        %dma_start3A_22 = arith.constant 9984 : i32
        %dma_start3A_23 = arith.constant 0 : i32
        %dma_start3A_24 = tpu.memref_slice %arg5[%dma_start3A_22, %dma_start3A_23] : memref<10000x64xf32, #tpu.memory_space<hbm>> -> memref<16x64xf32, #tpu.memory_space<hbm>>
        tpu.enqueue_dma source(%dma_start3A_24 : memref<16x64xf32, #tpu.memory_space<hbm>>) target(%dma_start3A_21 : memref<16x64xf32, #tpu.memory_space<vmem_shared>>) target_semaphore(%run_scoped3A : memref<!tpu.dma_semaphore, #tpu.memory_space<semaphore_mem>>)
        %dma_wait3A = arith.constant 9984 : i32
        %dma_wait3A_25 = arith.constant 0 : i32
        %dma_wait3A_26 = tpu.memref_slice %arg10[%dma_wait3A, %dma_wait3A_25] : memref<10000x64xf32, #tpu.memory_space<vmem_shared>> -> memref<16x64xf32, #tpu.memory_space<vmem_shared>>
        %dma_wait3A_27 = arith.constant 9984 : i32
        %dma_wait3A_28 = arith.constant 0 : i32
        %dma_wait3A_29 = tpu.memref_slice %arg5[%dma_wait3A_27, %dma_wait3A_28] : memref<10000x64xf32, #tpu.memory_space<hbm>> -> memref<16x64xf32, #tpu.memory_space<hbm>>
        tpu.wait_dma2 semaphore(%run_scoped3A : memref<!tpu.dma_semaphore, #tpu.memory_space<semaphore_mem>>) src(%dma_wait3A_29 : memref<16x64xf32, #tpu.memory_space<hbm>>) dst(%dma_wait3A_26 : memref<16x64xf32, #tpu.memory_space<vmem_shared>>)
        tpu.yield
      }) : () -> ()
    } else {
    }
    %barrier3A = arith.constant 0 : index
    tpu.barrier barrier_id(%barrier3A)
    %mul3A_5 = arith.constant 10000 : i32
    %mul3A_6 = arith.muli %add3A, %mul3A_5 : i32
    %scan3A = arith.constant 0 : i32
    %scan3A_7 = arith.constant 0 : i32
    %scan3A_8 = arith.constant 125 : i32
    %scan3A_9 = arith.addi %scan3A_7, %scan3A_8 : i32
    %scan3A_10 = arith.constant 1 : i32
    scf.for %scan3A_20 = %scan3A_7 to %scan3A_9 step %scan3A_10  : i32 {
      %mul3A_21 = arith.constant 80 : i32
      %mul3A_22 = arith.muli %scan3A_20, %mul3A_21 : i32
      %add3A_23 = arith.addi %mul3A_6, %mul3A_22 : i32
      "tpu.region"() ({
        %run_scoped3A = tpu.sem_alloc : memref<!tpu.dma_semaphore, #tpu.memory_space<semaphore_mem>>
        %dma_start3A_28 = tpu.memref_slice %arg3[%add3A_23] : memref<320000xi32, #tpu.memory_space<hbm>> -> memref<80xi32, #tpu.memory_space<hbm>>
        %dma_start3A_29 = tpu.memref_slice %arg3[%add3A_23] : memref<320000xi32, #tpu.memory_space<hbm>> -> memref<80xi32, #tpu.memory_space<hbm>>
        tpu.enqueue_dma source(%dma_start3A_29 : memref<80xi32, #tpu.memory_space<hbm>>) target(%arg7 : memref<80xi32, #tpu.memory_space<vmem>>) target_semaphore(%run_scoped3A : memref<!tpu.dma_semaphore, #tpu.memory_space<semaphore_mem>>)
        %dma_wait3A_30 = tpu.memref_slice %arg3[%add3A_23] : memref<320000xi32, #tpu.memory_space<hbm>> -> memref<80xi32, #tpu.memory_space<hbm>>
        %dma_wait3A_31 = tpu.memref_slice %arg3[%add3A_23] : memref<320000xi32, #tpu.memory_space<hbm>> -> memref<80xi32, #tpu.memory_space<hbm>>
        tpu.wait_dma2 semaphore(%run_scoped3A : memref<!tpu.dma_semaphore, #tpu.memory_space<semaphore_mem>>) src(%dma_wait3A_31 : memref<80xi32, #tpu.memory_space<hbm>>) dst(%arg7 : memref<80xi32, #tpu.memory_space<vmem>>)
        tpu.yield
      }) : () -> ()
      "tpu.region"() ({
        %run_scoped3A = tpu.sem_alloc : memref<!tpu.dma_semaphore, #tpu.memory_space<semaphore_mem>>
        %dma_start3A_28 = tpu.memref_slice %arg4[%add3A_23] : memref<320000xi32, #tpu.memory_space<hbm>> -> memref<80xi32, #tpu.memory_space<hbm>>
        %dma_start3A_29 = tpu.memref_slice %arg4[%add3A_23] : memref<320000xi32, #tpu.memory_space<hbm>> -> memref<80xi32, #tpu.memory_space<hbm>>
        tpu.enqueue_dma source(%dma_start3A_29 : memref<80xi32, #tpu.memory_space<hbm>>) target(%arg8 : memref<80xi32, #tpu.memory_space<vmem>>) target_semaphore(%run_scoped3A : memref<!tpu.dma_semaphore, #tpu.memory_space<semaphore_mem>>)
        %dma_wait3A_30 = tpu.memref_slice %arg4[%add3A_23] : memref<320000xi32, #tpu.memory_space<hbm>> -> memref<80xi32, #tpu.memory_space<hbm>>
        %dma_wait3A_31 = tpu.memref_slice %arg4[%add3A_23] : memref<320000xi32, #tpu.memory_space<hbm>> -> memref<80xi32, #tpu.memory_space<hbm>>
        tpu.wait_dma2 semaphore(%run_scoped3A : memref<!tpu.dma_semaphore, #tpu.memory_space<semaphore_mem>>) src(%dma_wait3A_31 : memref<80xi32, #tpu.memory_space<hbm>>) dst(%arg8 : memref<80xi32, #tpu.memory_space<vmem>>)
        tpu.yield
      }) : () -> ()
      %dma_start3A = arith.constant 0 : i32
      %dma_start3A_24 = arith.constant 0 : i32
      %dma_start3A_25 = tpu.memref_slice %arg2[%dma_start3A, %dma_start3A_24] : memref<10000x64xf32, #tpu.memory_space<hbm>> -> memref<10000x64xf32, #tpu.memory_space<hbm>>
      tpu.enqueue_indirect_dma source(%dma_start3A_25 : memref<10000x64xf32, #tpu.memory_space<hbm>>) target(%arg9 : memref<80x64xf32, #tpu.memory_space<vmem>>) offsets(%arg7 : memref<80xi32, #tpu.memory_space<vmem>>) semaphore(%arg11 : memref<!tpu.dma_semaphore, #tpu.memory_space<semaphore_mem>>)
      %dma_wait3A = arith.constant 0 : i32
      %dma_wait3A_26 = arith.constant 0 : i32
      %dma_wait3A_27 = tpu.memref_slice %arg2[%dma_wait3A, %dma_wait3A_26] : memref<10000x64xf32, #tpu.memory_space<hbm>> -> memref<10000x64xf32, #tpu.memory_space<hbm>>
      tpu.wait_indirect_dma semaphore(%arg11 : memref<!tpu.dma_semaphore, #tpu.memory_space<semaphore_mem>>) src(%dma_wait3A_27 : memref<10000x64xf32, #tpu.memory_space<hbm>>) dst(%arg9 : memref<80x64xf32, #tpu.memory_space<vmem>>)
      "tpu.region"() ({
        %run_scoped3A = tpu.sem_alloc : memref<!tpu.dma_semaphore, #tpu.memory_space<semaphore_mem>>
        %dma_start3A_28 = arith.constant 0 : i32
        %dma_start3A_29 = arith.constant 0 : i32
        %dma_start3A_30 = tpu.memref_slice %arg10[%dma_start3A_28, %dma_start3A_29] : memref<10000x64xf32, #tpu.memory_space<vmem_shared>> -> memref<10000x64xf32, #tpu.memory_space<vmem_shared>>
        tpu.enqueue_indirect_dma source(%arg9 : memref<80x64xf32, #tpu.memory_space<vmem>>) target(%dma_start3A_30 : memref<10000x64xf32, #tpu.memory_space<vmem_shared>>) offsets(%arg8 : memref<80xi32, #tpu.memory_space<vmem>>) semaphore(%run_scoped3A : memref<!tpu.dma_semaphore, #tpu.memory_space<semaphore_mem>>) {add = true}
        %dma_wait3A_31 = arith.constant 0 : i32
        %dma_wait3A_32 = arith.constant 0 : i32
        %dma_wait3A_33 = tpu.memref_slice %arg10[%dma_wait3A_31, %dma_wait3A_32] : memref<10000x64xf32, #tpu.memory_space<vmem_shared>> -> memref<10000x64xf32, #tpu.memory_space<vmem_shared>>
        tpu.wait_indirect_dma semaphore(%run_scoped3A : memref<!tpu.dma_semaphore, #tpu.memory_space<semaphore_mem>>) src(%arg9 : memref<80x64xf32, #tpu.memory_space<vmem>>) dst(%dma_wait3A_33 : memref<10000x64xf32, #tpu.memory_space<vmem_shared>>)
        tpu.yield
      }) : () -> ()
    }
    %scan3A_11 = arith.constant 125 : i32
    %barrier3A_12 = arith.constant 0 : index
    tpu.barrier barrier_id(%barrier3A_12)
    %mul3A_13 = arith.constant 624 : i32
    %mul3A_14 = arith.muli %arg1, %mul3A_13 : i32
    "tpu.region"() ({
      %run_scoped3A = tpu.sem_alloc : memref<!tpu.dma_semaphore, #tpu.memory_space<semaphore_mem>>
      %dma_start3A = arith.constant 0 : i32
      %dma_start3A_20 = tpu.memref_slice %arg6[%arg0, %mul3A_14, %dma_start3A] : memref<2x10000x64xf32, #tpu.memory_space<hbm>> -> memref<1x624x64xf32, #tpu.memory_space<hbm>>
      %dma_start3A_21 = tpu.memref_squeeze %dma_start3A_20 : memref<1x624x64xf32, #tpu.memory_space<hbm>> -> memref<624x64xf32, #tpu.memory_space<hbm>>
      %dma_start3A_22 = arith.constant 0 : i32
      %dma_start3A_23 = tpu.memref_slice %arg10[%mul3A_14, %dma_start3A_22] : memref<10000x64xf32, #tpu.memory_space<vmem_shared>> -> memref<624x64xf32, #tpu.memory_space<vmem_shared>>
      tpu.enqueue_dma source(%dma_start3A_23 : memref<624x64xf32, #tpu.memory_space<vmem_shared>>) target(%dma_start3A_21 : memref<624x64xf32, #tpu.memory_space<hbm>>) target_semaphore(%run_scoped3A : memref<!tpu.dma_semaphore, #tpu.memory_space<semaphore_mem>>)
      %dma_wait3A = arith.constant 0 : i32
      %dma_wait3A_24 = tpu.memref_slice %arg6[%arg0, %mul3A_14, %dma_wait3A] : memref<2x10000x64xf32, #tpu.memory_space<hbm>> -> memref<1x624x64xf32, #tpu.memory_space<hbm>>
      %dma_wait3A_25 = tpu.memref_squeeze %dma_wait3A_24 : memref<1x624x64xf32, #tpu.memory_space<hbm>> -> memref<624x64xf32, #tpu.memory_space<hbm>>
      %dma_wait3A_26 = arith.constant 0 : i32
      %dma_wait3A_27 = tpu.memref_slice %arg10[%mul3A_14, %dma_wait3A_26] : memref<10000x64xf32, #tpu.memory_space<vmem_shared>> -> memref<624x64xf32, #tpu.memory_space<vmem_shared>>
      tpu.wait_dma2 semaphore(%run_scoped3A : memref<!tpu.dma_semaphore, #tpu.memory_space<semaphore_mem>>) src(%dma_wait3A_27 : memref<624x64xf32, #tpu.memory_space<vmem_shared>>) dst(%dma_wait3A_25 : memref<624x64xf32, #tpu.memory_space<hbm>>)
      tpu.yield
    }) : () -> ()
    %eq3A_15 = arith.constant 15 : i32
    %eq3A_16 = arith.cmpi eq, %arg1, %eq3A_15 : i32
    %convert_element_type3A_17 = arith.extui %eq3A_16 : i1 to i32
    %cond3A_18 = arith.constant 0 : i32
    %cond3A_19 = arith.cmpi ne, %convert_element_type3A_17, %cond3A_18 : i32
    scf.if %cond3A_19 {
      "tpu.region"() ({
        %run_scoped3A = tpu.sem_alloc : memref<!tpu.dma_semaphore, #tpu.memory_space<semaphore_mem>>
        %dma_start3A = arith.constant 9984 : i32
        %dma_start3A_20 = arith.constant 0 : i32
        %dma_start3A_21 = tpu.memref_slice %arg6[%arg0, %dma_start3A, %dma_start3A_20] : memref<2x10000x64xf32, #tpu.memory_space<hbm>> -> memref<1x16x64xf32, #tpu.memory_space<hbm>>
        %dma_start3A_22 = tpu.memref_squeeze %dma_start3A_21 : memref<1x16x64xf32, #tpu.memory_space<hbm>> -> memref<16x64xf32, #tpu.memory_space<hbm>>
        %dma_start3A_23 = arith.constant 9984 : i32
        %dma_start3A_24 = arith.constant 0 : i32
        %dma_start3A_25 = tpu.memref_slice %arg10[%dma_start3A_23, %dma_start3A_24] : memref<10000x64xf32, #tpu.memory_space<vmem_shared>> -> memref<16x64xf32, #tpu.memory_space<vmem_shared>>
        tpu.enqueue_dma source(%dma_start3A_25 : memref<16x64xf32, #tpu.memory_space<vmem_shared>>) target(%dma_start3A_22 : memref<16x64xf32, #tpu.memory_space<hbm>>) target_semaphore(%run_scoped3A : memref<!tpu.dma_semaphore, #tpu.memory_space<semaphore_mem>>)
        %dma_wait3A = arith.constant 9984 : i32
        %dma_wait3A_26 = arith.constant 0 : i32
        %dma_wait3A_27 = tpu.memref_slice %arg6[%arg0, %dma_wait3A, %dma_wait3A_26] : memref<2x10000x64xf32, #tpu.memory_space<hbm>> -> memref<1x16x64xf32, #tpu.memory_space<hbm>>
        %dma_wait3A_28 = tpu.memref_squeeze %dma_wait3A_27 : memref<1x16x64xf32, #tpu.memory_space<hbm>> -> memref<16x64xf32, #tpu.memory_space<hbm>>
        %dma_wait3A_29 = arith.constant 9984 : i32
        %dma_wait3A_30 = arith.constant 0 : i32
        %dma_wait3A_31 = tpu.memref_slice %arg10[%dma_wait3A_29, %dma_wait3A_30] : memref<10000x64xf32, #tpu.memory_space<vmem_shared>> -> memref<16x64xf32, #tpu.memory_space<vmem_shared>>
        tpu.wait_dma2 semaphore(%run_scoped3A : memref<!tpu.dma_semaphore, #tpu.memory_space<semaphore_mem>>) src(%dma_wait3A_31 : memref<16x64xf32, #tpu.memory_space<vmem_shared>>) dst(%dma_wait3A_28 : memref<16x64xf32, #tpu.memory_space<hbm>>)
        tpu.yield
      }) : () -> ()
    } else {
    }
    return
  }
}

#map = affine_map<(d0, d1) -> (0, 0)>
#map1 = affine_map<(d0, d1) -> (0)>
#map2 = affine_map<(d0, d1) -> (0, 0, 0)>
module attributes {stable_mosaic.version = 14 : i64} {
  func.func @agg(%arg0: i32, %arg1: i32, %arg2: memref<10000x64xf32, #tpu.memory_space<hbm>>, %arg3: memref<320000xi32, #tpu.memory_space<hbm>>, %arg4: memref<320000xi32, #tpu.memory_space<hbm>>, %arg5: memref<10000x64xf32, #tpu.memory_space<hbm>>, %arg6: memref<2x10000x64xf32, #tpu.memory_space<hbm>>, %arg7: memref<80xi32, #tpu.memory_space<vmem>>, %arg8: memref<80xi32, #tpu.memory_space<vmem>>, %arg9: memref<80x64xf32, #tpu.memory_space<vmem>>, %arg10: memref<10000x64xf32, #tpu.memory_space<vmem_shared>>, %arg11: memref<!tpu.dma_semaphore, #tpu.memory_space<semaphore_mem>>) attributes {dimension_semantics = [#tpu.dimension_semantics<core_parallel>, #tpu.dimension_semantics<subcore_parallel>], iteration_bounds = array<i64: 2, 16>, scalar_prefetch = 0 : i64, scratch_operands = 5 : i64, tpu.core_type = #tpu.core_type<sc_vector_subcore>, window_params = [{transform_indices = #map}, {transform_indices = #map1}, {transform_indices = #map1}, {transform_indices = #map}, {transform_indices = #map2}]} {
    %mul3A = arith.constant 16 : i32
    %mul3A_0 = arith.muli %arg0, %mul3A : i32
    %add3A = arith.addi %mul3A_0, %arg1 : i32
    %mul3A_1 = arith.constant 624 : i32
    %mul3A_2 = arith.muli %arg1, %mul3A_1 : i32
    "tpu.region"() ({
      %run_scoped3A = tpu.sem_alloc : memref<!tpu.dma_semaphore, #tpu.memory_space<semaphore_mem>>
      %dma_start3A = arith.constant 0 : i32
      %dma_start3A_20 = tpu.memref_slice %arg10[%mul3A_2, %dma_start3A] : memref<10000x64xf32, #tpu.memory_space<vmem_shared>> -> memref<624x64xf32, #tpu.memory_space<vmem_shared>>
      %dma_start3A_21 = arith.constant 0 : i32
      %dma_start3A_22 = tpu.memref_slice %arg5[%mul3A_2, %dma_start3A_21] : memref<10000x64xf32, #tpu.memory_space<hbm>> -> memref<624x64xf32, #tpu.memory_space<hbm>>
      tpu.enqueue_dma source(%dma_start3A_22 : memref<624x64xf32, #tpu.memory_space<hbm>>) target(%dma_start3A_20 : memref<624x64xf32, #tpu.memory_space<vmem_shared>>) target_semaphore(%run_scoped3A : memref<!tpu.dma_semaphore, #tpu.memory_space<semaphore_mem>>)
      %dma_wait3A = arith.constant 0 : i32
      %dma_wait3A_23 = tpu.memref_slice %arg10[%mul3A_2, %dma_wait3A] : memref<10000x64xf32, #tpu.memory_space<vmem_shared>> -> memref<624x64xf32, #tpu.memory_space<vmem_shared>>
      %dma_wait3A_24 = arith.constant 0 : i32
      %dma_wait3A_25 = tpu.memref_slice %arg5[%mul3A_2, %dma_wait3A_24] : memref<10000x64xf32, #tpu.memory_space<hbm>> -> memref<624x64xf32, #tpu.memory_space<hbm>>
      tpu.wait_dma2 semaphore(%run_scoped3A : memref<!tpu.dma_semaphore, #tpu.memory_space<semaphore_mem>>) src(%dma_wait3A_25 : memref<624x64xf32, #tpu.memory_space<hbm>>) dst(%dma_wait3A_23 : memref<624x64xf32, #tpu.memory_space<vmem_shared>>)
      tpu.yield
    }) : () -> ()
    %eq3A = arith.constant 15 : i32
    %eq3A_3 = arith.cmpi eq, %arg1, %eq3A : i32
    %convert_element_type3A = arith.extui %eq3A_3 : i1 to i32
    %cond3A = arith.constant 0 : i32
    %cond3A_4 = arith.cmpi ne, %convert_element_type3A, %cond3A : i32
    scf.if %cond3A_4 {
      "tpu.region"() ({
        %run_scoped3A = tpu.sem_alloc : memref<!tpu.dma_semaphore, #tpu.memory_space<semaphore_mem>>
        %dma_start3A = arith.constant 9984 : i32
        %dma_start3A_20 = arith.constant 0 : i32
        %dma_start3A_21 = tpu.memref_slice %arg10[%dma_start3A, %dma_start3A_20] : memref<10000x64xf32, #tpu.memory_space<vmem_shared>> -> memref<16x64xf32, #tpu.memory_space<vmem_shared>>
        %dma_start3A_22 = arith.constant 9984 : i32
        %dma_start3A_23 = arith.constant 0 : i32
        %dma_start3A_24 = tpu.memref_slice %arg5[%dma_start3A_22, %dma_start3A_23] : memref<10000x64xf32, #tpu.memory_space<hbm>> -> memref<16x64xf32, #tpu.memory_space<hbm>>
        tpu.enqueue_dma source(%dma_start3A_24 : memref<16x64xf32, #tpu.memory_space<hbm>>) target(%dma_start3A_21 : memref<16x64xf32, #tpu.memory_space<vmem_shared>>) target_semaphore(%run_scoped3A : memref<!tpu.dma_semaphore, #tpu.memory_space<semaphore_mem>>)
        %dma_wait3A = arith.constant 9984 : i32
        %dma_wait3A_25 = arith.constant 0 : i32
        %dma_wait3A_26 = tpu.memref_slice %arg10[%dma_wait3A, %dma_wait3A_25] : memref<10000x64xf32, #tpu.memory_space<vmem_shared>> -> memref<16x64xf32, #tpu.memory_space<vmem_shared>>
        %dma_wait3A_27 = arith.constant 9984 : i32
        %dma_wait3A_28 = arith.constant 0 : i32
        %dma_wait3A_29 = tpu.memref_slice %arg5[%dma_wait3A_27, %dma_wait3A_28] : memref<10000x64xf32, #tpu.memory_space<hbm>> -> memref<16x64xf32, #tpu.memory_space<hbm>>
        tpu.wait_dma2 semaphore(%run_scoped3A : memref<!tpu.dma_semaphore, #tpu.memory_space<semaphore_mem>>) src(%dma_wait3A_29 : memref<16x64xf32, #tpu.memory_space<hbm>>) dst(%dma_wait3A_26 : memref<16x64xf32, #tpu.memory_space<vmem_shared>>)
        tpu.yield
      }) : () -> ()
    } else {
    }
    %barrier3A = arith.constant 0 : index
    tpu.barrier barrier_id(%barrier3A)
    %mul3A_5 = arith.constant 10000 : i32
    %mul3A_6 = arith.muli %add3A, %mul3A_5 : i32
    %scan3A = arith.constant 0 : i32
    %scan3A_7 = arith.constant 0 : i32
    %scan3A_8 = arith.constant 125 : i32
    %scan3A_9 = arith.addi %scan3A_7, %scan3A_8 : i32
    %scan3A_10 = arith.constant 1 : i32
    scf.for %scan3A_20 = %scan3A_7 to %scan3A_9 step %scan3A_10  : i32 {
      %mul3A_21 = arith.constant 80 : i32
      %mul3A_22 = arith.muli %scan3A_20, %mul3A_21 : i32
      %add3A_23 = arith.addi %mul3A_6, %mul3A_22 : i32
      "tpu.region"() ({
        %run_scoped3A = tpu.sem_alloc : memref<!tpu.dma_semaphore, #tpu.memory_space<semaphore_mem>>
        %dma_start3A_28 = tpu.memref_slice %arg3[%add3A_23] : memref<320000xi32, #tpu.memory_space<hbm>> -> memref<80xi32, #tpu.memory_space<hbm>>
        %dma_start3A_29 = tpu.memref_slice %arg3[%add3A_23] : memref<320000xi32, #tpu.memory_space<hbm>> -> memref<80xi32, #tpu.memory_space<hbm>>
        tpu.enqueue_dma source(%dma_start3A_29 : memref<80xi32, #tpu.memory_space<hbm>>) target(%arg7 : memref<80xi32, #tpu.memory_space<vmem>>) target_semaphore(%run_scoped3A : memref<!tpu.dma_semaphore, #tpu.memory_space<semaphore_mem>>)
        %dma_wait3A_30 = tpu.memref_slice %arg3[%add3A_23] : memref<320000xi32, #tpu.memory_space<hbm>> -> memref<80xi32, #tpu.memory_space<hbm>>
        %dma_wait3A_31 = tpu.memref_slice %arg3[%add3A_23] : memref<320000xi32, #tpu.memory_space<hbm>> -> memref<80xi32, #tpu.memory_space<hbm>>
        tpu.wait_dma2 semaphore(%run_scoped3A : memref<!tpu.dma_semaphore, #tpu.memory_space<semaphore_mem>>) src(%dma_wait3A_31 : memref<80xi32, #tpu.memory_space<hbm>>) dst(%arg7 : memref<80xi32, #tpu.memory_space<vmem>>)
        tpu.yield
      }) : () -> ()
      "tpu.region"() ({
        %run_scoped3A = tpu.sem_alloc : memref<!tpu.dma_semaphore, #tpu.memory_space<semaphore_mem>>
        %dma_start3A_28 = tpu.memref_slice %arg4[%add3A_23] : memref<320000xi32, #tpu.memory_space<hbm>> -> memref<80xi32, #tpu.memory_space<hbm>>
        %dma_start3A_29 = tpu.memref_slice %arg4[%add3A_23] : memref<320000xi32, #tpu.memory_space<hbm>> -> memref<80xi32, #tpu.memory_space<hbm>>
        tpu.enqueue_dma source(%dma_start3A_29 : memref<80xi32, #tpu.memory_space<hbm>>) target(%arg8 : memref<80xi32, #tpu.memory_space<vmem>>) target_semaphore(%run_scoped3A : memref<!tpu.dma_semaphore, #tpu.memory_space<semaphore_mem>>)
        %dma_wait3A_30 = tpu.memref_slice %arg4[%add3A_23] : memref<320000xi32, #tpu.memory_space<hbm>> -> memref<80xi32, #tpu.memory_space<hbm>>
        %dma_wait3A_31 = tpu.memref_slice %arg4[%add3A_23] : memref<320000xi32, #tpu.memory_space<hbm>> -> memref<80xi32, #tpu.memory_space<hbm>>
        tpu.wait_dma2 semaphore(%run_scoped3A : memref<!tpu.dma_semaphore, #tpu.memory_space<semaphore_mem>>) src(%dma_wait3A_31 : memref<80xi32, #tpu.memory_space<hbm>>) dst(%arg8 : memref<80xi32, #tpu.memory_space<vmem>>)
        tpu.yield
      }) : () -> ()
      %dma_start3A = arith.constant 0 : i32
      %dma_start3A_24 = arith.constant 0 : i32
      %dma_start3A_25 = tpu.memref_slice %arg2[%dma_start3A, %dma_start3A_24] : memref<10000x64xf32, #tpu.memory_space<hbm>> -> memref<10000x64xf32, #tpu.memory_space<hbm>>
      tpu.enqueue_indirect_dma source(%dma_start3A_25 : memref<10000x64xf32, #tpu.memory_space<hbm>>) target(%arg9 : memref<80x64xf32, #tpu.memory_space<vmem>>) offsets(%arg7 : memref<80xi32, #tpu.memory_space<vmem>>) semaphore(%arg11 : memref<!tpu.dma_semaphore, #tpu.memory_space<semaphore_mem>>)
      %dma_wait3A = arith.constant 0 : i32
      %dma_wait3A_26 = arith.constant 0 : i32
      %dma_wait3A_27 = tpu.memref_slice %arg2[%dma_wait3A, %dma_wait3A_26] : memref<10000x64xf32, #tpu.memory_space<hbm>> -> memref<10000x64xf32, #tpu.memory_space<hbm>>
      tpu.wait_indirect_dma semaphore(%arg11 : memref<!tpu.dma_semaphore, #tpu.memory_space<semaphore_mem>>) src(%dma_wait3A_27 : memref<10000x64xf32, #tpu.memory_space<hbm>>) dst(%arg9 : memref<80x64xf32, #tpu.memory_space<vmem>>)
      "tpu.region"() ({
        %run_scoped3A = tpu.sem_alloc : memref<!tpu.dma_semaphore, #tpu.memory_space<semaphore_mem>>
        %dma_start3A_28 = arith.constant 0 : i32
        %dma_start3A_29 = arith.constant 0 : i32
        %dma_start3A_30 = tpu.memref_slice %arg10[%dma_start3A_28, %dma_start3A_29] : memref<10000x64xf32, #tpu.memory_space<vmem_shared>> -> memref<10000x64xf32, #tpu.memory_space<vmem_shared>>
        tpu.enqueue_indirect_dma source(%arg9 : memref<80x64xf32, #tpu.memory_space<vmem>>) target(%dma_start3A_30 : memref<10000x64xf32, #tpu.memory_space<vmem_shared>>) offsets(%arg8 : memref<80xi32, #tpu.memory_space<vmem>>) semaphore(%run_scoped3A : memref<!tpu.dma_semaphore, #tpu.memory_space<semaphore_mem>>) {add = true}
        %dma_wait3A_31 = arith.constant 0 : i32
        %dma_wait3A_32 = arith.constant 0 : i32
        %dma_wait3A_33 = tpu.memref_slice %arg10[%dma_wait3A_31, %dma_wait3A_32] : memref<10000x64xf32, #tpu.memory_space<vmem_shared>> -> memref<10000x64xf32, #tpu.memory_space<vmem_shared>>
        tpu.wait_indirect_dma semaphore(%run_scoped3A : memref<!tpu.dma_semaphore, #tpu.memory_space<semaphore_mem>>) src(%arg9 : memref<80x64xf32, #tpu.memory_space<vmem>>) dst(%dma_wait3A_33 : memref<10000x64xf32, #tpu.memory_space<vmem_shared>>)
        tpu.yield
      }) : () -> ()
    }
    %scan3A_11 = arith.constant 125 : i32
    %barrier3A_12 = arith.constant 0 : index
    tpu.barrier barrier_id(%barrier3A_12)
    %mul3A_13 = arith.constant 624 : i32
    %mul3A_14 = arith.muli %arg1, %mul3A_13 : i32
    "tpu.region"() ({
      %run_scoped3A = tpu.sem_alloc : memref<!tpu.dma_semaphore, #tpu.memory_space<semaphore_mem>>
      %dma_start3A = arith.constant 0 : i32
      %dma_start3A_20 = tpu.memref_slice %arg6[%arg0, %mul3A_14, %dma_start3A] : memref<2x10000x64xf32, #tpu.memory_space<hbm>> -> memref<1x624x64xf32, #tpu.memory_space<hbm>>
      %dma_start3A_21 = tpu.memref_squeeze %dma_start3A_20 : memref<1x624x64xf32, #tpu.memory_space<hbm>> -> memref<624x64xf32, #tpu.memory_space<hbm>>
      %dma_start3A_22 = arith.constant 0 : i32
      %dma_start3A_23 = tpu.memref_slice %arg10[%mul3A_14, %dma_start3A_22] : memref<10000x64xf32, #tpu.memory_space<vmem_shared>> -> memref<624x64xf32, #tpu.memory_space<vmem_shared>>
      tpu.enqueue_dma source(%dma_start3A_23 : memref<624x64xf32, #tpu.memory_space<vmem_shared>>) target(%dma_start3A_21 : memref<624x64xf32, #tpu.memory_space<hbm>>) target_semaphore(%run_scoped3A : memref<!tpu.dma_semaphore, #tpu.memory_space<semaphore_mem>>)
      %dma_wait3A = arith.constant 0 : i32
      %dma_wait3A_24 = tpu.memref_slice %arg6[%arg0, %mul3A_14, %dma_wait3A] : memref<2x10000x64xf32, #tpu.memory_space<hbm>> -> memref<1x624x64xf32, #tpu.memory_space<hbm>>
      %dma_wait3A_25 = tpu.memref_squeeze %dma_wait3A_24 : memref<1x624x64xf32, #tpu.memory_space<hbm>> -> memref<624x64xf32, #tpu.memory_space<hbm>>
      %dma_wait3A_26 = arith.constant 0 : i32
      %dma_wait3A_27 = tpu.memref_slice %arg10[%mul3A_14, %dma_wait3A_26] : memref<10000x64xf32, #tpu.memory_space<vmem_shared>> -> memref<624x64xf32, #tpu.memory_space<vmem_shared>>
      tpu.wait_dma2 semaphore(%run_scoped3A : memref<!tpu.dma_semaphore, #tpu.memory_space<semaphore_mem>>) src(%dma_wait3A_27 : memref<624x64xf32, #tpu.memory_space<vmem_shared>>) dst(%dma_wait3A_25 : memref<624x64xf32, #tpu.memory_space<hbm>>)
      tpu.yield
    }) : () -> ()
    %eq3A_15 = arith.constant 15 : i32
    %eq3A_16 = arith.cmpi eq, %arg1, %eq3A_15 : i32
    %convert_element_type3A_17 = arith.extui %eq3A_16 : i1 to i32
    %cond3A_18 = arith.constant 0 : i32
    %cond3A_19 = arith.cmpi ne, %convert_element_type3A_17, %cond3A_18 : i32
    scf.if %cond3A_19 {
      "tpu.region"() ({
        %run_scoped3A = tpu.sem_alloc : memref<!tpu.dma_semaphore, #tpu.memory_space<semaphore_mem>>
        %dma_start3A = arith.constant 9984 : i32
        %dma_start3A_20 = arith.constant 0 : i32
        %dma_start3A_21 = tpu.memref_slice %arg6[%arg0, %dma_start3A, %dma_start3A_20] : memref<2x10000x64xf32, #tpu.memory_space<hbm>> -> memref<1x16x64xf32, #tpu.memory_space<hbm>>
        %dma_start3A_22 = tpu.memref_squeeze %dma_start3A_21 : memref<1x16x64xf32, #tpu.memory_space<hbm>> -> memref<16x64xf32, #tpu.memory_space<hbm>>
        %dma_start3A_23 = arith.constant 9984 : i32
        %dma_start3A_24 = arith.constant 0 : i32
        %dma_start3A_25 = tpu.memref_slice %arg10[%dma_start3A_23, %dma_start3A_24] : memref<10000x64xf32, #tpu.memory_space<vmem_shared>> -> memref<16x64xf32, #tpu.memory_space<vmem_shared>>
        tpu.enqueue_dma source(%dma_start3A_25 : memref<16x64xf32, #tpu.memory_space<vmem_shared>>) target(%dma_start3A_22 : memref<16x64xf32, #tpu.memory_space<hbm>>) target_semaphore(%run_scoped3A : memref<!tpu.dma_semaphore, #tpu.memory_space<semaphore_mem>>)
        %dma_wait3A = arith.constant 9984 : i32
        %dma_wait3A_26 = arith.constant 0 : i32
        %dma_wait3A_27 = tpu.memref_slice %arg6[%arg0, %dma_wait3A, %dma_wait3A_26] : memref<2x10000x64xf32, #tpu.memory_space<hbm>> -> memref<1x16x64xf32, #tpu.memory_space<hbm>>
        %dma_wait3A_28 = tpu.memref_squeeze %dma_wait3A_27 : memref<1x16x64xf32, #tpu.memory_space<hbm>> -> memref<16x64xf32, #tpu.memory_space<hbm>>
        %dma_wait3A_29 = arith.constant 9984 : i32
        %dma_wait3A_30 = arith.constant 0 : i32
        %dma_wait3A_31 = tpu.memref_slice %arg10[%dma_wait3A_29, %dma_wait3A_30] : memref<10000x64xf32, #tpu.memory_space<vmem_shared>> -> memref<16x64xf32, #tpu.memory_space<vmem_shared>>
        tpu.wait_dma2 semaphore(%run_scoped3A : memref<!tpu.dma_semaphore, #tpu.memory_space<semaphore_mem>>) src(%dma_wait3A_31 : memref<16x64xf32, #tpu.memory_space<vmem_shared>>) dst(%dma_wait3A_28 : memref<16x64xf32, #tpu.memory_space<hbm>>)
        tpu.yield
      }) : () -> ()
    } else {
    }
    return
  }
}

#map = affine_map<(d0, d1) -> (0, 0)>
#map1 = affine_map<(d0, d1) -> (0)>
#map2 = affine_map<(d0, d1) -> (0, 0, 0)>
module attributes {stable_mosaic.version = 14 : i64} {
  func.func @pool(%arg0: i32, %arg1: i32, %arg2: memref<10000x64xf32, #tpu.memory_space<hbm>>, %arg3: memref<10000xi32, #tpu.memory_space<hbm>>, %arg4: memref<128x64xf32, #tpu.memory_space<hbm>>, %arg5: memref<2x128x64xf32, #tpu.memory_space<hbm>>, %arg6: memref<104xi32, #tpu.memory_space<vmem>>, %arg7: memref<104x64xf32, #tpu.memory_space<vmem>>, %arg8: memref<16xi32, #tpu.memory_space<vmem>>, %arg9: memref<16x64xf32, #tpu.memory_space<vmem>>, %arg10: memref<128x64xf32, #tpu.memory_space<vmem_shared>>, %arg11: memref<!tpu.dma_semaphore, #tpu.memory_space<semaphore_mem>>) attributes {dimension_semantics = [#tpu.dimension_semantics<core_parallel>, #tpu.dimension_semantics<subcore_parallel>], iteration_bounds = array<i64: 2, 16>, scalar_prefetch = 0 : i64, scratch_operands = 6 : i64, tpu.core_type = #tpu.core_type<sc_vector_subcore>, window_params = [{transform_indices = #map}, {transform_indices = #map1}, {transform_indices = #map}, {transform_indices = #map2}]} {
    %mul3A = arith.constant 16 : i32
    %mul3A_0 = arith.muli %arg0, %mul3A : i32
    %add3A = arith.addi %mul3A_0, %arg1 : i32
    %mul3A_1 = arith.constant 8 : i32
    %mul3A_2 = arith.muli %arg1, %mul3A_1 : i32
    "tpu.region"() ({
      %run_scoped3A = tpu.sem_alloc : memref<!tpu.dma_semaphore, #tpu.memory_space<semaphore_mem>>
      %dma_start3A = arith.constant 0 : i32
      %dma_start3A_13 = tpu.memref_slice %arg10[%mul3A_2, %dma_start3A] : memref<128x64xf32, #tpu.memory_space<vmem_shared>> -> memref<8x64xf32, #tpu.memory_space<vmem_shared>>
      %dma_start3A_14 = arith.constant 0 : i32
      %dma_start3A_15 = tpu.memref_slice %arg4[%mul3A_2, %dma_start3A_14] : memref<128x64xf32, #tpu.memory_space<hbm>> -> memref<8x64xf32, #tpu.memory_space<hbm>>
      tpu.enqueue_dma source(%dma_start3A_15 : memref<8x64xf32, #tpu.memory_space<hbm>>) target(%dma_start3A_13 : memref<8x64xf32, #tpu.memory_space<vmem_shared>>) target_semaphore(%run_scoped3A : memref<!tpu.dma_semaphore, #tpu.memory_space<semaphore_mem>>)
      %dma_wait3A = arith.constant 0 : i32
      %dma_wait3A_16 = tpu.memref_slice %arg10[%mul3A_2, %dma_wait3A] : memref<128x64xf32, #tpu.memory_space<vmem_shared>> -> memref<8x64xf32, #tpu.memory_space<vmem_shared>>
      %dma_wait3A_17 = arith.constant 0 : i32
      %dma_wait3A_18 = tpu.memref_slice %arg4[%mul3A_2, %dma_wait3A_17] : memref<128x64xf32, #tpu.memory_space<hbm>> -> memref<8x64xf32, #tpu.memory_space<hbm>>
      tpu.wait_dma2 semaphore(%run_scoped3A : memref<!tpu.dma_semaphore, #tpu.memory_space<semaphore_mem>>) src(%dma_wait3A_18 : memref<8x64xf32, #tpu.memory_space<hbm>>) dst(%dma_wait3A_16 : memref<8x64xf32, #tpu.memory_space<vmem_shared>>)
      tpu.yield
    }) : () -> ()
    %barrier3A = arith.constant 0 : index
    tpu.barrier barrier_id(%barrier3A)
    %mul3A_3 = arith.constant 312 : i32
    %mul3A_4 = arith.muli %add3A, %mul3A_3 : i32
    %scan3A = arith.constant 0 : i32
    %scan3A_5 = arith.constant 0 : i32
    %scan3A_6 = arith.constant 3 : i32
    %scan3A_7 = arith.addi %scan3A_5, %scan3A_6 : i32
    %scan3A_8 = arith.constant 1 : i32
    scf.for %scan3A_13 = %scan3A_5 to %scan3A_7 step %scan3A_8  : i32 {
      %mul3A_14 = arith.constant 104 : i32
      %mul3A_15 = arith.muli %scan3A_13, %mul3A_14 : i32
      %add3A_16 = arith.addi %mul3A_4, %mul3A_15 : i32
      "tpu.region"() ({
        %run_scoped3A = tpu.sem_alloc : memref<!tpu.dma_semaphore, #tpu.memory_space<semaphore_mem>>
        %dma_start3A = tpu.memref_slice %arg3[%add3A_16] : memref<10000xi32, #tpu.memory_space<hbm>> -> memref<104xi32, #tpu.memory_space<hbm>>
        %dma_start3A_17 = tpu.memref_slice %arg3[%add3A_16] : memref<10000xi32, #tpu.memory_space<hbm>> -> memref<104xi32, #tpu.memory_space<hbm>>
        tpu.enqueue_dma source(%dma_start3A_17 : memref<104xi32, #tpu.memory_space<hbm>>) target(%arg6 : memref<104xi32, #tpu.memory_space<vmem>>) target_semaphore(%run_scoped3A : memref<!tpu.dma_semaphore, #tpu.memory_space<semaphore_mem>>)
        %dma_wait3A = tpu.memref_slice %arg3[%add3A_16] : memref<10000xi32, #tpu.memory_space<hbm>> -> memref<104xi32, #tpu.memory_space<hbm>>
        %dma_wait3A_18 = tpu.memref_slice %arg3[%add3A_16] : memref<10000xi32, #tpu.memory_space<hbm>> -> memref<104xi32, #tpu.memory_space<hbm>>
        tpu.wait_dma2 semaphore(%run_scoped3A : memref<!tpu.dma_semaphore, #tpu.memory_space<semaphore_mem>>) src(%dma_wait3A_18 : memref<104xi32, #tpu.memory_space<hbm>>) dst(%arg6 : memref<104xi32, #tpu.memory_space<vmem>>)
        tpu.yield
      }) : () -> ()
      "tpu.region"() ({
        %run_scoped3A = tpu.sem_alloc : memref<!tpu.dma_semaphore, #tpu.memory_space<semaphore_mem>>
        %dma_start3A = arith.constant 0 : i32
        %dma_start3A_17 = tpu.memref_slice %arg2[%add3A_16, %dma_start3A] : memref<10000x64xf32, #tpu.memory_space<hbm>> -> memref<104x64xf32, #tpu.memory_space<hbm>>
        %dma_start3A_18 = arith.constant 0 : i32
        %dma_start3A_19 = tpu.memref_slice %arg2[%add3A_16, %dma_start3A_18] : memref<10000x64xf32, #tpu.memory_space<hbm>> -> memref<104x64xf32, #tpu.memory_space<hbm>>
        tpu.enqueue_dma source(%dma_start3A_19 : memref<104x64xf32, #tpu.memory_space<hbm>>) target(%arg7 : memref<104x64xf32, #tpu.memory_space<vmem>>) target_semaphore(%run_scoped3A : memref<!tpu.dma_semaphore, #tpu.memory_space<semaphore_mem>>)
        %dma_wait3A = arith.constant 0 : i32
        %dma_wait3A_20 = tpu.memref_slice %arg2[%add3A_16, %dma_wait3A] : memref<10000x64xf32, #tpu.memory_space<hbm>> -> memref<104x64xf32, #tpu.memory_space<hbm>>
        %dma_wait3A_21 = arith.constant 0 : i32
        %dma_wait3A_22 = tpu.memref_slice %arg2[%add3A_16, %dma_wait3A_21] : memref<10000x64xf32, #tpu.memory_space<hbm>> -> memref<104x64xf32, #tpu.memory_space<hbm>>
        tpu.wait_dma2 semaphore(%run_scoped3A : memref<!tpu.dma_semaphore, #tpu.memory_space<semaphore_mem>>) src(%dma_wait3A_22 : memref<104x64xf32, #tpu.memory_space<hbm>>) dst(%arg7 : memref<104x64xf32, #tpu.memory_space<vmem>>)
        tpu.yield
      }) : () -> ()
      "tpu.region"() ({
        %run_scoped3A = tpu.sem_alloc : memref<!tpu.dma_semaphore, #tpu.memory_space<semaphore_mem>>
        %dma_start3A = arith.constant 0 : i32
        %dma_start3A_17 = arith.constant 0 : i32
        %dma_start3A_18 = tpu.memref_slice %arg10[%dma_start3A, %dma_start3A_17] : memref<128x64xf32, #tpu.memory_space<vmem_shared>> -> memref<128x64xf32, #tpu.memory_space<vmem_shared>>
        tpu.enqueue_indirect_dma source(%arg7 : memref<104x64xf32, #tpu.memory_space<vmem>>) target(%dma_start3A_18 : memref<128x64xf32, #tpu.memory_space<vmem_shared>>) offsets(%arg6 : memref<104xi32, #tpu.memory_space<vmem>>) semaphore(%run_scoped3A : memref<!tpu.dma_semaphore, #tpu.memory_space<semaphore_mem>>) {add = true}
        %dma_wait3A = arith.constant 0 : i32
        %dma_wait3A_19 = arith.constant 0 : i32
        %dma_wait3A_20 = tpu.memref_slice %arg10[%dma_wait3A, %dma_wait3A_19] : memref<128x64xf32, #tpu.memory_space<vmem_shared>> -> memref<128x64xf32, #tpu.memory_space<vmem_shared>>
        tpu.wait_indirect_dma semaphore(%run_scoped3A : memref<!tpu.dma_semaphore, #tpu.memory_space<semaphore_mem>>) src(%arg7 : memref<104x64xf32, #tpu.memory_space<vmem>>) dst(%dma_wait3A_20 : memref<128x64xf32, #tpu.memory_space<vmem_shared>>)
        tpu.yield
      }) : () -> ()
    }
    %scan3A_9 = arith.constant 3 : i32
    %eq3A = arith.constant 31 : i32
    %eq3A_10 = arith.cmpi eq, %add3A, %eq3A : i32
    %convert_element_type3A = arith.extui %eq3A_10 : i1 to i32
    %cond3A = arith.constant 0 : i32
    %cond3A_11 = arith.cmpi ne, %convert_element_type3A, %cond3A : i32
    scf.if %cond3A_11 {
      "tpu.region"() ({
        %run_scoped3A = tpu.sem_alloc : memref<!tpu.dma_semaphore, #tpu.memory_space<semaphore_mem>>
        %dma_start3A = arith.constant 9984 : i32
        %dma_start3A_13 = tpu.memref_slice %arg3[%dma_start3A] : memref<10000xi32, #tpu.memory_space<hbm>> -> memref<16xi32, #tpu.memory_space<hbm>>
        %dma_start3A_14 = arith.constant 9984 : i32
        %dma_start3A_15 = tpu.memref_slice %arg3[%dma_start3A_14] : memref<10000xi32, #tpu.memory_space<hbm>> -> memref<16xi32, #tpu.memory_space<hbm>>
        tpu.enqueue_dma source(%dma_start3A_15 : memref<16xi32, #tpu.memory_space<hbm>>) target(%arg8 : memref<16xi32, #tpu.memory_space<vmem>>) target_semaphore(%run_scoped3A : memref<!tpu.dma_semaphore, #tpu.memory_space<semaphore_mem>>)
        %dma_wait3A = arith.constant 9984 : i32
        %dma_wait3A_16 = tpu.memref_slice %arg3[%dma_wait3A] : memref<10000xi32, #tpu.memory_space<hbm>> -> memref<16xi32, #tpu.memory_space<hbm>>
        %dma_wait3A_17 = arith.constant 9984 : i32
        %dma_wait3A_18 = tpu.memref_slice %arg3[%dma_wait3A_17] : memref<10000xi32, #tpu.memory_space<hbm>> -> memref<16xi32, #tpu.memory_space<hbm>>
        tpu.wait_dma2 semaphore(%run_scoped3A : memref<!tpu.dma_semaphore, #tpu.memory_space<semaphore_mem>>) src(%dma_wait3A_18 : memref<16xi32, #tpu.memory_space<hbm>>) dst(%arg8 : memref<16xi32, #tpu.memory_space<vmem>>)
        tpu.yield
      }) : () -> ()
      "tpu.region"() ({
        %run_scoped3A = tpu.sem_alloc : memref<!tpu.dma_semaphore, #tpu.memory_space<semaphore_mem>>
        %dma_start3A = arith.constant 9984 : i32
        %dma_start3A_13 = arith.constant 0 : i32
        %dma_start3A_14 = tpu.memref_slice %arg2[%dma_start3A, %dma_start3A_13] : memref<10000x64xf32, #tpu.memory_space<hbm>> -> memref<16x64xf32, #tpu.memory_space<hbm>>
        %dma_start3A_15 = arith.constant 9984 : i32
        %dma_start3A_16 = arith.constant 0 : i32
        %dma_start3A_17 = tpu.memref_slice %arg2[%dma_start3A_15, %dma_start3A_16] : memref<10000x64xf32, #tpu.memory_space<hbm>> -> memref<16x64xf32, #tpu.memory_space<hbm>>
        tpu.enqueue_dma source(%dma_start3A_17 : memref<16x64xf32, #tpu.memory_space<hbm>>) target(%arg9 : memref<16x64xf32, #tpu.memory_space<vmem>>) target_semaphore(%run_scoped3A : memref<!tpu.dma_semaphore, #tpu.memory_space<semaphore_mem>>)
        %dma_wait3A = arith.constant 9984 : i32
        %dma_wait3A_18 = arith.constant 0 : i32
        %dma_wait3A_19 = tpu.memref_slice %arg2[%dma_wait3A, %dma_wait3A_18] : memref<10000x64xf32, #tpu.memory_space<hbm>> -> memref<16x64xf32, #tpu.memory_space<hbm>>
        %dma_wait3A_20 = arith.constant 9984 : i32
        %dma_wait3A_21 = arith.constant 0 : i32
        %dma_wait3A_22 = tpu.memref_slice %arg2[%dma_wait3A_20, %dma_wait3A_21] : memref<10000x64xf32, #tpu.memory_space<hbm>> -> memref<16x64xf32, #tpu.memory_space<hbm>>
        tpu.wait_dma2 semaphore(%run_scoped3A : memref<!tpu.dma_semaphore, #tpu.memory_space<semaphore_mem>>) src(%dma_wait3A_22 : memref<16x64xf32, #tpu.memory_space<hbm>>) dst(%arg9 : memref<16x64xf32, #tpu.memory_space<vmem>>)
        tpu.yield
      }) : () -> ()
      "tpu.region"() ({
        %run_scoped3A = tpu.sem_alloc : memref<!tpu.dma_semaphore, #tpu.memory_space<semaphore_mem>>
        %dma_start3A = arith.constant 0 : i32
        %dma_start3A_13 = arith.constant 0 : i32
        %dma_start3A_14 = tpu.memref_slice %arg10[%dma_start3A, %dma_start3A_13] : memref<128x64xf32, #tpu.memory_space<vmem_shared>> -> memref<128x64xf32, #tpu.memory_space<vmem_shared>>
        tpu.enqueue_indirect_dma source(%arg9 : memref<16x64xf32, #tpu.memory_space<vmem>>) target(%dma_start3A_14 : memref<128x64xf32, #tpu.memory_space<vmem_shared>>) offsets(%arg8 : memref<16xi32, #tpu.memory_space<vmem>>) semaphore(%run_scoped3A : memref<!tpu.dma_semaphore, #tpu.memory_space<semaphore_mem>>) {add = true}
        %dma_wait3A = arith.constant 0 : i32
        %dma_wait3A_15 = arith.constant 0 : i32
        %dma_wait3A_16 = tpu.memref_slice %arg10[%dma_wait3A, %dma_wait3A_15] : memref<128x64xf32, #tpu.memory_space<vmem_shared>> -> memref<128x64xf32, #tpu.memory_space<vmem_shared>>
        tpu.wait_indirect_dma semaphore(%run_scoped3A : memref<!tpu.dma_semaphore, #tpu.memory_space<semaphore_mem>>) src(%arg9 : memref<16x64xf32, #tpu.memory_space<vmem>>) dst(%dma_wait3A_16 : memref<128x64xf32, #tpu.memory_space<vmem_shared>>)
        tpu.yield
      }) : () -> ()
    } else {
    }
    %barrier3A_12 = arith.constant 0 : index
    tpu.barrier barrier_id(%barrier3A_12)
    "tpu.region"() ({
      %run_scoped3A = tpu.sem_alloc : memref<!tpu.dma_semaphore, #tpu.memory_space<semaphore_mem>>
      %dma_start3A = arith.constant 0 : i32
      %dma_start3A_13 = tpu.memref_slice %arg5[%arg0, %mul3A_2, %dma_start3A] : memref<2x128x64xf32, #tpu.memory_space<hbm>> -> memref<1x8x64xf32, #tpu.memory_space<hbm>>
      %dma_start3A_14 = tpu.memref_squeeze %dma_start3A_13 : memref<1x8x64xf32, #tpu.memory_space<hbm>> -> memref<8x64xf32, #tpu.memory_space<hbm>>
      %dma_start3A_15 = arith.constant 0 : i32
      %dma_start3A_16 = tpu.memref_slice %arg10[%mul3A_2, %dma_start3A_15] : memref<128x64xf32, #tpu.memory_space<vmem_shared>> -> memref<8x64xf32, #tpu.memory_space<vmem_shared>>
      tpu.enqueue_dma source(%dma_start3A_16 : memref<8x64xf32, #tpu.memory_space<vmem_shared>>) target(%dma_start3A_14 : memref<8x64xf32, #tpu.memory_space<hbm>>) target_semaphore(%run_scoped3A : memref<!tpu.dma_semaphore, #tpu.memory_space<semaphore_mem>>)
      %dma_wait3A = arith.constant 0 : i32
      %dma_wait3A_17 = tpu.memref_slice %arg5[%arg0, %mul3A_2, %dma_wait3A] : memref<2x128x64xf32, #tpu.memory_space<hbm>> -> memref<1x8x64xf32, #tpu.memory_space<hbm>>
      %dma_wait3A_18 = tpu.memref_squeeze %dma_wait3A_17 : memref<1x8x64xf32, #tpu.memory_space<hbm>> -> memref<8x64xf32, #tpu.memory_space<hbm>>
      %dma_wait3A_19 = arith.constant 0 : i32
      %dma_wait3A_20 = tpu.memref_slice %arg10[%mul3A_2, %dma_wait3A_19] : memref<128x64xf32, #tpu.memory_space<vmem_shared>> -> memref<8x64xf32, #tpu.memory_space<vmem_shared>>
      tpu.wait_dma2 semaphore(%run_scoped3A : memref<!tpu.dma_semaphore, #tpu.memory_space<semaphore_mem>>) src(%dma_wait3A_20 : memref<8x64xf32, #tpu.memory_space<vmem_shared>>) dst(%dma_wait3A_18 : memref<8x64xf32, #tpu.memory_space<hbm>>)
      tpu.yield
    }) : () -> ()
    return
  }
}

module attributes {stable_mosaic.version = 14 : i64} {
  func.func @_pre_body(%arg0: memref<10000x128xf32, #tpu.memory_space<vmem>>, %arg1: memref<128x32xf32, #tpu.memory_space<vmem>>, %arg2: memref<1x32xf32, #tpu.memory_space<vmem>>, %arg3: memref<1x32xf32, #tpu.memory_space<vmem>>, %arg4: memref<1x32xf32, #tpu.memory_space<vmem>>, %arg5: memref<10000x32xf32, #tpu.memory_space<vmem>>) attributes {dimension_semantics = [], scalar_prefetch = 0 : i64, scratch_operands = 0 : i64, tpu.core_type = #tpu.core_type<tc>} {
    %get3A = arith.constant 0 : index
    %get3A_0 = arith.constant 0 : index
    %get3A_1 = vector.load %arg0[%get3A, %get3A_0] : memref<10000x128xf32, #tpu.memory_space<vmem>>, vector<10000x128xf32>
    %get3A_2 = arith.constant 0 : index
    %get3A_3 = arith.constant 0 : index
    %get3A_4 = vector.load %arg1[%get3A_2, %get3A_3] : memref<128x32xf32, #tpu.memory_space<vmem>>, vector<128x32xf32>
    %dot_general3A = arith.constant dense<0.000000e+00> : vector<10000x32xf32>
    %dot_general3A_5 = tpu.matmul %get3A_1, %get3A_4, %dot_general3A {dimension_numbers = #tpu.dot_dimension_numbers<[1], [0], [0], [1], [0, 0, 1, 1], [], []>, transpose_lhs_hint = false} : vector<10000x128xf32>, vector<128x32xf32>, vector<10000x32xf32> -> vector<10000x32xf32>
    %get3A_6 = arith.constant 0 : index
    %get3A_7 = arith.constant 0 : index
    %get3A_8 = vector.load %arg2[%get3A_6, %get3A_7] : memref<1x32xf32, #tpu.memory_space<vmem>>, vector<1x32xf32>
    %add3A = vector.broadcast %get3A_8 : vector<1x32xf32> to vector<10000x32xf32>
    %add3A_9 = arith.addf %dot_general3A_5, %add3A : vector<10000x32xf32>
    %get3A_10 = arith.constant 0 : index
    %get3A_11 = arith.constant 0 : index
    %get3A_12 = vector.load %arg3[%get3A_10, %get3A_11] : memref<1x32xf32, #tpu.memory_space<vmem>>, vector<1x32xf32>
    %get3A_13 = arith.constant 0 : index
    %get3A_14 = arith.constant 0 : index
    %get3A_15 = vector.load %arg4[%get3A_13, %get3A_14] : memref<1x32xf32, #tpu.memory_space<vmem>>, vector<1x32xf32>
    %reduce_sum3A = arith.constant dense<0.000000e+00> : vector<32xf32>
    %reduce_sum3A_16 = vector.multi_reduction <add>, %add3A_9, %reduce_sum3A [0] : vector<10000x32xf32> to vector<32xf32>
    %broadcast_in_dim3A = vector.shape_cast %reduce_sum3A_16 : vector<32xf32> to vector<1x32xf32>
    %div3A = arith.constant 1.000000e+04 : f32
    %div3A_17 = vector.broadcast %div3A : f32 to vector<1x32xf32>
    %div3A_18 = arith.divf %broadcast_in_dim3A, %div3A_17 : vector<1x32xf32>
    %sub3A = vector.broadcast %div3A_18 : vector<1x32xf32> to vector<10000x32xf32>
    %sub3A_19 = arith.subf %add3A_9, %sub3A : vector<10000x32xf32>
    %integer_pow3A = arith.mulf %sub3A_19, %sub3A_19 : vector<10000x32xf32>
    %reduce_sum3A_20 = arith.constant dense<0.000000e+00> : vector<32xf32>
    %reduce_sum3A_21 = vector.multi_reduction <add>, %integer_pow3A, %reduce_sum3A_20 [0] : vector<10000x32xf32> to vector<32xf32>
    %broadcast_in_dim3A_22 = vector.shape_cast %reduce_sum3A_21 : vector<32xf32> to vector<1x32xf32>
    %div3A_23 = arith.constant 1.000000e+04 : f32
    %div3A_24 = vector.broadcast %div3A_23 : f32 to vector<1x32xf32>
    %div3A_25 = arith.divf %broadcast_in_dim3A_22, %div3A_24 : vector<1x32xf32>
    %sub3A_26 = vector.broadcast %div3A_18 : vector<1x32xf32> to vector<10000x32xf32>
    %sub3A_27 = arith.subf %add3A_9, %sub3A_26 : vector<10000x32xf32>
    %add3A_28 = arith.constant 9.99999974E-6 : f32
    %add3A_29 = vector.broadcast %add3A_28 : f32 to vector<1x32xf32>
    %add3A_30 = arith.addf %div3A_25, %add3A_29 : vector<1x32xf32>
    %sqrt3A = math.sqrt %add3A_30 : vector<1x32xf32>
    %div3A_31 = vector.broadcast %sqrt3A : vector<1x32xf32> to vector<10000x32xf32>
    %div3A_32 = arith.divf %sub3A_27, %div3A_31 : vector<10000x32xf32>
    %mul3A = vector.broadcast %get3A_12 : vector<1x32xf32> to vector<10000x32xf32>
    %mul3A_33 = arith.mulf %div3A_32, %mul3A : vector<10000x32xf32>
    %add3A_34 = vector.broadcast %get3A_15 : vector<1x32xf32> to vector<10000x32xf32>
    %add3A_35 = arith.addf %mul3A_33, %add3A_34 : vector<10000x32xf32>
    %max3A = arith.constant 0.000000e+00 : f32
    %max3A_36 = vector.broadcast %max3A : f32 to vector<10000x32xf32>
    %max3A_37 = arith.maximumf %add3A_35, %max3A_36 : vector<10000x32xf32>
    %swap3A = arith.constant 0 : index
    %swap3A_38 = arith.constant 0 : index
    %swap3A_39 = vector.load %arg5[%swap3A, %swap3A_38] : memref<10000x32xf32, #tpu.memory_space<vmem>>, vector<10000x32xf32>
    tpu.vector_store %arg5[%swap3A, %swap3A_38], %max3A_37 {strides = array<i32>} : memref<10000x32xf32, #tpu.memory_space<vmem>>, vector<10000x32xf32>,
    return
  }
}

module attributes {stable_mosaic.version = 14 : i64} {
  func.func @_upd_body(%arg0: memref<10000x32xf32, #tpu.memory_space<vmem>>, %arg1: memref<2x10000x32xf32, #tpu.memory_space<vmem>>, %arg2: memref<2x10000x16xf32, #tpu.memory_space<vmem>>, %arg3: memref<32x64xf32, #tpu.memory_space<vmem>>, %arg4: memref<32x64xf32, #tpu.memory_space<vmem>>, %arg5: memref<1x64xf32, #tpu.memory_space<vmem>>, %arg6: memref<1x64xf32, #tpu.memory_space<vmem>>, %arg7: memref<1x64xf32, #tpu.memory_space<vmem>>, %arg8: memref<10000x64xf32, #tpu.memory_space<vmem>>) attributes {dimension_semantics = [], scalar_prefetch = 0 : i64, scratch_operands = 0 : i64, tpu.core_type = #tpu.core_type<tc>} {
    %get3A = arith.constant 0 : index
    %get3A_0 = arith.constant 0 : index
    %get3A_1 = arith.constant 0 : index
    %get3A_2 = vector.load %arg2[%get3A, %get3A_0, %get3A_1] : memref<2x10000x16xf32, #tpu.memory_space<vmem>>, vector<1x10000x1xf32>
    %get3A_3 = vector.shape_cast %get3A_2 : vector<1x10000x1xf32> to vector<10000x1xf32>
    %get3A_4 = arith.constant 1 : index
    %get3A_5 = arith.constant 0 : index
    %get3A_6 = arith.constant 0 : index
    %get3A_7 = vector.load %arg2[%get3A_4, %get3A_5, %get3A_6] : memref<2x10000x16xf32, #tpu.memory_space<vmem>>, vector<1x10000x1xf32>
    %get3A_8 = vector.shape_cast %get3A_7 : vector<1x10000x1xf32> to vector<10000x1xf32>
    %add3A = arith.addf %get3A_3, %get3A_8 : vector<10000x1xf32>
    %max3A = arith.constant 1.000000e+00 : f32
    %max3A_9 = vector.broadcast %max3A : f32 to vector<10000x1xf32>
    %max3A_10 = arith.maximumf %add3A, %max3A_9 : vector<10000x1xf32>
    %get3A_11 = arith.constant 0 : index
    %get3A_12 = arith.constant 0 : index
    %get3A_13 = arith.constant 0 : index
    %get3A_14 = vector.load %arg1[%get3A_11, %get3A_12, %get3A_13] : memref<2x10000x32xf32, #tpu.memory_space<vmem>>, vector<1x10000x32xf32>
    %get3A_15 = vector.shape_cast %get3A_14 : vector<1x10000x32xf32> to vector<10000x32xf32>
    %get3A_16 = arith.constant 1 : index
    %get3A_17 = arith.constant 0 : index
    %get3A_18 = arith.constant 0 : index
    %get3A_19 = vector.load %arg1[%get3A_16, %get3A_17, %get3A_18] : memref<2x10000x32xf32, #tpu.memory_space<vmem>>, vector<1x10000x32xf32>
    %get3A_20 = vector.shape_cast %get3A_19 : vector<1x10000x32xf32> to vector<10000x32xf32>
    %add3A_21 = arith.addf %get3A_15, %get3A_20 : vector<10000x32xf32>
    %div3A = vector.broadcast %max3A_10 : vector<10000x1xf32> to vector<10000x32xf32>
    %div3A_22 = arith.divf %add3A_21, %div3A : vector<10000x32xf32>
    %get3A_23 = arith.constant 0 : index
    %get3A_24 = arith.constant 0 : index
    %get3A_25 = vector.load %arg3[%get3A_23, %get3A_24] : memref<32x64xf32, #tpu.memory_space<vmem>>, vector<32x64xf32>
    %dot_general3A = arith.constant dense<0.000000e+00> : vector<10000x64xf32>
    %dot_general3A_26 = tpu.matmul %div3A_22, %get3A_25, %dot_general3A {dimension_numbers = #tpu.dot_dimension_numbers<[1], [0], [0], [1], [0, 0, 1, 1], [], []>, transpose_lhs_hint = false} : vector<10000x32xf32>, vector<32x64xf32>, vector<10000x64xf32> -> vector<10000x64xf32>
    %get3A_27 = arith.constant 0 : index
    %get3A_28 = arith.constant 0 : index
    %get3A_29 = vector.load %arg5[%get3A_27, %get3A_28] : memref<1x64xf32, #tpu.memory_space<vmem>>, vector<1x64xf32>
    %add3A_30 = vector.broadcast %get3A_29 : vector<1x64xf32> to vector<10000x64xf32>
    %add3A_31 = arith.addf %dot_general3A_26, %add3A_30 : vector<10000x64xf32>
    %get3A_32 = arith.constant 0 : index
    %get3A_33 = arith.constant 0 : index
    %get3A_34 = vector.load %arg0[%get3A_32, %get3A_33] : memref<10000x32xf32, #tpu.memory_space<vmem>>, vector<10000x32xf32>
    %get3A_35 = arith.constant 0 : index
    %get3A_36 = arith.constant 0 : index
    %get3A_37 = vector.load %arg4[%get3A_35, %get3A_36] : memref<32x64xf32, #tpu.memory_space<vmem>>, vector<32x64xf32>
    %dot_general3A_38 = arith.constant dense<0.000000e+00> : vector<10000x64xf32>
    %dot_general3A_39 = tpu.matmul %get3A_34, %get3A_37, %dot_general3A_38 {dimension_numbers = #tpu.dot_dimension_numbers<[1], [0], [0], [1], [0, 0, 1, 1], [], []>, transpose_lhs_hint = false} : vector<10000x32xf32>, vector<32x64xf32>, vector<10000x64xf32> -> vector<10000x64xf32>
    %add3A_40 = arith.addf %add3A_31, %dot_general3A_39 : vector<10000x64xf32>
    %get3A_41 = arith.constant 0 : index
    %get3A_42 = arith.constant 0 : index
    %get3A_43 = vector.load %arg6[%get3A_41, %get3A_42] : memref<1x64xf32, #tpu.memory_space<vmem>>, vector<1x64xf32>
    %get3A_44 = arith.constant 0 : index
    %get3A_45 = arith.constant 0 : index
    %get3A_46 = vector.load %arg7[%get3A_44, %get3A_45] : memref<1x64xf32, #tpu.memory_space<vmem>>, vector<1x64xf32>
    %reduce_sum3A = arith.constant dense<0.000000e+00> : vector<64xf32>
    %reduce_sum3A_47 = vector.multi_reduction <add>, %add3A_40, %reduce_sum3A [0] : vector<10000x64xf32> to vector<64xf32>
    %broadcast_in_dim3A = vector.shape_cast %reduce_sum3A_47 : vector<64xf32> to vector<1x64xf32>
    %div3A_48 = arith.constant 1.000000e+04 : f32
    %div3A_49 = vector.broadcast %div3A_48 : f32 to vector<1x64xf32>
    %div3A_50 = arith.divf %broadcast_in_dim3A, %div3A_49 : vector<1x64xf32>
    %sub3A = vector.broadcast %div3A_50 : vector<1x64xf32> to vector<10000x64xf32>
    %sub3A_51 = arith.subf %add3A_40, %sub3A : vector<10000x64xf32>
    %integer_pow3A = arith.mulf %sub3A_51, %sub3A_51 : vector<10000x64xf32>
    %reduce_sum3A_52 = arith.constant dense<0.000000e+00> : vector<64xf32>
    %reduce_sum3A_53 = vector.multi_reduction <add>, %integer_pow3A, %reduce_sum3A_52 [0] : vector<10000x64xf32> to vector<64xf32>
    %broadcast_in_dim3A_54 = vector.shape_cast %reduce_sum3A_53 : vector<64xf32> to vector<1x64xf32>
    %div3A_55 = arith.constant 1.000000e+04 : f32
    %div3A_56 = vector.broadcast %div3A_55 : f32 to vector<1x64xf32>
    %div3A_57 = arith.divf %broadcast_in_dim3A_54, %div3A_56 : vector<1x64xf32>
    %sub3A_58 = vector.broadcast %div3A_50 : vector<1x64xf32> to vector<10000x64xf32>
    %sub3A_59 = arith.subf %add3A_40, %sub3A_58 : vector<10000x64xf32>
    %add3A_60 = arith.constant 9.99999974E-6 : f32
    %add3A_61 = vector.broadcast %add3A_60 : f32 to vector<1x64xf32>
    %add3A_62 = arith.addf %div3A_57, %add3A_61 : vector<1x64xf32>
    %sqrt3A = math.sqrt %add3A_62 : vector<1x64xf32>
    %div3A_63 = vector.broadcast %sqrt3A : vector<1x64xf32> to vector<10000x64xf32>
    %div3A_64 = arith.divf %sub3A_59, %div3A_63 : vector<10000x64xf32>
    %mul3A = vector.broadcast %get3A_43 : vector<1x64xf32> to vector<10000x64xf32>
    %mul3A_65 = arith.mulf %div3A_64, %mul3A : vector<10000x64xf32>
    %add3A_66 = vector.broadcast %get3A_46 : vector<1x64xf32> to vector<10000x64xf32>
    %add3A_67 = arith.addf %mul3A_65, %add3A_66 : vector<10000x64xf32>
    %max3A_68 = arith.constant 0.000000e+00 : f32
    %max3A_69 = vector.broadcast %max3A_68 : f32 to vector<10000x64xf32>
    %max3A_70 = arith.maximumf %add3A_67, %max3A_69 : vector<10000x64xf32>
    %swap3A = arith.constant 0 : index
    %swap3A_71 = arith.constant 0 : index
    %swap3A_72 = vector.load %arg8[%swap3A, %swap3A_71] : memref<10000x64xf32, #tpu.memory_space<vmem>>, vector<10000x64xf32>
    tpu.vector_store %arg8[%swap3A, %swap3A_71], %max3A_70 {strides = array<i32>} : memref<10000x64xf32, #tpu.memory_space<vmem>>, vector<10000x64xf32>,
    return
  }
}

module attributes {stable_mosaic.version = 14 : i64} {
  func.func @_upd_body(%arg0: memref<10000x64xf32, #tpu.memory_space<vmem>>, %arg1: memref<2x10000x64xf32, #tpu.memory_space<vmem>>, %arg2: memref<2x10000x16xf32, #tpu.memory_space<vmem>>, %arg3: memref<64x64xf32, #tpu.memory_space<vmem>>, %arg4: memref<64x64xf32, #tpu.memory_space<vmem>>, %arg5: memref<1x64xf32, #tpu.memory_space<vmem>>, %arg6: memref<1x64xf32, #tpu.memory_space<vmem>>, %arg7: memref<1x64xf32, #tpu.memory_space<vmem>>, %arg8: memref<10000x64xf32, #tpu.memory_space<vmem>>) attributes {dimension_semantics = [], scalar_prefetch = 0 : i64, scratch_operands = 0 : i64, tpu.core_type = #tpu.core_type<tc>} {
    %get3A = arith.constant 0 : index
    %get3A_0 = arith.constant 0 : index
    %get3A_1 = arith.constant 0 : index
    %get3A_2 = vector.load %arg2[%get3A, %get3A_0, %get3A_1] : memref<2x10000x16xf32, #tpu.memory_space<vmem>>, vector<1x10000x1xf32>
    %get3A_3 = vector.shape_cast %get3A_2 : vector<1x10000x1xf32> to vector<10000x1xf32>
    %get3A_4 = arith.constant 1 : index
    %get3A_5 = arith.constant 0 : index
    %get3A_6 = arith.constant 0 : index
    %get3A_7 = vector.load %arg2[%get3A_4, %get3A_5, %get3A_6] : memref<2x10000x16xf32, #tpu.memory_space<vmem>>, vector<1x10000x1xf32>
    %get3A_8 = vector.shape_cast %get3A_7 : vector<1x10000x1xf32> to vector<10000x1xf32>
    %add3A = arith.addf %get3A_3, %get3A_8 : vector<10000x1xf32>
    %max3A = arith.constant 1.000000e+00 : f32
    %max3A_9 = vector.broadcast %max3A : f32 to vector<10000x1xf32>
    %max3A_10 = arith.maximumf %add3A, %max3A_9 : vector<10000x1xf32>
    %get3A_11 = arith.constant 0 : index
    %get3A_12 = arith.constant 0 : index
    %get3A_13 = arith.constant 0 : index
    %get3A_14 = vector.load %arg1[%get3A_11, %get3A_12, %get3A_13] : memref<2x10000x64xf32, #tpu.memory_space<vmem>>, vector<1x10000x64xf32>
    %get3A_15 = vector.shape_cast %get3A_14 : vector<1x10000x64xf32> to vector<10000x64xf32>
    %get3A_16 = arith.constant 1 : index
    %get3A_17 = arith.constant 0 : index
    %get3A_18 = arith.constant 0 : index
    %get3A_19 = vector.load %arg1[%get3A_16, %get3A_17, %get3A_18] : memref<2x10000x64xf32, #tpu.memory_space<vmem>>, vector<1x10000x64xf32>
    %get3A_20 = vector.shape_cast %get3A_19 : vector<1x10000x64xf32> to vector<10000x64xf32>
    %add3A_21 = arith.addf %get3A_15, %get3A_20 : vector<10000x64xf32>
    %div3A = vector.broadcast %max3A_10 : vector<10000x1xf32> to vector<10000x64xf32>
    %div3A_22 = arith.divf %add3A_21, %div3A : vector<10000x64xf32>
    %get3A_23 = arith.constant 0 : index
    %get3A_24 = arith.constant 0 : index
    %get3A_25 = vector.load %arg3[%get3A_23, %get3A_24] : memref<64x64xf32, #tpu.memory_space<vmem>>, vector<64x64xf32>
    %dot_general3A = arith.constant dense<0.000000e+00> : vector<10000x64xf32>
    %dot_general3A_26 = tpu.matmul %div3A_22, %get3A_25, %dot_general3A {dimension_numbers = #tpu.dot_dimension_numbers<[1], [0], [0], [1], [0, 0, 1, 1], [], []>, transpose_lhs_hint = false} : vector<10000x64xf32>, vector<64x64xf32>, vector<10000x64xf32> -> vector<10000x64xf32>
    %get3A_27 = arith.constant 0 : index
    %get3A_28 = arith.constant 0 : index
    %get3A_29 = vector.load %arg5[%get3A_27, %get3A_28] : memref<1x64xf32, #tpu.memory_space<vmem>>, vector<1x64xf32>
    %add3A_30 = vector.broadcast %get3A_29 : vector<1x64xf32> to vector<10000x64xf32>
    %add3A_31 = arith.addf %dot_general3A_26, %add3A_30 : vector<10000x64xf32>
    %get3A_32 = arith.constant 0 : index
    %get3A_33 = arith.constant 0 : index
    %get3A_34 = vector.load %arg0[%get3A_32, %get3A_33] : memref<10000x64xf32, #tpu.memory_space<vmem>>, vector<10000x64xf32>
    %get3A_35 = arith.constant 0 : index
    %get3A_36 = arith.constant 0 : index
    %get3A_37 = vector.load %arg4[%get3A_35, %get3A_36] : memref<64x64xf32, #tpu.memory_space<vmem>>, vector<64x64xf32>
    %dot_general3A_38 = arith.constant dense<0.000000e+00> : vector<10000x64xf32>
    %dot_general3A_39 = tpu.matmul %get3A_34, %get3A_37, %dot_general3A_38 {dimension_numbers = #tpu.dot_dimension_numbers<[1], [0], [0], [1], [0, 0, 1, 1], [], []>, transpose_lhs_hint = false} : vector<10000x64xf32>, vector<64x64xf32>, vector<10000x64xf32> -> vector<10000x64xf32>
    %add3A_40 = arith.addf %add3A_31, %dot_general3A_39 : vector<10000x64xf32>
    %get3A_41 = arith.constant 0 : index
    %get3A_42 = arith.constant 0 : index
    %get3A_43 = vector.load %arg6[%get3A_41, %get3A_42] : memref<1x64xf32, #tpu.memory_space<vmem>>, vector<1x64xf32>
    %get3A_44 = arith.constant 0 : index
    %get3A_45 = arith.constant 0 : index
    %get3A_46 = vector.load %arg7[%get3A_44, %get3A_45] : memref<1x64xf32, #tpu.memory_space<vmem>>, vector<1x64xf32>
    %reduce_sum3A = arith.constant dense<0.000000e+00> : vector<64xf32>
    %reduce_sum3A_47 = vector.multi_reduction <add>, %add3A_40, %reduce_sum3A [0] : vector<10000x64xf32> to vector<64xf32>
    %broadcast_in_dim3A = vector.shape_cast %reduce_sum3A_47 : vector<64xf32> to vector<1x64xf32>
    %div3A_48 = arith.constant 1.000000e+04 : f32
    %div3A_49 = vector.broadcast %div3A_48 : f32 to vector<1x64xf32>
    %div3A_50 = arith.divf %broadcast_in_dim3A, %div3A_49 : vector<1x64xf32>
    %sub3A = vector.broadcast %div3A_50 : vector<1x64xf32> to vector<10000x64xf32>
    %sub3A_51 = arith.subf %add3A_40, %sub3A : vector<10000x64xf32>
    %integer_pow3A = arith.mulf %sub3A_51, %sub3A_51 : vector<10000x64xf32>
    %reduce_sum3A_52 = arith.constant dense<0.000000e+00> : vector<64xf32>
    %reduce_sum3A_53 = vector.multi_reduction <add>, %integer_pow3A, %reduce_sum3A_52 [0] : vector<10000x64xf32> to vector<64xf32>
    %broadcast_in_dim3A_54 = vector.shape_cast %reduce_sum3A_53 : vector<64xf32> to vector<1x64xf32>
    %div3A_55 = arith.constant 1.000000e+04 : f32
    %div3A_56 = vector.broadcast %div3A_55 : f32 to vector<1x64xf32>
    %div3A_57 = arith.divf %broadcast_in_dim3A_54, %div3A_56 : vector<1x64xf32>
    %sub3A_58 = vector.broadcast %div3A_50 : vector<1x64xf32> to vector<10000x64xf32>
    %sub3A_59 = arith.subf %add3A_40, %sub3A_58 : vector<10000x64xf32>
    %add3A_60 = arith.constant 9.99999974E-6 : f32
    %add3A_61 = vector.broadcast %add3A_60 : f32 to vector<1x64xf32>
    %add3A_62 = arith.addf %div3A_57, %add3A_61 : vector<1x64xf32>
    %sqrt3A = math.sqrt %add3A_62 : vector<1x64xf32>
    %div3A_63 = vector.broadcast %sqrt3A : vector<1x64xf32> to vector<10000x64xf32>
    %div3A_64 = arith.divf %sub3A_59, %div3A_63 : vector<10000x64xf32>
    %mul3A = vector.broadcast %get3A_43 : vector<1x64xf32> to vector<10000x64xf32>
    %mul3A_65 = arith.mulf %div3A_64, %mul3A : vector<10000x64xf32>
    %add3A_66 = vector.broadcast %get3A_46 : vector<1x64xf32> to vector<10000x64xf32>
    %add3A_67 = arith.addf %mul3A_65, %add3A_66 : vector<10000x64xf32>
    %max3A_68 = arith.constant 0.000000e+00 : f32
    %max3A_69 = vector.broadcast %max3A_68 : f32 to vector<10000x64xf32>
    %max3A_70 = arith.maximumf %add3A_67, %max3A_69 : vector<10000x64xf32>
    %swap3A = arith.constant 0 : index
    %swap3A_71 = arith.constant 0 : index
    %swap3A_72 = vector.load %arg8[%swap3A, %swap3A_71] : memref<10000x64xf32, #tpu.memory_space<vmem>>, vector<10000x64xf32>
    tpu.vector_store %arg8[%swap3A, %swap3A_71], %max3A_70 {strides = array<i32>} : memref<10000x64xf32, #tpu.memory_space<vmem>>, vector<10000x64xf32>,
    return
  }
}

module attributes {stable_mosaic.version = 14 : i64} {
  func.func @_ro_body(%arg0: memref<2x128x64xf32, #tpu.memory_space<vmem>>, %arg1: memref<64x64xf32, #tpu.memory_space<vmem>>, %arg2: memref<1x64xf32, #tpu.memory_space<vmem>>, %arg3: memref<1x64xf32, #tpu.memory_space<vmem>>, %arg4: memref<1x64xf32, #tpu.memory_space<vmem>>, %arg5: memref<64x10xf32, #tpu.memory_space<vmem>>, %arg6: memref<1x10xf32, #tpu.memory_space<vmem>>, %arg7: memref<128x10xf32, #tpu.memory_space<vmem>>) attributes {dimension_semantics = [], scalar_prefetch = 0 : i64, scratch_operands = 0 : i64, tpu.core_type = #tpu.core_type<tc>} {
    %get3A = arith.constant 0 : index
    %get3A_0 = arith.constant 0 : index
    %get3A_1 = arith.constant 0 : index
    %get3A_2 = vector.load %arg0[%get3A, %get3A_0, %get3A_1] : memref<2x128x64xf32, #tpu.memory_space<vmem>>, vector<1x128x64xf32>
    %get3A_3 = vector.shape_cast %get3A_2 : vector<1x128x64xf32> to vector<128x64xf32>
    %get3A_4 = arith.constant 1 : index
    %get3A_5 = arith.constant 0 : index
    %get3A_6 = arith.constant 0 : index
    %get3A_7 = vector.load %arg0[%get3A_4, %get3A_5, %get3A_6] : memref<2x128x64xf32, #tpu.memory_space<vmem>>, vector<1x128x64xf32>
    %get3A_8 = vector.shape_cast %get3A_7 : vector<1x128x64xf32> to vector<128x64xf32>
    %add3A = arith.addf %get3A_3, %get3A_8 : vector<128x64xf32>
    %get3A_9 = arith.constant 0 : index
    %get3A_10 = arith.constant 0 : index
    %get3A_11 = vector.load %arg1[%get3A_9, %get3A_10] : memref<64x64xf32, #tpu.memory_space<vmem>>, vector<64x64xf32>
    %dot_general3A = arith.constant dense<0.000000e+00> : vector<128x64xf32>
    %dot_general3A_12 = tpu.matmul %add3A, %get3A_11, %dot_general3A {dimension_numbers = #tpu.dot_dimension_numbers<[1], [0], [0], [1], [0, 0, 1, 1], [], []>, transpose_lhs_hint = false} : vector<128x64xf32>, vector<64x64xf32>, vector<128x64xf32> -> vector<128x64xf32>
    %get3A_13 = arith.constant 0 : index
    %get3A_14 = arith.constant 0 : index
    %get3A_15 = vector.load %arg2[%get3A_13, %get3A_14] : memref<1x64xf32, #tpu.memory_space<vmem>>, vector<1x64xf32>
    %add3A_16 = vector.broadcast %get3A_15 : vector<1x64xf32> to vector<128x64xf32>
    %add3A_17 = arith.addf %dot_general3A_12, %add3A_16 : vector<128x64xf32>
    %max3A = arith.constant 0.000000e+00 : f32
    %max3A_18 = vector.broadcast %max3A : f32 to vector<128x64xf32>
    %max3A_19 = arith.maximumf %add3A_17, %max3A_18 : vector<128x64xf32>
    %get3A_20 = arith.constant 0 : index
    %get3A_21 = arith.constant 0 : index
    %get3A_22 = vector.load %arg3[%get3A_20, %get3A_21] : memref<1x64xf32, #tpu.memory_space<vmem>>, vector<1x64xf32>
    %get3A_23 = arith.constant 0 : index
    %get3A_24 = arith.constant 0 : index
    %get3A_25 = vector.load %arg4[%get3A_23, %get3A_24] : memref<1x64xf32, #tpu.memory_space<vmem>>, vector<1x64xf32>
    %reduce_sum3A = arith.constant dense<0.000000e+00> : vector<64xf32>
    %reduce_sum3A_26 = vector.multi_reduction <add>, %max3A_19, %reduce_sum3A [0] : vector<128x64xf32> to vector<64xf32>
    %broadcast_in_dim3A = vector.shape_cast %reduce_sum3A_26 : vector<64xf32> to vector<1x64xf32>
    %div3A = arith.constant 1.280000e+02 : f32
    %div3A_27 = vector.broadcast %div3A : f32 to vector<1x64xf32>
    %div3A_28 = arith.divf %broadcast_in_dim3A, %div3A_27 : vector<1x64xf32>
    %sub3A = vector.broadcast %div3A_28 : vector<1x64xf32> to vector<128x64xf32>
    %sub3A_29 = arith.subf %max3A_19, %sub3A : vector<128x64xf32>
    %integer_pow3A = arith.mulf %sub3A_29, %sub3A_29 : vector<128x64xf32>
    %reduce_sum3A_30 = arith.constant dense<0.000000e+00> : vector<64xf32>
    %reduce_sum3A_31 = vector.multi_reduction <add>, %integer_pow3A, %reduce_sum3A_30 [0] : vector<128x64xf32> to vector<64xf32>
    %broadcast_in_dim3A_32 = vector.shape_cast %reduce_sum3A_31 : vector<64xf32> to vector<1x64xf32>
    %div3A_33 = arith.constant 1.280000e+02 : f32
    %div3A_34 = vector.broadcast %div3A_33 : f32 to vector<1x64xf32>
    %div3A_35 = arith.divf %broadcast_in_dim3A_32, %div3A_34 : vector<1x64xf32>
    %sub3A_36 = vector.broadcast %div3A_28 : vector<1x64xf32> to vector<128x64xf32>
    %sub3A_37 = arith.subf %max3A_19, %sub3A_36 : vector<128x64xf32>
    %add3A_38 = arith.constant 9.99999974E-6 : f32
    %add3A_39 = vector.broadcast %add3A_38 : f32 to vector<1x64xf32>
    %add3A_40 = arith.addf %div3A_35, %add3A_39 : vector<1x64xf32>
    %sqrt3A = math.sqrt %add3A_40 : vector<1x64xf32>
    %div3A_41 = vector.broadcast %sqrt3A : vector<1x64xf32> to vector<128x64xf32>
    %div3A_42 = arith.divf %sub3A_37, %div3A_41 : vector<128x64xf32>
    %mul3A = vector.broadcast %get3A_22 : vector<1x64xf32> to vector<128x64xf32>
    %mul3A_43 = arith.mulf %div3A_42, %mul3A : vector<128x64xf32>
    %add3A_44 = vector.broadcast %get3A_25 : vector<1x64xf32> to vector<128x64xf32>
    %add3A_45 = arith.addf %mul3A_43, %add3A_44 : vector<128x64xf32>
    %max3A_46 = arith.constant 0.000000e+00 : f32
    %max3A_47 = vector.broadcast %max3A_46 : f32 to vector<128x64xf32>
    %max3A_48 = arith.maximumf %add3A_45, %max3A_47 : vector<128x64xf32>
    %get3A_49 = arith.constant 0 : index
    %get3A_50 = arith.constant 0 : index
    %get3A_51 = vector.load %arg5[%get3A_49, %get3A_50] : memref<64x10xf32, #tpu.memory_space<vmem>>, vector<64x10xf32>
    %dot_general3A_52 = arith.constant dense<0.000000e+00> : vector<128x10xf32>
    %dot_general3A_53 = tpu.matmul %max3A_48, %get3A_51, %dot_general3A_52 {dimension_numbers = #tpu.dot_dimension_numbers<[1], [0], [0], [1], [0, 0, 1, 1], [], []>, transpose_lhs_hint = false} : vector<128x64xf32>, vector<64x10xf32>, vector<128x10xf32> -> vector<128x10xf32>
    %get3A_54 = arith.constant 0 : index
    %get3A_55 = arith.constant 0 : index
    %get3A_56 = vector.load %arg6[%get3A_54, %get3A_55] : memref<1x10xf32, #tpu.memory_space<vmem>>, vector<1x10xf32>
    %add3A_57 = vector.broadcast %get3A_56 : vector<1x10xf32> to vector<128x10xf32>
    %add3A_58 = arith.addf %dot_general3A_53, %add3A_57 : vector<128x10xf32>
    %swap3A = arith.constant 0 : index
    %swap3A_59 = arith.constant 0 : index
    %swap3A_60 = vector.load %arg7[%swap3A, %swap3A_59] : memref<128x10xf32, #tpu.memory_space<vmem>>, vector<128x10xf32>
    tpu.vector_store %arg7[%swap3A, %swap3A_59], %add3A_58 {strides = array<i32>} : memref<128x10xf32, #tpu.memory_space<vmem>>, vector<128x10xf32>,
    return
  }
}

</mosaic_0001>

<sc_bundles>
// kernel: kernel.16.cloned.1.call-start
scs
__scs_entry_jumppad:
0x0: {  	(pc) =	sbr.rel $0x88, $3  }
0x1: {  	(tag) =	ssettag $0x0;
	lr =	simm.s32 $0x1  }
0x2: {  	[smem:$0x3F8C] =	sst lr;
	_ =	strace $0xD0000000  }
0x3: {  	_ = 	snop  }
0x4: {  	_ = 	snop  }
0x5: {  	_ = 	snop  }
0x6: {  	_ = 	snop  }
0x7: {  	_ = 	snop  }
__scs_overlays_trampoline_lowered:
0x8: {  	[smem:$0x3F9B] =	sst s0  }
0x9: {  	[smem:$0x3F9C] =	sst s1  }
0xa: {  	[smem:$0x3F9D] =	sst s2  }
0xb: {  	[smem:$0x3F9E] =	sst s3  }
0xc: {  	[smem:$0x3F9F] =	sst s4  }
0xd: {  	[smem:$0x3FA0] =	sst s5  }
0xe: {  	[smem:$0x3FA1] =	sst s6  }
0xf: {  	[smem:$0x3FA2] =	sst s7  }
0x10: {  	[smem:$0x3FA3] =	sst s8  }
0x11: {  	[smem:$0x3FA4] =	sst s9;
	s0 =	simm.s32 @!p0 $0x0  }
0x12: {  	s1 =	sld [smem:$0x3F8A];
	s0 =	simm.s32 @p0 $0x1  }
0x13: {  	[smem:$0x3FA5] =	sst s0;
	s0 =	simm.s32 @!p1 $0x0  }
0x14: {  	s2 =	sld [smem:$0x3F89];
	s0 =	simm.s32 @p1 $0x1  }
0x15: {  	[smem:$0x3FA6] =	sst s0;
	s0 =	simm.s32 @!p2 $0x0  }
0x16: {  	s3 =	sld [smem:$0x3FDB];
	s0 =	simm.s32 @p2 $0x1  }
0x17: {  	s4 =	simm.s32 $0x1BF5;
	[smem:$0x3FA8] =	sst s0  }
0x18: {  	s0 =	sld [smem:$0x3F8B];
	_ =	swait.ge [sflag:s4], $0x0  }
0x19: {  	s7 =	sld [smem:$0x3F8C]  }
0x1a: {  	s8 =	sadd.s32 $0xFFFFE003, lr  }
0x1b: {  	s9 =	sadd.s32 $0xFFFFFEF7, lr;
	s5 =	simm.s32 $0xFFFFFFFF;
	p2 =	slt.u32 s8, $0xFFFFF086  }
0x1c: {  	p1 =	slt.u32 s9, $0xF7A;
	s5 =	simm.s32 @!p2 $0x0  }
0x1d: {  	s5 =	simm.s32 @p1 $0x1;
	p0 =	seq.s32 s7, s2  }
0x1e: {  	s7 =	smul.u32 @!p0 $0xF7A, s2;
	p2 =	seq.s32 @!p0 s5, $0x0  }
0x1f: {  	s9 =	smul.u32 $0xF7A, s1;
	s8 =	simm.s32 @!p0 $0x1BF5;
	p2 =	por !p2, p0  }
0x20: {  	[sflag:s8] =	ssyncset.s32 @!p0 $0xFFFFF086;
	s6 =	sadd.s32 @!p0 s3, s7;
	s7 =	simm.s32 @!p0 $0x108  }
0x21: {  	s3 =	sadd.s32 s3, s9;
	s6 =	sadd.s32 @!p0 $0x88, s6;
	s7 =	simm.s32 @p2 $0x1082  }
0x22: {  	[simem:s7], [sflag:s8] =	dma.local @!p0 [hbm:s6], $0xF7A  }
0x23: {  	s9 =	sor.u32 $0xD0000000, s2;
	s6 =	simm.s32 $0x108;
	_ =	swait.ge @!p0 [sflag:s8], $0x0  }
0x24: {  	s3 =	sadd.s32 $0x88, s3;
	s6 =	simm.s32 @!p1 $0x1082;
	[sflag:s4] =	ssyncset.s32 $0xFFFFF086  }
0x25: {  	[simem:s6], [sflag:s4] =	dma.local [hbm:s3], $0xF7A  }
0x26: {  	[smem:$0x3F8C] =	sst s1;
	(tag) =	ssettag s2;
	_ =	strace s9  }
0x27: {  	s1 =	sld [smem:$0x3F9C]  }
0x28: {  	s2 =	sld [smem:$0x3F9D]  }
0x29: {  	s4 =	sld [smem:$0x3F9F]  }
0x2a: {  	p0 =	seq.s32 s5, $0x0;
	s5 =	sld [smem:$0x3FA0]  }
0x2b: {  	s6 =	sld [smem:$0x3FA1]  }
0x2c: {  	s7 =	sld [smem:$0x3FA2]  }
0x2d: {  	s3 =	simm.s32 $0x108;
	s8 =	sld [smem:$0x3FA3]  }
0x2e: {  	s3 =	simm.s32 @!p0 $0x1082;
	s9 =	sld [smem:$0x3FA4]  }
0x2f: {  	lr =	sadd.s32 s0, s3;
	s0 =	sld [smem:$0x3F9B]  }
0x30: {  	s3 =	sld [smem:$0x3F9E]  }
0x31: {  	[smem:$0x3FA7] =	sst s10  }
0x32: {  	s10 =	sld [smem:$0x3FA5];
	_ =	sdelay $0x3  }
0x33: {  	p0 =	seq.s32 s10, $0x1;
	s10 =	sld [smem:$0x3FA7];
	_ =	sdelay $0x3  }
0x34: {  	[smem:$0x3FA7] =	sst s10  }
0x35: {  	s10 =	sld [smem:$0x3FA6];
	_ =	sdelay $0x3  }
0x36: {  	p1 =	seq.s32 s10, $0x1;
	s10 =	sld [smem:$0x3FA7];
	_ =	sdelay $0x3  }
0x37: {  	[smem:$0x3FA7] =	sst s10  }
0x38: {  	s10 =	sld [smem:$0x3FA8]  }
0x39: {  	_ = 	snop;
	(pc) =	sbr.ind lr, $3  }
0x3a: {  	_ = 	snop  }
0x3b: {  	_ = 	snop  }
0x3c: {  	p2 =	seq.s32 s10, $0x1;
	s10 =	sld [smem:$0x3FA7]  }
0x3d: {  	_ =	shalt  }
0x3e: {  	_ =	shalt  }
0x3f: {  	_ =	shalt  }
0x40: {  	_ =	shalt  }
0x41: {  	_ =	shalt  }
0x42: {  	_ =	shalt  }
0x43: {  	_ =	shalt  }
0x44: {  	_ =	shalt  }
0x45: {  	_ =	shalt  }
0x46: {  	_ =	shalt  }
0x47: {  	_ =	shalt  }
0x48: {  	_ =	shalt  }
0x49: {  	_ =	shalt  }
0x4a: {  	_ =	shalt  }
0x4b: {  	_ =	shalt  }
0x4c: {  	_ =	shalt  }
0x4d: {  	_ =	shalt  }
0x4e: {  	_ =	shalt  }
0x4f: {  	_ =	shalt  }
0x50: {  	_ =	shalt  }
0x51: {  	_ =	shalt  }
0x52: {  	_ =	shalt  }
0x53: {  	_ =	shalt  }
0x54: {  	_ =	shalt  }
0x55: {  	_ =	shalt  }
0x56: {  	_ =	shalt  }
0x57: {  	_ =	shalt  }
0x58: {  	_ =	shalt  }
0x59: {  	_ =	shalt  }
0x5a: {  	_ =	shalt  }
0x5b: {  	_ =	shalt  }
0x5c: {  	_ =	shalt  }
0x5d: {  	_ =	shalt  }
0x5e: {  	_ =	shalt  }
0x5f: {  	_ =	shalt  }
0x60: {  	_ =	shalt  }
0x61: {  	_ =	shalt  }
0x62: {  	_ =	shalt  }
0x63: {  	_ =	shalt  }
0x64: {  	_ =	shalt  }
0x65: {  	_ =	shalt  }
0x66: {  	_ =	shalt  }
0x67: {  	_ =	shalt  }
0x68: {  	_ =	shalt  }
0x69: {  	_ =	shalt  }
0x6a: {  	_ =	shalt  }
0x6b: {  	_ =	shalt  }
0x6c: {  	_ =	shalt  }
0x6d: {  	_ =	shalt  }
0x6e: {  	_ =	shalt  }
0x6f: {  	_ =	shalt  }
0x70: {  	_ =	shalt  }
0x71: {  	_ =	shalt  }
0x72: {  	_ =	shalt  }
0x73: {  	_ =	shalt  }
0x74: {  	_ =	shalt  }
0x75: {  	_ =	shalt  }
0x76: {  	_ =	shalt  }
0x77: {  	_ =	shalt  }
0x78: {  	_ =	shalt  }
0x79: {  	_ =	shalt  }
0x7a: {  	_ =	shalt  }
0x7b: {  	_ =	shalt  }
0x7c: {  	_ =	shalt  }
0x7d: {  	_ =	shalt  }
0x7e: {  	_ =	shalt  }
0x7f: {  	_ =	shalt  }
0x80: {  	_ =	shalt  }
0x81: {  	_ =	shalt  }
0x82: {  	_ =	shalt  }
0x83: {  	_ =	shalt  }
0x84: {  	_ =	shalt  }
0x85: {  	_ =	shalt  }
0x86: {  	_ =	shalt  }
0x87: {  	_ =	shalt  }
.Lfunc_end0:
.L_simem_size_0:
called_computation_lowered:
.L_overlay_start_0:
0x88: {  	s2 =	sld [smem:$0x3FD9]  }
0x89: {  	s3 =	sld [smem:$0x3FFE];
	_ =	sdelay $0x1  }
0x8a: {  	s1 =	srdreg.scid  }
0x8b: {  	s0 =	sand.u32 $0x1, s1  }
0x8c: {  	s17 =	sshll.u32 s0, $0xA;
	s2 =	sadd.s32 s3, s2  }
0x8d: {  	s2 =	sadd.s32 s2, s17  }
0x8e: {  	[smem:$0x3FB3] =	sst s2  }
0x8f: {  	_ = 	snop  }
0x90: {  	s18 =	sld [smem:$0x3FD0];
	(tm) =	ssettm $0x1  }
0x91: {  	s19 =	sld [smem:$0x3FFB];
	_ =	sdelay $0x3  }
0x92: {  	_ =	strace s19  }
0x93: {  	s2 =	sld [smem:$0x3FFC];
	_ =	sdelay $0x3  }
0x94: {  	_ =	strace s2  }
0x95: {  	s2 =	sld [smem:$0x3FFD];
	_ =	sdelay $0x3  }
0x96: {  	_ =	strace s2  }
0x97: {  	_ =	strace $0x8FFFFFFF  }
0x98: {  	s20 =	sld [smem:$0x3FDB];
	_ =	sdelay $0x1  }
0x99: {  	s4 =	simm.s32 $_scs_section_size  }
0x9a: {  	s5 =	simm.s32 $_size__tile_overlayer_lowered;
	s6 =	simm.s32 $_tile_overlayer_lowered  }
0x9b: {  	s7 =	simm.s32 $0x1BFF;
	s21 =	sshll.u32 s6, $0x1;
	s4 =	sadd.s32 s4, s20  }
0x9c: {  	s22 =	simm.s32 $0x0;
	s5 =	sshll.u32 s5, $0x1;
	s6 =	sadd.s32 s21, s4  }
0x9d: {  	[timem:s22], [sflag:s7] =	dma.local [hbm:s6], s5  }
0x9e: {  	_ =	swait.ge [sflag:s7], s5  }
0x9f: {  	s5 =	ssub.s32 $0x0, s5;
	[sflag:s7] =	ssyncset.done $0x0  }
0xa0: {  	[sflag:s7] =	ssyncadd.s32 s5;
	_ =	sdelay $0x1  }
0xa1: {  	s23 =	simm.s32 $0x1B8B  }
0xa2: {  	_ =	swait.ge [sflag:s23], $0x1  }
0xa3: {  	[sflag:s23] =	ssyncset.done $0x0  }
0xa4: {  	[sflag:s23] =	ssyncadd.s32 $0xFFFFFFFF  }
0xa5: {  	s5 =	sld [smem:$0x0]  }
0xa6: {  	s6 =	sand.u32 $0xFFFFFFFE, s1  }
0xa7: {  	p0 =	sne.s32 s1, s6  }
0xa8: {  	s6 =	sshll.u32 @p0 s6, $0xE  }
0xa9: {  	s6 =	sadd.s32 @p0 $0x11B8D, s6;
	s7 =	sshll.u32 @p0 s5, $0x11  }
0xaa: {  	s6 =	sor.u32 @p0 s7, s6  }
0xab: {  	[sflag:s6] =	ssyncadd.remote.s32 @p0 $0x1;
	_ =	sdelay $0x1  }
0xac: {  	s6 =	simm.s32 @p0 $0x1B8D  }
0xad: {  	_ =	swait.eq @p0 [sflag:s6], $0x1  }
0xae: {  	[sflag:s6] =	ssyncadd.s32 @p0 $0xFFFFFFFF  }
0xaf: {  	s7 =	sshll.u32 @!p0 s1, $0xE  }
0xb0: {  	s7 =	sor.u32 @!p0 $0x4000, s7;
	s6 =	simm.s32 @!p0 $0x1B8D  }
0xb1: {  	s5 =	sshll.u32 @!p0 s5, $0x11;
	s7 =	sadd.s32 @!p0 $0x11B8D, s7;
	_ =	swait.eq @!p0 [sflag:s6], $0x1  }
0xb2: {  	s5 =	sor.u32 @!p0 s5, s7;
	[sflag:s6] =	ssyncadd.s32 @!p0 $0xFFFFFFFF  }
0xb3: {  	s25 =	simm.s32 $0x1B8E;
	s24 =	sld [smem:$0x3FFE];
	[sflag:s5] =	ssyncadd.remote.s32 @!p0 $0x1  }
0xb4: {  	s26 =	simm.s32 $execute0_lowered;
	[smem:$0x3FD2] =	sst s25  }
0xb5: {  	s6 =	sshll.u32 s26, $0x1;
	_ =	strace $0x80000049;
	[dreg:$0x1] =	wrdreg $0xFFFFFFFF  }
0xb6: {  	s28 =	simm.s32 $_size_execute0_lowered;
	s4 =	sadd.s32 s4, s6;
	[dreg:$0x0] =	wrdreg $0x0  }
0xb7: {  	s6 =	sshll.u32 s28, $0x1;
	[dreg:$0x2] =	wrdreg s4  }
0xb8: {  	[dreg:$0x3] =	wrdreg s6  }
0xb9: {  	[dreg:$0x4] =	wrdreg $0xC0  }
0xba: {  	_ =	task [dreg:s22], $0x5FFFF  }
0xbb: {  	[dreg:$0x1] =	wrdreg $0xFFFFFFFF  }
0xbc: {  	[dreg:$0x0] =	wrdreg $0x60  }
0xbd: {  	[dreg:$0x2] =	wrdreg s24  }
0xbe: {  	[dreg:$0x3] =	wrdreg s18  }
0xbf: {  	[dreg:$0x4] =	wrdreg $0x5500  }
0xc0: {  	[dreg:$0x5] =	wrdreg $0x9  }
0xc1: {  	_ =	task.clear_ibuf [dreg:s22], $0x6FFFF;
	_ =	strace $0x90000049  }
0xc2: {  	s29 =	simm.s32 $0x9;
	_ =	strace $0x8000004B  }
0xc3: {  	_ =	swait.ge [sflag:s29], $0x1  }
0xc4: {  	[sflag:s29] =	ssyncadd.s32 $0xFFFFFFFF  }
0xc5: {  	_ =	strace $0x9000004B  }
0xc6: {  	_ =	sfence  }
0xc7: {  	s30 =	sld [smem:$0x0];
	_ =	sdelay $0x2  }
0xc8: {  	s31 =	sshll.u32 s1, $0xD;
	s1 =	sshrl.u32 s1, $0x2  }
0xc9: {  	s4 =	sand.u32 $0x4000, s31;
	s1 =	sadd.s32 s1, s30  }
0xca: {  	s0 =	sor.u32 s4, s0;
	s1 =	sshll.u32 s1, $0x11  }
0xcb: {  	s0 =	sor.u32 s1, s0  }
0xcc: {  	s0 =	sadd.s32 $0x8F2B, s0  }
0xcd: {  	[sflag:s0] =	ssyncadd.remote.s32 $0x1  }
0xce: {  	_ =	sfence.sel $0xFFFF  }
0xcf: {  	[dreg:$0x0] =	wrdreg $0xFFFFFFFF;
	(pc) =	sbr.abs _section_cstart, $3  }
0xd0: {  	[dreg:$0x1] =	wrdreg $0xFFFFFFFF  }
0xd1: {  	_ =	task.clear_ibuf [dreg:s22], $0x2FFFF;
	_ =	strace $0x9FFFFFFF  }
0xd2: {  	(tm) =	ssettm $0x7FFFFFFF  }
0xd3: {  	_ =	shalt  }
tec
execute0_lowered:
.L_overlay_start_1:
0x0: {  	(tag) =	ssettag $0x1  }
0x1: {  	s7 =	rddreg [dreg:$0x0]  }
0x2: {  	s2 =	rddreg [dreg:$0x1]  }
0x3: {  	s0 =	srdreg.scid;
	s3 =	rddreg [dreg:$0x2]  }
0x4: {  	s1 =	rddreg [dreg:$0x3];
	s5 =	sand.u32 $0x1, s0  }
0x5: {  	s4 =	simm.s32 $0x0;
	s0 =	stileid.u32;
	s8 =	smul.u32 $0x27100, s5  }
0x6: {  	s16 =	simm.s32 $0x0;
	[smem:$0x7FF] =	sst s4;
	s6 =	smul.u32 $0x2710, s0  }
0x7: {  	s10 =	sadd.s32 $0x44200, s7;
	s9 =	smul.u32 $0x2700, s0;
	_ =	strace $0x8000004A  }
0x8: {  	s5 =	ssub.s32 $0x2, s5;
	s14 =	sshll.u32 s0, $0x6;
	p0 =	sne.s32 s0, $0xF  }
0x9: {  	s12 =	sshrl.u32 s5, $0x1;
	s6 =	sadd.s32 s6, s8;
	s30 =	sshrl.u32 s9, $0x3  }
0xa: {  	s12 =	ssub.s32 s5, s12;
	s13 =	sadd.s32 s9, s3;
	s9 =	sadd.s32 s9, s8  }
0xb: {  	s15 =	sshrl.u32 s8, $0x3;
	s6 =	sshrl.u32 s6, $0x3;
	s9 =	sshrl.u32 s9, $0x3  }
0xc: {  	s31 =	sadd.s32 s10, s15;
	s15 =	simm.s32 $0x50;
	s11 =	sadd.s32 s6, s7  }
0xd: {  	s6 =	sadd.s32 s30, s7;
	s7 =	sadd.s32 $0x44000, s7;
	s8 =	sadd.s32 s10, s9  }
0xe: {  	s9 =	sadd.s32 $0x4E00, s31;
	s10 =	smax.u32 s12, $0x1;
	s12 =	sshrl.u32 s13, $0x3  }
0xf: {  	s5 =	sadd.s32 $0x3F200, s6;
	s6 =	sor.u32 $0x1C01, s14;
	s14 =	sadd.s32 $0x27000, s3  }
0x10: {  	s13 =	simm.s32 $0x1;
	s11 =	sadd.s32 $0x4000, s11;
	s14 =	sshrl.u32 @!p0 s14, $0x3  }
.LBB2_1:
0x11: {  	[spmem:s12], [sflag:s6] =	dma.local [hbm:s5], $0x4E0  }
0x12: {  	_ =	swait.ge [sflag:s13], $0x4E0  }
0x13: {  	[sflag:s13] =	ssyncset.done $0x0  }
0x14: {  	s17 =	simm.s32 @!p0 $0x1;
	[sflag:s13] =	ssyncadd.s32 $0xFFFFFB20  }
0x15: {  	[spmem:s14], [sflag:s6] =	dma.local @!p0 [hbm:s7], $0x20  }
0x16: {  	_ =	swait.ge @!p0 [sflag:s17], $0x20  }
0x17: {  	[sflag:s17] =	ssyncset.done @!p0 $0x0  }
0x18: {  	[sflag:s17] =	ssyncadd.s32 @!p0 $0xFFFFFFE0  }
0x19: {  	[tilespmem:s15], [sflag:$0x1] =	stream.linear.gather [hbm4b:s2+s4], $0x500, $0x38;
	[tilespmem:$0x2C60] =	vst v63  }
0x1a: {  	_ =	swait.ge [sflag:s13], $0x500  }
0x1b: {  	[sflag:s13] =	ssyncset.done $0x0  }
0x1c: {  	[sflag:s13] =	ssyncadd.s32 $0xFFFFFB00  }
0x1d: {  	s31 =	sadd.s32 $0x0, s11;
	[bflag:$0x0] =	sbarrier.arrive $0xFFFF  }
0x1e: {  	[tilespmem:s4], [sflag:$0x1] =	stream.linear.gather [hbm4b:s31+s4], $0x50, $0x38;
	[tilespmem:$0x2C60] =	vst v63  }
0x1f: {  	_ =	swait.ge [sflag:s13], $0x50  }
0x20: {  	[sflag:s13] =	ssyncset.done $0x0  }
0x21: {  	[sflag:s13] =	ssyncadd.s32 $0xFFFFFFB0  }
0x22: {  	[spmem:s3] =	stream.indirect.scatter.add.f32 [tilespmem:s15], [sflag:$0x1], $0x10, s4, s15, $0xb8;
	[tilespmem:$0x2C60] =	vst v63  }
0x23: {  	_ =	swait.ge [sflag:s13], $0x500  }
0x24: {  	s18 =	simm.s32 $0x14;
	s17 =	simm.s32 $0xA;
	[sflag:s13] =	ssyncset.done $0x0  }
.LBB2_2:
0x25: {  	s19 =	sadd.s32 s17, s11  }
0x26: {  	[sflag:s13] =	ssyncadd.s32 $0xFFFFFB00;
	s17 =	smov.u32 s18;
	s20 =	sadd.s32 $0xA, s18  }
0x27: {  	[tilespmem:s4], [sflag:$0x1] =	stream.linear.gather [hbm4b:s19+s4], $0x50, $0x38;
	[tilespmem:$0x2C60] =	vst v63  }
0x28: {  	p1 =	sne.s32 s18, $0x4D8;
	_ =	swait.ge [sflag:s13], $0x50  }
.Ltmp0:
0x29: {  	[sflag:s13] =	ssyncset.done $0x0;
	(pc) =	sbr.rel @p1 .LBB2_2-.Ltmp0, $4  }
0x2a: {  	[sflag:s13] =	ssyncadd.s32 $0xFFFFFFB0  }
0x2b: {  	[spmem:s3] =	stream.indirect.scatter.add.f32 [tilespmem:s15], [sflag:$0x1], $0x10, s4, s15, $0xb8;
	[tilespmem:$0x2C60] =	vst v63  }
0x2c: {  	_ =	swait.ge [sflag:s13], $0x500  }
0x2d: {  	s18 =	smov.u32 s20;
	[sflag:s13] =	ssyncset.done $0x0  }
0x2e: {  	s17 =	sadd.s32 s17, s11;
	[sflag:s13] =	ssyncadd.s32 $0xFFFFFB00  }
0x2f: {  	[tilespmem:s4], [sflag:$0x1] =	stream.linear.gather [hbm4b:s17+s4], $0x50, $0x38;
	[tilespmem:$0x2C60] =	vst v63  }
0x30: {  	_ =	swait.ge [sflag:s13], $0x50  }
0x31: {  	[sflag:s13] =	ssyncset.done $0x0  }
0x32: {  	[sflag:s13] =	ssyncadd.s32 $0xFFFFFFB0  }
0x33: {  	[spmem:s3] =	stream.indirect.scatter.add.f32 [tilespmem:s15], [sflag:$0x1], $0x10, s4, s15, $0xb8;
	[tilespmem:$0x2C60] =	vst v63  }
0x34: {  	_ =	swait.ge [sflag:s13], $0x500  }
0x35: {  	[sflag:s13] =	ssyncset.done $0x0  }
0x36: {  	[sflag:s13] =	ssyncadd.s32 $0xFFFFFB00  }
0x37: {  	[bflag:$0x0] =	sbarrier.arrive $0xFFFF  }
0x38: {  	[hbm:s8], [sflag:s6] =	dma.local [spmem:s12], $0x4E0  }
0x39: {  	s16 =	sadd.s32 $0x1, s16;
	_ =	swait.ge [sflag:s13], $0x4E0  }
0x3a: {  	p1 =	sne.s32 s16, s10;
	[sflag:s13] =	ssyncset.done $0x0  }
.Ltmp1:
0x3b: {  	s17 =	simm.s32 @!p0 $0x1;
	[sflag:s13] =	ssyncadd.s32 $0xFFFFFB20;
	(pc) =	sbr.rel @p1 .LBB2_1-.Ltmp1, $4  }
0x3c: {  	[hbm:s9], [sflag:s6] =	dma.local @!p0 [spmem:s14], $0x20  }
0x3d: {  	_ =	swait.ge @!p0 [sflag:s17], $0x20  }
0x3e: {  	[sflag:s17] =	ssyncset.done @!p0 $0x0  }
0x3f: {  	[sflag:s17] =	ssyncadd.s32 @!p0 $0xFFFFFFE0  }
0x40: {  	_ =	sfence.sel $0x180000  }
0x41: {  	[bflag:$0x0] =	sbarrier.arrive $0xFFFF  }
0x42: {  	p0 =	sne.s32 s0, $0x0;
	_ =	strace $0x9000004A  }
0x43: {  	s0 =	sadd.s32 @!p0 $0x100000, s1;
	[bflag:$0x2] =	sbarrier.arrive $0xFFFF  }
0x44: {  	[sflag:s0] =	ssyncadd.tile.s32 @!p0 $0x1;
	_ =	shalt  }
.Lfunc_end2:
_tile_overlayer_lowered:
.L_overlay_start_2:
0x45: {  	(tag) =	ssettag $0x2  }
0x46: {  	s0 =	rddreg [dreg:$0x0];
	s2 =	stileid.u32  }
0x47: {  	s1 =	rddreg [dreg:$0x1];
	p0 =	sne.s32 s2, $0x0  }
0x48: {  	s3 =	rddreg [dreg:$0x2];
	[bflag:$0x3] =	sbarrier.arrive $0xFFFF;
	s2 =	simm.s32 @!p0 $0x1C01  }
0x49: {  	[timem:s3], [sflag:s2] =	dma.local @!p0 [hbm:s0], s1  }
0x4a: {  	s0 =	simm.s32 @!p0 $0x1  }
0x4b: {  	_ =	swait.ge @!p0 [sflag:s0], s1  }
0x4c: {  	s1 =	ssub.s32 @!p0 $0x0, s1;
	[sflag:s0] =	ssyncset.done @!p0 $0x0  }
0x4d: {  	[sflag:s0] =	ssyncadd.s32 @!p0 s1  }
0x4e: {  	[bflag:$0x3] =	sbarrier.arrive $0xFFFF  }
0x4f: {  	_ =	shalt  }

// kernel: kernel.19.cloned.1.call-start
scs
__scs_entry_jumppad:
0x0: {  	(pc) =	sbr.rel $0x88, $3  }
0x1: {  	(tag) =	ssettag $0x0;
	lr =	simm.s32 $0x1  }
0x2: {  	[smem:$0x3F8C] =	sst lr;
	_ =	strace $0xD0000000  }
0x3: {  	_ = 	snop  }
0x4: {  	_ = 	snop  }
0x5: {  	_ = 	snop  }
0x6: {  	_ = 	snop  }
0x7: {  	_ = 	snop  }
__scs_overlays_trampoline_lowered:
0x8: {  	[smem:$0x3F9B] =	sst s0  }
0x9: {  	[smem:$0x3F9C] =	sst s1  }
0xa: {  	[smem:$0x3F9D] =	sst s2  }
0xb: {  	[smem:$0x3F9E] =	sst s3  }
0xc: {  	[smem:$0x3F9F] =	sst s4  }
0xd: {  	[smem:$0x3FA0] =	sst s5  }
0xe: {  	[smem:$0x3FA1] =	sst s6  }
0xf: {  	[smem:$0x3FA2] =	sst s7  }
0x10: {  	[smem:$0x3FA3] =	sst s8  }
0x11: {  	[smem:$0x3FA4] =	sst s9;
	s0 =	simm.s32 @!p0 $0x0  }
0x12: {  	s1 =	sld [smem:$0x3F8A];
	s0 =	simm.s32 @p0 $0x1  }
0x13: {  	[smem:$0x3FA5] =	sst s0;
	s0 =	simm.s32 @!p1 $0x0  }
0x14: {  	s2 =	sld [smem:$0x3F89];
	s0 =	simm.s32 @p1 $0x1  }
0x15: {  	[smem:$0x3FA6] =	sst s0;
	s0 =	simm.s32 @!p2 $0x0  }
0x16: {  	s3 =	sld [smem:$0x3FDB];
	s0 =	simm.s32 @p2 $0x1  }
0x17: {  	s4 =	simm.s32 $0x1BF5;
	[smem:$0x3FA8] =	sst s0  }
0x18: {  	s0 =	sld [smem:$0x3F8B];
	_ =	swait.ge [sflag:s4], $0x0  }
0x19: {  	s7 =	sld [smem:$0x3F8C]  }
0x1a: {  	s8 =	sadd.s32 $0xFFFFE003, lr  }
0x1b: {  	s9 =	sadd.s32 $0xFFFFFEF7, lr;
	s5 =	simm.s32 $0xFFFFFFFF;
	p2 =	slt.u32 s8, $0xFFFFF086  }
0x1c: {  	p1 =	slt.u32 s9, $0xF7A;
	s5 =	simm.s32 @!p2 $0x0  }
0x1d: {  	s5 =	simm.s32 @p1 $0x1;
	p0 =	seq.s32 s7, s2  }
0x1e: {  	s7 =	smul.u32 @!p0 $0xF7A, s2;
	p2 =	seq.s32 @!p0 s5, $0x0  }
0x1f: {  	s9 =	smul.u32 $0xF7A, s1;
	s8 =	simm.s32 @!p0 $0x1BF5;
	p2 =	por !p2, p0  }
0x20: {  	[sflag:s8] =	ssyncset.s32 @!p0 $0xFFFFF086;
	s6 =	sadd.s32 @!p0 s3, s7;
	s7 =	simm.s32 @!p0 $0x108  }
0x21: {  	s3 =	sadd.s32 s3, s9;
	s6 =	sadd.s32 @!p0 $0x88, s6;
	s7 =	simm.s32 @p2 $0x1082  }
0x22: {  	[simem:s7], [sflag:s8] =	dma.local @!p0 [hbm:s6], $0xF7A  }
0x23: {  	s9 =	sor.u32 $0xD0000000, s2;
	s6 =	simm.s32 $0x108;
	_ =	swait.ge @!p0 [sflag:s8], $0x0  }
0x24: {  	s3 =	sadd.s32 $0x88, s3;
	s6 =	simm.s32 @!p1 $0x1082;
	[sflag:s4] =	ssyncset.s32 $0xFFFFF086  }
0x25: {  	[simem:s6], [sflag:s4] =	dma.local [hbm:s3], $0xF7A  }
0x26: {  	[smem:$0x3F8C] =	sst s1;
	(tag) =	ssettag s2;
	_ =	strace s9  }
0x27: {  	s1 =	sld [smem:$0x3F9C]  }
0x28: {  	s2 =	sld [smem:$0x3F9D]  }
0x29: {  	s4 =	sld [smem:$0x3F9F]  }
0x2a: {  	p0 =	seq.s32 s5, $0x0;
	s5 =	sld [smem:$0x3FA0]  }
0x2b: {  	s6 =	sld [smem:$0x3FA1]  }
0x2c: {  	s7 =	sld [smem:$0x3FA2]  }
0x2d: {  	s3 =	simm.s32 $0x108;
	s8 =	sld [smem:$0x3FA3]  }
0x2e: {  	s3 =	simm.s32 @!p0 $0x1082;
	s9 =	sld [smem:$0x3FA4]  }
0x2f: {  	lr =	sadd.s32 s0, s3;
	s0 =	sld [smem:$0x3F9B]  }
0x30: {  	s3 =	sld [smem:$0x3F9E]  }
0x31: {  	[smem:$0x3FA7] =	sst s10  }
0x32: {  	s10 =	sld [smem:$0x3FA5];
	_ =	sdelay $0x3  }
0x33: {  	p0 =	seq.s32 s10, $0x1;
	s10 =	sld [smem:$0x3FA7];
	_ =	sdelay $0x3  }
0x34: {  	[smem:$0x3FA7] =	sst s10  }
0x35: {  	s10 =	sld [smem:$0x3FA6];
	_ =	sdelay $0x3  }
0x36: {  	p1 =	seq.s32 s10, $0x1;
	s10 =	sld [smem:$0x3FA7];
	_ =	sdelay $0x3  }
0x37: {  	[smem:$0x3FA7] =	sst s10  }
0x38: {  	s10 =	sld [smem:$0x3FA8]  }
0x39: {  	_ = 	snop;
	(pc) =	sbr.ind lr, $3  }
0x3a: {  	_ = 	snop  }
0x3b: {  	_ = 	snop  }
0x3c: {  	p2 =	seq.s32 s10, $0x1;
	s10 =	sld [smem:$0x3FA7]  }
0x3d: {  	_ =	shalt  }
0x3e: {  	_ =	shalt  }
0x3f: {  	_ =	shalt  }
0x40: {  	_ =	shalt  }
0x41: {  	_ =	shalt  }
0x42: {  	_ =	shalt  }
0x43: {  	_ =	shalt  }
0x44: {  	_ =	shalt  }
0x45: {  	_ =	shalt  }
0x46: {  	_ =	shalt  }
0x47: {  	_ =	shalt  }
0x48: {  	_ =	shalt  }
0x49: {  	_ =	shalt  }
0x4a: {  	_ =	shalt  }
0x4b: {  	_ =	shalt  }
0x4c: {  	_ =	shalt  }
0x4d: {  	_ =	shalt  }
0x4e: {  	_ =	shalt  }
0x4f: {  	_ =	shalt  }
0x50: {  	_ =	shalt  }
0x51: {  	_ =	shalt  }
0x52: {  	_ =	shalt  }
0x53: {  	_ =	shalt  }
0x54: {  	_ =	shalt  }
0x55: {  	_ =	shalt  }
0x56: {  	_ =	shalt  }
0x57: {  	_ =	shalt  }
0x58: {  	_ =	shalt  }
0x59: {  	_ =	shalt  }
0x5a: {  	_ =	shalt  }
0x5b: {  	_ =	shalt  }
0x5c: {  	_ =	shalt  }
0x5d: {  	_ =	shalt  }
0x5e: {  	_ =	shalt  }
0x5f: {  	_ =	shalt  }
0x60: {  	_ =	shalt  }
0x61: {  	_ =	shalt  }
0x62: {  	_ =	shalt  }
0x63: {  	_ =	shalt  }
0x64: {  	_ =	shalt  }
0x65: {  	_ =	shalt  }
0x66: {  	_ =	shalt  }
0x67: {  	_ =	shalt  }
0x68: {  	_ =	shalt  }
0x69: {  	_ =	shalt  }
0x6a: {  	_ =	shalt  }
0x6b: {  	_ =	shalt  }
0x6c: {  	_ =	shalt  }
0x6d: {  	_ =	shalt  }
0x6e: {  	_ =	shalt  }
0x6f: {  	_ =	shalt  }
0x70: {  	_ =	shalt  }
0x71: {  	_ =	shalt  }
0x72: {  	_ =	shalt  }
0x73: {  	_ =	shalt  }
0x74: {  	_ =	shalt  }
0x75: {  	_ =	shalt  }
0x76: {  	_ =	shalt  }
0x77: {  	_ =	shalt  }
0x78: {  	_ =	shalt  }
0x79: {  	_ =	shalt  }
0x7a: {  	_ =	shalt  }
0x7b: {  	_ =	shalt  }
0x7c: {  	_ =	shalt  }
0x7d: {  	_ =	shalt  }
0x7e: {  	_ =	shalt  }
0x7f: {  	_ =	shalt  }
0x80: {  	_ =	shalt  }
0x81: {  	_ =	shalt  }
0x82: {  	_ =	shalt  }
0x83: {  	_ =	shalt  }
0x84: {  	_ =	shalt  }
0x85: {  	_ =	shalt  }
0x86: {  	_ =	shalt  }
0x87: {  	_ =	shalt  }
.Lfunc_end0:
.L_simem_size_0:
called_computation.1_lowered:
.L_overlay_start_0:
0x88: {  	s2 =	sld [smem:$0x3FD9]  }
0x89: {  	s3 =	sld [smem:$0x3FFE];
	_ =	sdelay $0x1  }
0x8a: {  	s1 =	srdreg.scid  }
0x8b: {  	s0 =	sand.u32 $0x1, s1  }
0x8c: {  	s16 =	sshll.u32 s0, $0xA;
	s2 =	sadd.s32 s3, s2  }
0x8d: {  	s2 =	sadd.s32 s2, s16  }
0x8e: {  	[smem:$0x3FB3] =	sst s2  }
0x8f: {  	_ = 	snop  }
0x90: {  	(tm) =	ssettm $0x1  }
0x91: {  	s17 =	sld [smem:$0x3FFB];
	_ =	sdelay $0x3  }
0x92: {  	_ =	strace s17  }
0x93: {  	s2 =	sld [smem:$0x3FFC];
	_ =	sdelay $0x3  }
0x94: {  	_ =	strace s2  }
0x95: {  	s2 =	sld [smem:$0x3FFD];
	_ =	sdelay $0x3  }
0x96: {  	_ =	strace s2  }
0x97: {  	_ =	strace $0x8FFFFFFF  }
0x98: {  	s18 =	sld [smem:$0x3FDB];
	_ =	sdelay $0x1  }
0x99: {  	s19 =	simm.s32 $_scs_section_size  }
0x9a: {  	s4 =	simm.s32 $_size__tile_overlayer_lowered;
	s5 =	simm.s32 $_tile_overlayer_lowered  }
0x9b: {  	s22 =	simm.s32 $0x1BFF;
	s21 =	sshll.u32 s5, $0x1;
	s2 =	sadd.s32 s19, s18  }
0x9c: {  	s6 =	simm.s32 $0x0;
	s20 =	sshll.u32 s4, $0x1;
	s4 =	sadd.s32 s21, s2  }
0x9d: {  	[timem:s6], [sflag:s22] =	dma.local [hbm:s4], s20  }
0x9e: {  	_ =	swait.ge [sflag:s22], s20  }
0x9f: {  	s3 =	ssub.s32 $0x0, s20;
	[sflag:s22] =	ssyncset.done $0x0  }
0xa0: {  	[sflag:s22] =	ssyncadd.s32 s3;
	_ =	sdelay $0x1  }
0xa1: {  	s23 =	simm.s32 $0x1B8B  }
0xa2: {  	_ =	swait.ge [sflag:s23], $0x1  }
0xa3: {  	[sflag:s23] =	ssyncset.done $0x0  }
0xa4: {  	s25 =	simm.s32 $0x1B8E;
	s24 =	sld [smem:$0x3FFE];
	[sflag:s23] =	ssyncadd.s32 $0xFFFFFFFF  }
0xa5: {  	s26 =	simm.s32 $execute0_lowered;
	[smem:$0x3FD2] =	sst s25  }
0xa6: {  	s4 =	sshll.u32 s26, $0x1;
	_ =	strace $0x80000046;
	[dreg:$0x1] =	wrdreg $0xFFFFFFFF  }
0xa7: {  	s28 =	simm.s32 $_size_execute0_lowered;
	s2 =	sadd.s32 s2, s4;
	[dreg:$0x0] =	wrdreg $0x0  }
0xa8: {  	s4 =	sshll.u32 s28, $0x1;
	[dreg:$0x2] =	wrdreg s2  }
0xa9: {  	[dreg:$0x3] =	wrdreg s4  }
0xaa: {  	[dreg:$0x4] =	wrdreg $0xC0  }
0xab: {  	_ =	task [dreg:s6], $0x5FFFF  }
0xac: {  	[dreg:$0x1] =	wrdreg $0xFFFFFFFF  }
0xad: {  	[dreg:$0x0] =	wrdreg $0x60  }
0xae: {  	[dreg:$0x2] =	wrdreg s24  }
0xaf: {  	[dreg:$0x3] =	wrdreg $0xAA00  }
0xb0: {  	[dreg:$0x4] =	wrdreg $0xA  }
0xb1: {  	_ =	task.clear_ibuf [dreg:s6], $0x5FFFF;
	_ =	strace $0x90000046  }
0xb2: {  	s29 =	simm.s32 $0xA;
	_ =	strace $0x80000048  }
0xb3: {  	_ =	swait.ge [sflag:s29], $0x1  }
0xb4: {  	[sflag:s29] =	ssyncadd.s32 $0xFFFFFFFF  }
0xb5: {  	_ =	strace $0x90000048  }
0xb6: {  	_ =	sfence  }
0xb7: {  	s30 =	sld [smem:$0x0];
	_ =	sdelay $0x2  }
0xb8: {  	s31 =	sshll.u32 s1, $0xD;
	s1 =	sshrl.u32 s1, $0x2  }
0xb9: {  	s3 =	sand.u32 $0x4000, s31;
	s1 =	sadd.s32 s1, s30  }
0xba: {  	s0 =	sor.u32 s3, s0;
	s1 =	sshll.u32 s1, $0x11  }
0xbb: {  	s0 =	sor.u32 s1, s0  }
0xbc: {  	s0 =	sadd.s32 $0x8F2B, s0  }
0xbd: {  	[sflag:s0] =	ssyncadd.remote.s32 $0x1  }
0xbe: {  	_ =	sfence.sel $0xFFFF  }
0xbf: {  	[dreg:$0x0] =	wrdreg $0xFFFFFFFF;
	(pc) =	sbr.abs _section_cstart, $3  }
0xc0: {  	[dreg:$0x1] =	wrdreg $0xFFFFFFFF  }
0xc1: {  	_ =	task.clear_ibuf [dreg:s6], $0x2FFFF;
	_ =	strace $0x9FFFFFFF  }
0xc2: {  	(tm) =	ssettm $0x7FFFFFFF  }
0xc3: {  	_ =	shalt  }
tec
execute0_lowered:
.L_overlay_start_1:
0x0: {  	(tag) =	ssettag $0x1  }
0x1: {  	s7 =	rddreg [dreg:$0x0];
	s0 =	srdreg.scid  }
0x2: {  	s2 =	rddreg [dreg:$0x1];
	s1 =	stileid.u32  }
0x3: {  	s3 =	simm.s32 $0x0;
	s16 =	simm.s32 $0x50;
	s17 =	simm.s32 $0xA0  }
0x4: {  	s18 =	simm.s32 $0x1;
	s5 =	sand.u32 $0x1, s0;
	s0 =	rddreg [dreg:$0x2]  }
0x5: {  	s19 =	simm.s32 $0x0;
	s6 =	smul.u32 $0x2710, s1;
	[smem:$0x7FF] =	sst s3  }
0x6: {  	s8 =	smul.u32 $0x4E00, s1;
	s10 =	sadd.s32 $0x2B800, s7;
	s30 =	sshll.u32 s1, $0x6  }
0x7: {  	s15 =	sadd.s32 $0x4E000, s2;
	p0 =	sne.s32 s1, $0xF;
	s4 =	smul.u32 $0x27100, s5  }
0x8: {  	_ =	strace $0x80000047;
	s29 =	ssub.s32 $0x2, s5;
	s13 =	smul.u32 $0x4E200, s5  }
0x9: {  	s15 =	sshrl.u32 @!p0 s15, $0x3;
	s9 =	sshrl.u32 s8, $0x3;
	s11 =	sshrl.u32 s29, $0x1  }
0xa: {  	s14 =	sadd.s32 s8, s2;
	s6 =	sadd.s32 s6, s4;
	s4 =	sadd.s32 $0x17C00, s7  }
0xb: {  	s28 =	sadd.s32 s9, s7;
	s11 =	ssub.s32 s29, s11;
	s8 =	sadd.s32 s8, s13  }
0xc: {  	s31 =	sshrl.u32 s13, $0x3;
	s13 =	sshrl.u32 s14, $0x3;
	s14 =	simm.s32 $0x2  }
0xd: {  	s6 =	sshrl.u32 s6, $0x3;
	s5 =	sadd.s32 $0x21A00, s28;
	s8 =	sshrl.u32 s8, $0x3  }
0xe: {  	s9 =	sadd.s32 s10, s31;
	s12 =	sadd.s32 s6, s7;
	s6 =	sor.u32 $0x1C02, s30  }
0xf: {  	s7 =	sadd.s32 $0x2B600, s7;
	s8 =	sadd.s32 s10, s8;
	s9 =	sadd.s32 $0x9C00, s9  }
0x10: {  	s10 =	smax.u32 s11, $0x1;
	s11 =	sadd.s32 $0x4000, s12;
	s12 =	sadd.s32 $0xDE00, s12  }
.LBB2_1:
0x11: {  	[spmem:s13], [sflag:s6] =	dma.local [hbm:s5], $0x9C0  }
0x12: {  	_ =	swait.ge [sflag:s14], $0x9C0  }
0x13: {  	[sflag:s14] =	ssyncset.done $0x0  }
0x14: {  	s20 =	simm.s32 @!p0 $0x2;
	[sflag:s14] =	ssyncadd.s32 $0xFFFFF640  }
0x15: {  	[spmem:s15], [sflag:s6] =	dma.local @!p0 [hbm:s7], $0x40  }
0x16: {  	_ =	swait.ge @!p0 [sflag:s20], $0x40  }
0x17: {  	[sflag:s20] =	ssyncset.done @!p0 $0x0  }
0x18: {  	[sflag:s20] =	ssyncadd.s32 @!p0 $0xFFFFFFC0  }
0x19: {  	s30 =	sadd.s32 $0x0, s12;
	[bflag:$0x0] =	sbarrier.arrive $0xFFFF  }
0x1a: {  	[tilespmem:s3], [sflag:$0x2] =	stream.linear.gather [hbm4b:s30+s3], $0x50, $0x38;
	[tilespmem:$0x58C0] =	vst v63  }
0x1b: {  	_ =	swait.ge [sflag:s14], $0x50  }
0x1c: {  	[sflag:s14] =	ssyncset.done $0x0  }
0x1d: {  	s31 =	sadd.s32 $0x0, s11;
	[sflag:s14] =	ssyncadd.s32 $0xFFFFFFB0  }
0x1e: {  	[tilespmem:s16], [sflag:$0x2] =	stream.linear.gather [hbm4b:s31+s3], $0x50, $0x38;
	[tilespmem:$0x58C0] =	vst v63  }
0x1f: {  	_ =	swait.ge [sflag:s14], $0x50  }
0x20: {  	[sflag:s14] =	ssyncset.done $0x0  }
0x21: {  	[sflag:s14] =	ssyncadd.s32 $0xFFFFFFB0  }
0x22: {  	[tilespmem:s17], [sflag:$0x1] =	stream.indirect.gather [hbm4b:s4+s16], $0x20, s3, s16, $0xb8;
	[tilespmem:$0x58C0] =	vst v63  }
0x23: {  	_ =	swait.ge [sflag:s18], $0xA00  }
0x24: {  	[sflag:s18] =	ssyncset.done $0x0  }
0x25: {  	[sflag:s18] =	ssyncadd.s32 $0xFFFFF600  }
0x26: {  	[spmem:s2] =	stream.indirect.scatter.add.f32 [tilespmem:s17], [sflag:$0x2], $0x20, s16, s16, $0xb8;
	[tilespmem:$0x58C0] =	vst v63  }
0x27: {  	_ =	swait.ge [sflag:s14], $0xA00  }
0x28: {  	s21 =	simm.s32 $0x14;
	s20 =	simm.s32 $0xA;
	[sflag:s14] =	ssyncset.done $0x0  }
.LBB2_2:
0x29: {  	s22 =	sadd.s32 s20, s12  }
0x2a: {  	[sflag:s14] =	ssyncadd.s32 $0xFFFFF600;
	s23 =	smov.u32 s21;
	s24 =	sadd.s32 $0xA, s21  }
0x2b: {  	[tilespmem:s3], [sflag:$0x2] =	stream.linear.gather [hbm4b:s22+s3], $0x50, $0x38;
	[tilespmem:$0x58C0] =	vst v63  }
0x2c: {  	p1 =	sne.s32 s21, $0x4D8;
	_ =	swait.ge [sflag:s14], $0x50  }
0x2d: {  	[sflag:s14] =	ssyncset.done $0x0  }
0x2e: {  	s21 =	sadd.s32 s20, s11;
	s20 =	smov.u32 s23;
	[sflag:s14] =	ssyncadd.s32 $0xFFFFFFB0  }
0x2f: {  	[tilespmem:s16], [sflag:$0x2] =	stream.linear.gather [hbm4b:s21+s3], $0x50, $0x38;
	[tilespmem:$0x58C0] =	vst v63  }
0x30: {  	_ =	swait.ge [sflag:s14], $0x50  }
0x31: {  	[sflag:s14] =	ssyncset.done $0x0  }
0x32: {  	[sflag:s14] =	ssyncadd.s32 $0xFFFFFFB0  }
0x33: {  	[tilespmem:s17], [sflag:$0x1] =	stream.indirect.gather [hbm4b:s4+s16], $0x20, s3, s16, $0xb8;
	[tilespmem:$0x58C0] =	vst v63  }
0x34: {  	_ =	swait.ge [sflag:s18], $0xA00  }
.Ltmp0:
0x35: {  	[sflag:s18] =	ssyncset.done $0x0;
	(pc) =	sbr.rel @p1 .LBB2_2-.Ltmp0, $4  }
0x36: {  	[sflag:s18] =	ssyncadd.s32 $0xFFFFF600  }
0x37: {  	[spmem:s2] =	stream.indirect.scatter.add.f32 [tilespmem:s17], [sflag:$0x2], $0x20, s16, s16, $0xb8;
	[tilespmem:$0x58C0] =	vst v63  }
0x38: {  	_ =	swait.ge [sflag:s14], $0xA00  }
0x39: {  	s21 =	smov.u32 s24;
	[sflag:s14] =	ssyncset.done $0x0  }
0x3a: {  	s21 =	sadd.s32 s20, s12;
	[sflag:s14] =	ssyncadd.s32 $0xFFFFF600  }
0x3b: {  	[tilespmem:s3], [sflag:$0x2] =	stream.linear.gather [hbm4b:s21+s3], $0x50, $0x38;
	[tilespmem:$0x58C0] =	vst v63  }
0x3c: {  	_ =	swait.ge [sflag:s14], $0x50  }
0x3d: {  	[sflag:s14] =	ssyncset.done $0x0  }
0x3e: {  	s31 =	sadd.s32 s20, s11;
	[sflag:s14] =	ssyncadd.s32 $0xFFFFFFB0  }
0x3f: {  	[tilespmem:s16], [sflag:$0x2] =	stream.linear.gather [hbm4b:s31+s3], $0x50, $0x38;
	[tilespmem:$0x58C0] =	vst v63  }
0x40: {  	_ =	swait.ge [sflag:s14], $0x50  }
0x41: {  	[sflag:s14] =	ssyncset.done $0x0  }
0x42: {  	[sflag:s14] =	ssyncadd.s32 $0xFFFFFFB0  }
0x43: {  	[tilespmem:s17], [sflag:$0x1] =	stream.indirect.gather [hbm4b:s4+s16], $0x20, s3, s16, $0xb8;
	[tilespmem:$0x58C0] =	vst v63  }
0x44: {  	_ =	swait.ge [sflag:s18], $0xA00  }
0x45: {  	[sflag:s18] =	ssyncset.done $0x0  }
0x46: {  	[sflag:s18] =	ssyncadd.s32 $0xFFFFF600  }
0x47: {  	[spmem:s2] =	stream.indirect.scatter.add.f32 [tilespmem:s17], [sflag:$0x2], $0x20, s16, s16, $0xb8;
	[tilespmem:$0x58C0] =	vst v63  }
0x48: {  	_ =	swait.ge [sflag:s14], $0xA00  }
0x49: {  	[sflag:s14] =	ssyncset.done $0x0  }
0x4a: {  	[sflag:s14] =	ssyncadd.s32 $0xFFFFF600  }
0x4b: {  	[bflag:$0x0] =	sbarrier.arrive $0xFFFF  }
0x4c: {  	[hbm:s8], [sflag:s6] =	dma.local [spmem:s13], $0x9C0  }
0x4d: {  	s19 =	sadd.s32 $0x1, s19;
	_ =	swait.ge [sflag:s14], $0x9C0  }
0x4e: {  	p1 =	sne.s32 s19, s10;
	[sflag:s14] =	ssyncset.done $0x0  }
.Ltmp1:
0x4f: {  	s20 =	simm.s32 @!p0 $0x2;
	[sflag:s14] =	ssyncadd.s32 $0xFFFFF640;
	(pc) =	sbr.rel @p1 .LBB2_1-.Ltmp1, $4  }
0x50: {  	[hbm:s9], [sflag:s6] =	dma.local @!p0 [spmem:s15], $0x40  }
0x51: {  	_ =	swait.ge @!p0 [sflag:s20], $0x40  }
0x52: {  	[sflag:s20] =	ssyncset.done @!p0 $0x0  }
0x53: {  	[sflag:s20] =	ssyncadd.s32 @!p0 $0xFFFFFFC0  }
0x54: {  	_ =	sfence.sel $0x180000  }
0x55: {  	[bflag:$0x0] =	sbarrier.arrive $0xFFFF  }
0x56: {  	p0 =	sne.s32 s1, $0x0;
	_ =	strace $0x90000047  }
0x57: {  	s0 =	sadd.s32 @!p0 $0x100000, s0;
	[bflag:$0x2] =	sbarrier.arrive $0xFFFF  }
0x58: {  	[sflag:s0] =	ssyncadd.tile.s32 @!p0 $0x1;
	_ =	shalt  }
.Lfunc_end2:
_tile_overlayer_lowered:
.L_overlay_start_2:
0x59: {  	(tag) =	ssettag $0x2  }
0x5a: {  	s0 =	rddreg [dreg:$0x0];
	s2 =	stileid.u32  }
0x5b: {  	s1 =	rddreg [dreg:$0x1];
	p0 =	sne.s32 s2, $0x0  }
0x5c: {  	s3 =	rddreg [dreg:$0x2];
	[bflag:$0x3] =	sbarrier.arrive $0xFFFF;
	s2 =	simm.s32 @!p0 $0x1C02  }
0x5d: {  	[timem:s3], [sflag:s2] =	dma.local @!p0 [hbm:s0], s1  }
0x5e: {  	s0 =	simm.s32 @!p0 $0x2  }
0x5f: {  	_ =	swait.ge @!p0 [sflag:s0], s1  }
0x60: {  	s1 =	ssub.s32 @!p0 $0x0, s1;
	[sflag:s0] =	ssyncset.done @!p0 $0x0  }
0x61: {  	[sflag:s0] =	ssyncadd.s32 @!p0 s1  }
0x62: {  	[bflag:$0x3] =	sbarrier.arrive $0xFFFF  }
0x63: {  	_ =	shalt  }

// kernel: kernel.22.cloned.1.call-start
scs
__scs_entry_jumppad:
0x0: {  	(pc) =	sbr.rel $0x88, $3  }
0x1: {  	(tag) =	ssettag $0x0;
	lr =	simm.s32 $0x1  }
0x2: {  	[smem:$0x3F8C] =	sst lr;
	_ =	strace $0xD0000000  }
0x3: {  	_ = 	snop  }
0x4: {  	_ = 	snop  }
0x5: {  	_ = 	snop  }
0x6: {  	_ = 	snop  }
0x7: {  	_ = 	snop  }
__scs_overlays_trampoline_lowered:
0x8: {  	[smem:$0x3F9B] =	sst s0  }
0x9: {  	[smem:$0x3F9C] =	sst s1  }
0xa: {  	[smem:$0x3F9D] =	sst s2  }
0xb: {  	[smem:$0x3F9E] =	sst s3  }
0xc: {  	[smem:$0x3F9F] =	sst s4  }
0xd: {  	[smem:$0x3FA0] =	sst s5  }
0xe: {  	[smem:$0x3FA1] =	sst s6  }
0xf: {  	[smem:$0x3FA2] =	sst s7  }
0x10: {  	[smem:$0x3FA3] =	sst s8  }
0x11: {  	[smem:$0x3FA4] =	sst s9;
	s0 =	simm.s32 @!p0 $0x0  }
0x12: {  	s1 =	sld [smem:$0x3F8A];
	s0 =	simm.s32 @p0 $0x1  }
0x13: {  	[smem:$0x3FA5] =	sst s0;
	s0 =	simm.s32 @!p1 $0x0  }
0x14: {  	s2 =	sld [smem:$0x3F89];
	s0 =	simm.s32 @p1 $0x1  }
0x15: {  	[smem:$0x3FA6] =	sst s0;
	s0 =	simm.s32 @!p2 $0x0  }
0x16: {  	s3 =	sld [smem:$0x3FDB];
	s0 =	simm.s32 @p2 $0x1  }
0x17: {  	s4 =	simm.s32 $0x1BF5;
	[smem:$0x3FA8] =	sst s0  }
0x18: {  	s0 =	sld [smem:$0x3F8B];
	_ =	swait.ge [sflag:s4], $0x0  }
0x19: {  	s7 =	sld [smem:$0x3F8C]  }
0x1a: {  	s8 =	sadd.s32 $0xFFFFE003, lr  }
0x1b: {  	s9 =	sadd.s32 $0xFFFFFEF7, lr;
	s5 =	simm.s32 $0xFFFFFFFF;
	p2 =	slt.u32 s8, $0xFFFFF086  }
0x1c: {  	p1 =	slt.u32 s9, $0xF7A;
	s5 =	simm.s32 @!p2 $0x0  }
0x1d: {  	s5 =	simm.s32 @p1 $0x1;
	p0 =	seq.s32 s7, s2  }
0x1e: {  	s7 =	smul.u32 @!p0 $0xF7A, s2;
	p2 =	seq.s32 @!p0 s5, $0x0  }
0x1f: {  	s9 =	smul.u32 $0xF7A, s1;
	s8 =	simm.s32 @!p0 $0x1BF5;
	p2 =	por !p2, p0  }
0x20: {  	[sflag:s8] =	ssyncset.s32 @!p0 $0xFFFFF086;
	s6 =	sadd.s32 @!p0 s3, s7;
	s7 =	simm.s32 @!p0 $0x108  }
0x21: {  	s3 =	sadd.s32 s3, s9;
	s6 =	sadd.s32 @!p0 $0x88, s6;
	s7 =	simm.s32 @p2 $0x1082  }
0x22: {  	[simem:s7], [sflag:s8] =	dma.local @!p0 [hbm:s6], $0xF7A  }
0x23: {  	s9 =	sor.u32 $0xD0000000, s2;
	s6 =	simm.s32 $0x108;
	_ =	swait.ge @!p0 [sflag:s8], $0x0  }
0x24: {  	s3 =	sadd.s32 $0x88, s3;
	s6 =	simm.s32 @!p1 $0x1082;
	[sflag:s4] =	ssyncset.s32 $0xFFFFF086  }
0x25: {  	[simem:s6], [sflag:s4] =	dma.local [hbm:s3], $0xF7A  }
0x26: {  	[smem:$0x3F8C] =	sst s1;
	(tag) =	ssettag s2;
	_ =	strace s9  }
0x27: {  	s1 =	sld [smem:$0x3F9C]  }
0x28: {  	s2 =	sld [smem:$0x3F9D]  }
0x29: {  	s4 =	sld [smem:$0x3F9F]  }
0x2a: {  	p0 =	seq.s32 s5, $0x0;
	s5 =	sld [smem:$0x3FA0]  }
0x2b: {  	s6 =	sld [smem:$0x3FA1]  }
0x2c: {  	s7 =	sld [smem:$0x3FA2]  }
0x2d: {  	s3 =	simm.s32 $0x108;
	s8 =	sld [smem:$0x3FA3]  }
0x2e: {  	s3 =	simm.s32 @!p0 $0x1082;
	s9 =	sld [smem:$0x3FA4]  }
0x2f: {  	lr =	sadd.s32 s0, s3;
	s0 =	sld [smem:$0x3F9B]  }
0x30: {  	s3 =	sld [smem:$0x3F9E]  }
0x31: {  	[smem:$0x3FA7] =	sst s10  }
0x32: {  	s10 =	sld [smem:$0x3FA5];
	_ =	sdelay $0x3  }
0x33: {  	p0 =	seq.s32 s10, $0x1;
	s10 =	sld [smem:$0x3FA7];
	_ =	sdelay $0x3  }
0x34: {  	[smem:$0x3FA7] =	sst s10  }
0x35: {  	s10 =	sld [smem:$0x3FA6];
	_ =	sdelay $0x3  }
0x36: {  	p1 =	seq.s32 s10, $0x1;
	s10 =	sld [smem:$0x3FA7];
	_ =	sdelay $0x3  }
0x37: {  	[smem:$0x3FA7] =	sst s10  }
0x38: {  	s10 =	sld [smem:$0x3FA8]  }
0x39: {  	_ = 	snop;
	(pc) =	sbr.ind lr, $3  }
0x3a: {  	_ = 	snop  }
0x3b: {  	_ = 	snop  }
0x3c: {  	p2 =	seq.s32 s10, $0x1;
	s10 =	sld [smem:$0x3FA7]  }
0x3d: {  	_ =	shalt  }
0x3e: {  	_ =	shalt  }
0x3f: {  	_ =	shalt  }
0x40: {  	_ =	shalt  }
0x41: {  	_ =	shalt  }
0x42: {  	_ =	shalt  }
0x43: {  	_ =	shalt  }
0x44: {  	_ =	shalt  }
0x45: {  	_ =	shalt  }
0x46: {  	_ =	shalt  }
0x47: {  	_ =	shalt  }
0x48: {  	_ =	shalt  }
0x49: {  	_ =	shalt  }
0x4a: {  	_ =	shalt  }
0x4b: {  	_ =	shalt  }
0x4c: {  	_ =	shalt  }
0x4d: {  	_ =	shalt  }
0x4e: {  	_ =	shalt  }
0x4f: {  	_ =	shalt  }
0x50: {  	_ =	shalt  }
0x51: {  	_ =	shalt  }
0x52: {  	_ =	shalt  }
0x53: {  	_ =	shalt  }
0x54: {  	_ =	shalt  }
0x55: {  	_ =	shalt  }
0x56: {  	_ =	shalt  }
0x57: {  	_ =	shalt  }
0x58: {  	_ =	shalt  }
0x59: {  	_ =	shalt  }
0x5a: {  	_ =	shalt  }
0x5b: {  	_ =	shalt  }
0x5c: {  	_ =	shalt  }
0x5d: {  	_ =	shalt  }
0x5e: {  	_ =	shalt  }
0x5f: {  	_ =	shalt  }
0x60: {  	_ =	shalt  }
0x61: {  	_ =	shalt  }
0x62: {  	_ =	shalt  }
0x63: {  	_ =	shalt  }
0x64: {  	_ =	shalt  }
0x65: {  	_ =	shalt  }
0x66: {  	_ =	shalt  }
0x67: {  	_ =	shalt  }
0x68: {  	_ =	shalt  }
0x69: {  	_ =	shalt  }
0x6a: {  	_ =	shalt  }
0x6b: {  	_ =	shalt  }
0x6c: {  	_ =	shalt  }
0x6d: {  	_ =	shalt  }
0x6e: {  	_ =	shalt  }
0x6f: {  	_ =	shalt  }
0x70: {  	_ =	shalt  }
0x71: {  	_ =	shalt  }
0x72: {  	_ =	shalt  }
0x73: {  	_ =	shalt  }
0x74: {  	_ =	shalt  }
0x75: {  	_ =	shalt  }
0x76: {  	_ =	shalt  }
0x77: {  	_ =	shalt  }
0x78: {  	_ =	shalt  }
0x79: {  	_ =	shalt  }
0x7a: {  	_ =	shalt  }
0x7b: {  	_ =	shalt  }
0x7c: {  	_ =	shalt  }
0x7d: {  	_ =	shalt  }
0x7e: {  	_ =	shalt  }
0x7f: {  	_ =	shalt  }
0x80: {  	_ =	shalt  }
0x81: {  	_ =	shalt  }
0x82: {  	_ =	shalt  }
0x83: {  	_ =	shalt  }
0x84: {  	_ =	shalt  }
0x85: {  	_ =	shalt  }
0x86: {  	_ =	shalt  }
0x87: {  	_ =	shalt  }
.Lfunc_end0:
.L_simem_size_0:
called_computation.2_lowered:
.L_overlay_start_0:
0x88: {  	s2 =	sld [smem:$0x3FD9]  }
0x89: {  	s3 =	sld [smem:$0x3FFE];
	_ =	sdelay $0x1  }
0x8a: {  	s1 =	srdreg.scid  }
0x8b: {  	s0 =	sand.u32 $0x1, s1  }
0x8c: {  	s16 =	sshll.u32 s0, $0xA;
	s2 =	sadd.s32 s3, s2  }
0x8d: {  	s2 =	sadd.s32 s2, s16  }
0x8e: {  	[smem:$0x3FB3] =	sst s2  }
0x8f: {  	_ = 	snop  }
0x90: {  	(tm) =	ssettm $0x1  }
0x91: {  	s17 =	sld [smem:$0x3FFB];
	_ =	sdelay $0x3  }
0x92: {  	_ =	strace s17  }
0x93: {  	s2 =	sld [smem:$0x3FFC];
	_ =	sdelay $0x3  }
0x94: {  	_ =	strace s2  }
0x95: {  	s2 =	sld [smem:$0x3FFD];
	_ =	sdelay $0x3  }
0x96: {  	_ =	strace s2  }
0x97: {  	_ =	strace $0x8FFFFFFF  }
0x98: {  	s18 =	sld [smem:$0x3FDB];
	_ =	sdelay $0x1  }
0x99: {  	s19 =	simm.s32 $_scs_section_size  }
0x9a: {  	s4 =	simm.s32 $_size__tile_overlayer_lowered;
	s5 =	simm.s32 $_tile_overlayer_lowered  }
0x9b: {  	s22 =	simm.s32 $0x1BFF;
	s21 =	sshll.u32 s5, $0x1;
	s2 =	sadd.s32 s19, s18  }
0x9c: {  	s6 =	simm.s32 $0x0;
	s20 =	sshll.u32 s4, $0x1;
	s4 =	sadd.s32 s21, s2  }
0x9d: {  	[timem:s6], [sflag:s22] =	dma.local [hbm:s4], s20  }
0x9e: {  	_ =	swait.ge [sflag:s22], s20  }
0x9f: {  	s3 =	ssub.s32 $0x0, s20;
	[sflag:s22] =	ssyncset.done $0x0  }
0xa0: {  	[sflag:s22] =	ssyncadd.s32 s3;
	_ =	sdelay $0x1  }
0xa1: {  	s23 =	simm.s32 $0x1B8B  }
0xa2: {  	_ =	swait.ge [sflag:s23], $0x1  }
0xa3: {  	[sflag:s23] =	ssyncset.done $0x0  }
0xa4: {  	s25 =	simm.s32 $0x1B8E;
	s24 =	sld [smem:$0x3FFE];
	[sflag:s23] =	ssyncadd.s32 $0xFFFFFFFF  }
0xa5: {  	s26 =	simm.s32 $execute0_lowered;
	[smem:$0x3FD2] =	sst s25  }
0xa6: {  	s4 =	sshll.u32 s26, $0x1;
	_ =	strace $0x8000004C;
	[dreg:$0x1] =	wrdreg $0xFFFFFFFF  }
0xa7: {  	s28 =	simm.s32 $_size_execute0_lowered;
	s2 =	sadd.s32 s2, s4;
	[dreg:$0x0] =	wrdreg $0x0  }
0xa8: {  	s4 =	sshll.u32 s28, $0x1;
	[dreg:$0x2] =	wrdreg s2  }
0xa9: {  	[dreg:$0x3] =	wrdreg s4  }
0xaa: {  	[dreg:$0x4] =	wrdreg $0xC0  }
0xab: {  	_ =	task [dreg:s6], $0x5FFFF  }
0xac: {  	[dreg:$0x1] =	wrdreg $0xFFFFFFFF  }
0xad: {  	[dreg:$0x0] =	wrdreg $0x60  }
0xae: {  	[dreg:$0x2] =	wrdreg s24  }
0xaf: {  	[dreg:$0x3] =	wrdreg $0x14A00  }
0xb0: {  	[dreg:$0x4] =	wrdreg $0x9  }
0xb1: {  	_ =	task.clear_ibuf [dreg:s6], $0x5FFFF;
	_ =	strace $0x9000004C  }
0xb2: {  	s29 =	simm.s32 $0x9;
	_ =	strace $0x8000004E  }
0xb3: {  	_ =	swait.ge [sflag:s29], $0x1  }
0xb4: {  	[sflag:s29] =	ssyncadd.s32 $0xFFFFFFFF  }
0xb5: {  	_ =	strace $0x9000004E  }
0xb6: {  	_ =	sfence  }
0xb7: {  	s30 =	sld [smem:$0x0];
	_ =	sdelay $0x2  }
0xb8: {  	s31 =	sshll.u32 s1, $0xD;
	s1 =	sshrl.u32 s1, $0x2  }
0xb9: {  	s3 =	sand.u32 $0x4000, s31;
	s1 =	sadd.s32 s1, s30  }
0xba: {  	s0 =	sor.u32 s3, s0;
	s1 =	sshll.u32 s1, $0x11  }
0xbb: {  	s0 =	sor.u32 s1, s0  }
0xbc: {  	s0 =	sadd.s32 $0x8F2B, s0  }
0xbd: {  	[sflag:s0] =	ssyncadd.remote.s32 $0x1  }
0xbe: {  	_ =	sfence.sel $0xFFFF  }
0xbf: {  	[dreg:$0x0] =	wrdreg $0xFFFFFFFF;
	(pc) =	sbr.abs _section_cstart, $3  }
0xc0: {  	[dreg:$0x1] =	wrdreg $0xFFFFFFFF  }
0xc1: {  	_ =	task.clear_ibuf [dreg:s6], $0x2FFFF;
	_ =	strace $0x9FFFFFFF  }
0xc2: {  	(tm) =	ssettm $0x7FFFFFFF  }
0xc3: {  	_ =	shalt  }
tec
execute0_lowered:
.L_overlay_start_1:
0x0: {  	(tag) =	ssettag $0x1  }
0x1: {  	s7 =	rddreg [dreg:$0x0];
	s0 =	srdreg.scid  }
0x2: {  	s2 =	rddreg [dreg:$0x1];
	s1 =	stileid.u32  }
0x3: {  	s3 =	simm.s32 $0x0;
	s16 =	simm.s32 $0x50;
	s17 =	simm.s32 $0xA0  }
0x4: {  	s18 =	simm.s32 $0x1;
	s5 =	sand.u32 $0x1, s0;
	s0 =	rddreg [dreg:$0x2]  }
0x5: {  	s19 =	simm.s32 $0x0;
	s6 =	smul.u32 $0x2710, s1;
	[smem:$0x7FF] =	sst s3  }
0x6: {  	s8 =	smul.u32 $0x9C00, s1;
	s10 =	sadd.s32 $0x9C200, s7;
	s30 =	sshll.u32 s1, $0x6  }
0x7: {  	s15 =	sadd.s32 $0x9C000, s2;
	p0 =	sne.s32 s1, $0xF;
	s4 =	smul.u32 $0x27100, s5  }
0x8: {  	_ =	strace $0x8000004D;
	s29 =	ssub.s32 $0x2, s5;
	s13 =	smul.u32 $0x9C400, s5  }
0x9: {  	s15 =	sshrl.u32 @!p0 s15, $0x3;
	s9 =	sshrl.u32 s8, $0x3;
	s11 =	sshrl.u32 s29, $0x1  }
0xa: {  	s14 =	sadd.s32 s8, s2;
	s6 =	sadd.s32 s6, s4;
	s4 =	sadd.s32 $0x17C00, s7  }
0xb: {  	s28 =	sadd.s32 s9, s7;
	s11 =	ssub.s32 s29, s11;
	s8 =	sadd.s32 s8, s13  }
0xc: {  	s31 =	sshrl.u32 s13, $0x3;
	s13 =	sshrl.u32 s14, $0x3;
	s14 =	simm.s32 $0x2  }
0xd: {  	s6 =	sshrl.u32 s6, $0x3;
	s5 =	sadd.s32 $0x2B600, s28;
	s8 =	sshrl.u32 s8, $0x3  }
0xe: {  	s9 =	sadd.s32 s10, s31;
	s12 =	sadd.s32 s6, s7;
	s6 =	sor.u32 $0x1C02, s30  }
0xf: {  	s7 =	sadd.s32 $0x3EE00, s7;
	s8 =	sadd.s32 s10, s8;
	s9 =	sadd.s32 $0x13800, s9  }
0x10: {  	s10 =	smax.u32 s11, $0x1;
	s11 =	sadd.s32 $0x4000, s12;
	s12 =	sadd.s32 $0xDE00, s12  }
.LBB2_1:
0x11: {  	[spmem:s13], [sflag:s6] =	dma.local [hbm:s5], $0x1380  }
0x12: {  	_ =	swait.ge [sflag:s14], $0x1380  }
0x13: {  	[sflag:s14] =	ssyncset.done $0x0  }
0x14: {  	s20 =	simm.s32 @!p0 $0x2;
	[sflag:s14] =	ssyncadd.s32 $0xFFFFEC80  }
0x15: {  	[spmem:s15], [sflag:s6] =	dma.local @!p0 [hbm:s7], $0x80  }
0x16: {  	_ =	swait.ge @!p0 [sflag:s20], $0x80  }
0x17: {  	[sflag:s20] =	ssyncset.done @!p0 $0x0  }
0x18: {  	[sflag:s20] =	ssyncadd.s32 @!p0 $0xFFFFFF80  }
0x19: {  	s30 =	sadd.s32 $0x0, s12;
	[bflag:$0x0] =	sbarrier.arrive $0xFFFF  }
0x1a: {  	[tilespmem:s3], [sflag:$0x2] =	stream.linear.gather [hbm4b:s30+s3], $0x50, $0x38;
	[tilespmem:$0xB0E0] =	vst v63  }
0x1b: {  	_ =	swait.ge [sflag:s14], $0x50  }
0x1c: {  	[sflag:s14] =	ssyncset.done $0x0  }
0x1d: {  	s31 =	sadd.s32 $0x0, s11;
	[sflag:s14] =	ssyncadd.s32 $0xFFFFFFB0  }
0x1e: {  	[tilespmem:s16], [sflag:$0x2] =	stream.linear.gather [hbm4b:s31+s3], $0x50, $0x38;
	[tilespmem:$0xB0E0] =	vst v63  }
0x1f: {  	_ =	swait.ge [sflag:s14], $0x50  }
0x20: {  	[sflag:s14] =	ssyncset.done $0x0  }
0x21: {  	[sflag:s14] =	ssyncadd.s32 $0xFFFFFFB0  }
0x22: {  	[tilespmem:s17], [sflag:$0x1] =	stream.indirect.gather [hbm4b:s4+s16], $0x40, s3, s16, $0xb8;
	[tilespmem:$0xB0E0] =	vst v63  }
0x23: {  	_ =	swait.ge [sflag:s18], $0x1400  }
0x24: {  	[sflag:s18] =	ssyncset.done $0x0  }
0x25: {  	[sflag:s18] =	ssyncadd.s32 $0xFFFFEC00  }
0x26: {  	[spmem:s2] =	stream.indirect.scatter.add.f32 [tilespmem:s17], [sflag:$0x2], $0x40, s16, s16, $0xb8;
	[tilespmem:$0xB0E0] =	vst v63  }
0x27: {  	_ =	swait.ge [sflag:s14], $0x1400  }
0x28: {  	s21 =	simm.s32 $0x14;
	s20 =	simm.s32 $0xA;
	[sflag:s14] =	ssyncset.done $0x0  }
.LBB2_2:
0x29: {  	s22 =	sadd.s32 s20, s12  }
0x2a: {  	[sflag:s14] =	ssyncadd.s32 $0xFFFFEC00;
	s23 =	smov.u32 s21;
	s24 =	sadd.s32 $0xA, s21  }
0x2b: {  	[tilespmem:s3], [sflag:$0x2] =	stream.linear.gather [hbm4b:s22+s3], $0x50, $0x38;
	[tilespmem:$0xB0E0] =	vst v63  }
0x2c: {  	p1 =	sne.s32 s21, $0x4D8;
	_ =	swait.ge [sflag:s14], $0x50  }
0x2d: {  	[sflag:s14] =	ssyncset.done $0x0  }
0x2e: {  	s21 =	sadd.s32 s20, s11;
	s20 =	smov.u32 s23;
	[sflag:s14] =	ssyncadd.s32 $0xFFFFFFB0  }
0x2f: {  	[tilespmem:s16], [sflag:$0x2] =	stream.linear.gather [hbm4b:s21+s3], $0x50, $0x38;
	[tilespmem:$0xB0E0] =	vst v63  }
0x30: {  	_ =	swait.ge [sflag:s14], $0x50  }
0x31: {  	[sflag:s14] =	ssyncset.done $0x0  }
0x32: {  	[sflag:s14] =	ssyncadd.s32 $0xFFFFFFB0  }
0x33: {  	[tilespmem:s17], [sflag:$0x1] =	stream.indirect.gather [hbm4b:s4+s16], $0x40, s3, s16, $0xb8;
	[tilespmem:$0xB0E0] =	vst v63  }
0x34: {  	_ =	swait.ge [sflag:s18], $0x1400  }
.Ltmp0:
0x35: {  	[sflag:s18] =	ssyncset.done $0x0;
	(pc) =	sbr.rel @p1 .LBB2_2-.Ltmp0, $4  }
0x36: {  	[sflag:s18] =	ssyncadd.s32 $0xFFFFEC00  }
0x37: {  	[spmem:s2] =	stream.indirect.scatter.add.f32 [tilespmem:s17], [sflag:$0x2], $0x40, s16, s16, $0xb8;
	[tilespmem:$0xB0E0] =	vst v63  }
0x38: {  	_ =	swait.ge [sflag:s14], $0x1400  }
0x39: {  	s21 =	smov.u32 s24;
	[sflag:s14] =	ssyncset.done $0x0  }
0x3a: {  	s21 =	sadd.s32 s20, s12;
	[sflag:s14] =	ssyncadd.s32 $0xFFFFEC00  }
0x3b: {  	[tilespmem:s3], [sflag:$0x2] =	stream.linear.gather [hbm4b:s21+s3], $0x50, $0x38;
	[tilespmem:$0xB0E0] =	vst v63  }
0x3c: {  	_ =	swait.ge [sflag:s14], $0x50  }
0x3d: {  	[sflag:s14] =	ssyncset.done $0x0  }
0x3e: {  	s31 =	sadd.s32 s20, s11;
	[sflag:s14] =	ssyncadd.s32 $0xFFFFFFB0  }
0x3f: {  	[tilespmem:s16], [sflag:$0x2] =	stream.linear.gather [hbm4b:s31+s3], $0x50, $0x38;
	[tilespmem:$0xB0E0] =	vst v63  }
0x40: {  	_ =	swait.ge [sflag:s14], $0x50  }
0x41: {  	[sflag:s14] =	ssyncset.done $0x0  }
0x42: {  	[sflag:s14] =	ssyncadd.s32 $0xFFFFFFB0  }
0x43: {  	[tilespmem:s17], [sflag:$0x1] =	stream.indirect.gather [hbm4b:s4+s16], $0x40, s3, s16, $0xb8;
	[tilespmem:$0xB0E0] =	vst v63  }
0x44: {  	_ =	swait.ge [sflag:s18], $0x1400  }
0x45: {  	[sflag:s18] =	ssyncset.done $0x0  }
0x46: {  	[sflag:s18] =	ssyncadd.s32 $0xFFFFEC00  }
0x47: {  	[spmem:s2] =	stream.indirect.scatter.add.f32 [tilespmem:s17], [sflag:$0x2], $0x40, s16, s16, $0xb8;
	[tilespmem:$0xB0E0] =	vst v63  }
0x48: {  	_ =	swait.ge [sflag:s14], $0x1400  }
0x49: {  	[sflag:s14] =	ssyncset.done $0x0  }
0x4a: {  	[sflag:s14] =	ssyncadd.s32 $0xFFFFEC00  }
0x4b: {  	[bflag:$0x0] =	sbarrier.arrive $0xFFFF  }
0x4c: {  	[hbm:s8], [sflag:s6] =	dma.local [spmem:s13], $0x1380  }
0x4d: {  	s19 =	sadd.s32 $0x1, s19;
	_ =	swait.ge [sflag:s14], $0x1380  }
0x4e: {  	p1 =	sne.s32 s19, s10;
	[sflag:s14] =	ssyncset.done $0x0  }
.Ltmp1:
0x4f: {  	s20 =	simm.s32 @!p0 $0x2;
	[sflag:s14] =	ssyncadd.s32 $0xFFFFEC80;
	(pc) =	sbr.rel @p1 .LBB2_1-.Ltmp1, $4  }
0x50: {  	[hbm:s9], [sflag:s6] =	dma.local @!p0 [spmem:s15], $0x80  }
0x51: {  	_ =	swait.ge @!p0 [sflag:s20], $0x80  }
0x52: {  	[sflag:s20] =	ssyncset.done @!p0 $0x0  }
0x53: {  	[sflag:s20] =	ssyncadd.s32 @!p0 $0xFFFFFF80  }
0x54: {  	_ =	sfence.sel $0x180000  }
0x55: {  	[bflag:$0x0] =	sbarrier.arrive $0xFFFF  }
0x56: {  	p0 =	sne.s32 s1, $0x0;
	_ =	strace $0x9000004D  }
0x57: {  	s0 =	sadd.s32 @!p0 $0x100000, s0;
	[bflag:$0x2] =	sbarrier.arrive $0xFFFF  }
0x58: {  	[sflag:s0] =	ssyncadd.tile.s32 @!p0 $0x1;
	_ =	shalt  }
.Lfunc_end2:
_tile_overlayer_lowered:
.L_overlay_start_2:
0x59: {  	(tag) =	ssettag $0x2  }
0x5a: {  	s0 =	rddreg [dreg:$0x0];
	s2 =	stileid.u32  }
0x5b: {  	s1 =	rddreg [dreg:$0x1];
	p0 =	sne.s32 s2, $0x0  }
0x5c: {  	s3 =	rddreg [dreg:$0x2];
	[bflag:$0x3] =	sbarrier.arrive $0xFFFF;
	s2 =	simm.s32 @!p0 $0x1C02  }
0x5d: {  	[timem:s3], [sflag:s2] =	dma.local @!p0 [hbm:s0], s1  }
0x5e: {  	s0 =	simm.s32 @!p0 $0x2  }
0x5f: {  	_ =	swait.ge @!p0 [sflag:s0], s1  }
0x60: {  	s1 =	ssub.s32 @!p0 $0x0, s1;
	[sflag:s0] =	ssyncset.done @!p0 $0x0  }
0x61: {  	[sflag:s0] =	ssyncadd.s32 @!p0 s1  }
0x62: {  	[bflag:$0x3] =	sbarrier.arrive $0xFFFF  }
0x63: {  	_ =	shalt  }

// kernel: kernel.25.cloned.1.call-start
scs
__scs_entry_jumppad:
0x0: {  	(pc) =	sbr.rel $0x88, $3  }
0x1: {  	(tag) =	ssettag $0x0;
	lr =	simm.s32 $0x1  }
0x2: {  	[smem:$0x3F8C] =	sst lr;
	_ =	strace $0xD0000000  }
0x3: {  	_ = 	snop  }
0x4: {  	_ = 	snop  }
0x5: {  	_ = 	snop  }
0x6: {  	_ = 	snop  }
0x7: {  	_ = 	snop  }
__scs_overlays_trampoline_lowered:
0x8: {  	[smem:$0x3F9B] =	sst s0  }
0x9: {  	[smem:$0x3F9C] =	sst s1  }
0xa: {  	[smem:$0x3F9D] =	sst s2  }
0xb: {  	[smem:$0x3F9E] =	sst s3  }
0xc: {  	[smem:$0x3F9F] =	sst s4  }
0xd: {  	[smem:$0x3FA0] =	sst s5  }
0xe: {  	[smem:$0x3FA1] =	sst s6  }
0xf: {  	[smem:$0x3FA2] =	sst s7  }
0x10: {  	[smem:$0x3FA3] =	sst s8  }
0x11: {  	[smem:$0x3FA4] =	sst s9;
	s0 =	simm.s32 @!p0 $0x0  }
0x12: {  	s1 =	sld [smem:$0x3F8A];
	s0 =	simm.s32 @p0 $0x1  }
0x13: {  	[smem:$0x3FA5] =	sst s0;
	s0 =	simm.s32 @!p1 $0x0  }
0x14: {  	s2 =	sld [smem:$0x3F89];
	s0 =	simm.s32 @p1 $0x1  }
0x15: {  	[smem:$0x3FA6] =	sst s0;
	s0 =	simm.s32 @!p2 $0x0  }
0x16: {  	s3 =	sld [smem:$0x3FDB];
	s0 =	simm.s32 @p2 $0x1  }
0x17: {  	s4 =	simm.s32 $0x1BF5;
	[smem:$0x3FA8] =	sst s0  }
0x18: {  	s0 =	sld [smem:$0x3F8B];
	_ =	swait.ge [sflag:s4], $0x0  }
0x19: {  	s7 =	sld [smem:$0x3F8C]  }
0x1a: {  	s8 =	sadd.s32 $0xFFFFE003, lr  }
0x1b: {  	s9 =	sadd.s32 $0xFFFFFEF7, lr;
	s5 =	simm.s32 $0xFFFFFFFF;
	p2 =	slt.u32 s8, $0xFFFFF086  }
0x1c: {  	p1 =	slt.u32 s9, $0xF7A;
	s5 =	simm.s32 @!p2 $0x0  }
0x1d: {  	s5 =	simm.s32 @p1 $0x1;
	p0 =	seq.s32 s7, s2  }
0x1e: {  	s7 =	smul.u32 @!p0 $0xF7A, s2;
	p2 =	seq.s32 @!p0 s5, $0x0  }
0x1f: {  	s9 =	smul.u32 $0xF7A, s1;
	s8 =	simm.s32 @!p0 $0x1BF5;
	p2 =	por !p2, p0  }
0x20: {  	[sflag:s8] =	ssyncset.s32 @!p0 $0xFFFFF086;
	s6 =	sadd.s32 @!p0 s3, s7;
	s7 =	simm.s32 @!p0 $0x108  }
0x21: {  	s3 =	sadd.s32 s3, s9;
	s6 =	sadd.s32 @!p0 $0x88, s6;
	s7 =	simm.s32 @p2 $0x1082  }
0x22: {  	[simem:s7], [sflag:s8] =	dma.local @!p0 [hbm:s6], $0xF7A  }
0x23: {  	s9 =	sor.u32 $0xD0000000, s2;
	s6 =	simm.s32 $0x108;
	_ =	swait.ge @!p0 [sflag:s8], $0x0  }
0x24: {  	s3 =	sadd.s32 $0x88, s3;
	s6 =	simm.s32 @!p1 $0x1082;
	[sflag:s4] =	ssyncset.s32 $0xFFFFF086  }
0x25: {  	[simem:s6], [sflag:s4] =	dma.local [hbm:s3], $0xF7A  }
0x26: {  	[smem:$0x3F8C] =	sst s1;
	(tag) =	ssettag s2;
	_ =	strace s9  }
0x27: {  	s1 =	sld [smem:$0x3F9C]  }
0x28: {  	s2 =	sld [smem:$0x3F9D]  }
0x29: {  	s4 =	sld [smem:$0x3F9F]  }
0x2a: {  	p0 =	seq.s32 s5, $0x0;
	s5 =	sld [smem:$0x3FA0]  }
0x2b: {  	s6 =	sld [smem:$0x3FA1]  }
0x2c: {  	s7 =	sld [smem:$0x3FA2]  }
0x2d: {  	s3 =	simm.s32 $0x108;
	s8 =	sld [smem:$0x3FA3]  }
0x2e: {  	s3 =	simm.s32 @!p0 $0x1082;
	s9 =	sld [smem:$0x3FA4]  }
0x2f: {  	lr =	sadd.s32 s0, s3;
	s0 =	sld [smem:$0x3F9B]  }
0x30: {  	s3 =	sld [smem:$0x3F9E]  }
0x31: {  	[smem:$0x3FA7] =	sst s10  }
0x32: {  	s10 =	sld [smem:$0x3FA5];
	_ =	sdelay $0x3  }
0x33: {  	p0 =	seq.s32 s10, $0x1;
	s10 =	sld [smem:$0x3FA7];
	_ =	sdelay $0x3  }
0x34: {  	[smem:$0x3FA7] =	sst s10  }
0x35: {  	s10 =	sld [smem:$0x3FA6];
	_ =	sdelay $0x3  }
0x36: {  	p1 =	seq.s32 s10, $0x1;
	s10 =	sld [smem:$0x3FA7];
	_ =	sdelay $0x3  }
0x37: {  	[smem:$0x3FA7] =	sst s10  }
0x38: {  	s10 =	sld [smem:$0x3FA8]  }
0x39: {  	_ = 	snop;
	(pc) =	sbr.ind lr, $3  }
0x3a: {  	_ = 	snop  }
0x3b: {  	_ = 	snop  }
0x3c: {  	p2 =	seq.s32 s10, $0x1;
	s10 =	sld [smem:$0x3FA7]  }
0x3d: {  	_ =	shalt  }
0x3e: {  	_ =	shalt  }
0x3f: {  	_ =	shalt  }
0x40: {  	_ =	shalt  }
0x41: {  	_ =	shalt  }
0x42: {  	_ =	shalt  }
0x43: {  	_ =	shalt  }
0x44: {  	_ =	shalt  }
0x45: {  	_ =	shalt  }
0x46: {  	_ =	shalt  }
0x47: {  	_ =	shalt  }
0x48: {  	_ =	shalt  }
0x49: {  	_ =	shalt  }
0x4a: {  	_ =	shalt  }
0x4b: {  	_ =	shalt  }
0x4c: {  	_ =	shalt  }
0x4d: {  	_ =	shalt  }
0x4e: {  	_ =	shalt  }
0x4f: {  	_ =	shalt  }
0x50: {  	_ =	shalt  }
0x51: {  	_ =	shalt  }
0x52: {  	_ =	shalt  }
0x53: {  	_ =	shalt  }
0x54: {  	_ =	shalt  }
0x55: {  	_ =	shalt  }
0x56: {  	_ =	shalt  }
0x57: {  	_ =	shalt  }
0x58: {  	_ =	shalt  }
0x59: {  	_ =	shalt  }
0x5a: {  	_ =	shalt  }
0x5b: {  	_ =	shalt  }
0x5c: {  	_ =	shalt  }
0x5d: {  	_ =	shalt  }
0x5e: {  	_ =	shalt  }
0x5f: {  	_ =	shalt  }
0x60: {  	_ =	shalt  }
0x61: {  	_ =	shalt  }
0x62: {  	_ =	shalt  }
0x63: {  	_ =	shalt  }
0x64: {  	_ =	shalt  }
0x65: {  	_ =	shalt  }
0x66: {  	_ =	shalt  }
0x67: {  	_ =	shalt  }
0x68: {  	_ =	shalt  }
0x69: {  	_ =	shalt  }
0x6a: {  	_ =	shalt  }
0x6b: {  	_ =	shalt  }
0x6c: {  	_ =	shalt  }
0x6d: {  	_ =	shalt  }
0x6e: {  	_ =	shalt  }
0x6f: {  	_ =	shalt  }
0x70: {  	_ =	shalt  }
0x71: {  	_ =	shalt  }
0x72: {  	_ =	shalt  }
0x73: {  	_ =	shalt  }
0x74: {  	_ =	shalt  }
0x75: {  	_ =	shalt  }
0x76: {  	_ =	shalt  }
0x77: {  	_ =	shalt  }
0x78: {  	_ =	shalt  }
0x79: {  	_ =	shalt  }
0x7a: {  	_ =	shalt  }
0x7b: {  	_ =	shalt  }
0x7c: {  	_ =	shalt  }
0x7d: {  	_ =	shalt  }
0x7e: {  	_ =	shalt  }
0x7f: {  	_ =	shalt  }
0x80: {  	_ =	shalt  }
0x81: {  	_ =	shalt  }
0x82: {  	_ =	shalt  }
0x83: {  	_ =	shalt  }
0x84: {  	_ =	shalt  }
0x85: {  	_ =	shalt  }
0x86: {  	_ =	shalt  }
0x87: {  	_ =	shalt  }
.Lfunc_end0:
.L_simem_size_0:
called_computation.3_lowered:
.L_overlay_start_0:
0x88: {  	s2 =	sld [smem:$0x3FD9]  }
0x89: {  	s3 =	sld [smem:$0x3FFE];
	_ =	sdelay $0x1  }
0x8a: {  	s1 =	srdreg.scid  }
0x8b: {  	s0 =	sand.u32 $0x1, s1  }
0x8c: {  	s16 =	sshll.u32 s0, $0xA;
	s2 =	sadd.s32 s3, s2  }
0x8d: {  	s2 =	sadd.s32 s2, s16  }
0x8e: {  	[smem:$0x3FB3] =	sst s2  }
0x8f: {  	_ = 	snop  }
0x90: {  	(tm) =	ssettm $0x1  }
0x91: {  	s17 =	sld [smem:$0x3FFB];
	_ =	sdelay $0x3  }
0x92: {  	_ =	strace s17  }
0x93: {  	s2 =	sld [smem:$0x3FFC];
	_ =	sdelay $0x3  }
0x94: {  	_ =	strace s2  }
0x95: {  	s2 =	sld [smem:$0x3FFD];
	_ =	sdelay $0x3  }
0x96: {  	_ =	strace s2  }
0x97: {  	_ =	strace $0x8FFFFFFF  }
0x98: {  	s18 =	sld [smem:$0x3FDB];
	_ =	sdelay $0x1  }
0x99: {  	s19 =	simm.s32 $_scs_section_size  }
0x9a: {  	s4 =	simm.s32 $_size__tile_overlayer_lowered;
	s5 =	simm.s32 $_tile_overlayer_lowered  }
0x9b: {  	s22 =	simm.s32 $0x1BFF;
	s21 =	sshll.u32 s5, $0x1;
	s2 =	sadd.s32 s19, s18  }
0x9c: {  	s6 =	simm.s32 $0x0;
	s20 =	sshll.u32 s4, $0x1;
	s4 =	sadd.s32 s21, s2  }
0x9d: {  	[timem:s6], [sflag:s22] =	dma.local [hbm:s4], s20  }
0x9e: {  	_ =	swait.ge [sflag:s22], s20  }
0x9f: {  	s3 =	ssub.s32 $0x0, s20;
	[sflag:s22] =	ssyncset.done $0x0  }
0xa0: {  	[sflag:s22] =	ssyncadd.s32 s3;
	_ =	sdelay $0x1  }
0xa1: {  	s23 =	simm.s32 $0x1B8B  }
0xa2: {  	_ =	swait.ge [sflag:s23], $0x1  }
0xa3: {  	[sflag:s23] =	ssyncset.done $0x0  }
0xa4: {  	s25 =	simm.s32 $0x1B8E;
	s24 =	sld [smem:$0x3FFE];
	[sflag:s23] =	ssyncadd.s32 $0xFFFFFFFF  }
0xa5: {  	s26 =	simm.s32 $execute0_lowered;
	[smem:$0x3FD2] =	sst s25  }
0xa6: {  	s4 =	sshll.u32 s26, $0x1;
	_ =	strace $0x8000004F;
	[dreg:$0x1] =	wrdreg $0xFFFFFFFF  }
0xa7: {  	s28 =	simm.s32 $_size_execute0_lowered;
	s2 =	sadd.s32 s2, s4;
	[dreg:$0x0] =	wrdreg $0x0  }
0xa8: {  	s4 =	sshll.u32 s28, $0x1;
	[dreg:$0x2] =	wrdreg s2  }
0xa9: {  	[dreg:$0x3] =	wrdreg s4  }
0xaa: {  	[dreg:$0x4] =	wrdreg $0xC0  }
0xab: {  	_ =	task [dreg:s6], $0x5FFFF  }
0xac: {  	[dreg:$0x1] =	wrdreg $0xFFFFFFFF  }
0xad: {  	[dreg:$0x0] =	wrdreg $0x60  }
0xae: {  	[dreg:$0x2] =	wrdreg s24  }
0xaf: {  	[dreg:$0x3] =	wrdreg $0x14A00  }
0xb0: {  	[dreg:$0x4] =	wrdreg $0x9  }
0xb1: {  	_ =	task.clear_ibuf [dreg:s6], $0x5FFFF;
	_ =	strace $0x9000004F  }
0xb2: {  	s29 =	simm.s32 $0x9;
	_ =	strace $0x80000051  }
0xb3: {  	_ =	swait.ge [sflag:s29], $0x1  }
0xb4: {  	[sflag:s29] =	ssyncadd.s32 $0xFFFFFFFF  }
0xb5: {  	_ =	strace $0x90000051  }
0xb6: {  	_ =	sfence  }
0xb7: {  	s30 =	sld [smem:$0x0];
	_ =	sdelay $0x2  }
0xb8: {  	s31 =	sshll.u32 s1, $0xD;
	s1 =	sshrl.u32 s1, $0x2  }
0xb9: {  	s3 =	sand.u32 $0x4000, s31;
	s1 =	sadd.s32 s1, s30  }
0xba: {  	s0 =	sor.u32 s3, s0;
	s1 =	sshll.u32 s1, $0x11  }
0xbb: {  	s0 =	sor.u32 s1, s0  }
0xbc: {  	s0 =	sadd.s32 $0x8F2B, s0  }
0xbd: {  	[sflag:s0] =	ssyncadd.remote.s32 $0x1  }
0xbe: {  	_ =	sfence.sel $0xFFFF  }
0xbf: {  	[dreg:$0x0] =	wrdreg $0xFFFFFFFF;
	(pc) =	sbr.abs _section_cstart, $3  }
0xc0: {  	[dreg:$0x1] =	wrdreg $0xFFFFFFFF  }
0xc1: {  	_ =	task.clear_ibuf [dreg:s6], $0x2FFFF;
	_ =	strace $0x9FFFFFFF  }
0xc2: {  	(tm) =	ssettm $0x7FFFFFFF  }
0xc3: {  	_ =	shalt  }
tec
execute0_lowered:
.L_overlay_start_1:
0x0: {  	(tag) =	ssettag $0x1  }
0x1: {  	s7 =	rddreg [dreg:$0x0];
	s0 =	srdreg.scid  }
0x2: {  	s2 =	rddreg [dreg:$0x1];
	s1 =	stileid.u32  }
0x3: {  	s3 =	simm.s32 $0x0;
	s16 =	simm.s32 $0x50;
	s17 =	simm.s32 $0xA0  }
0x4: {  	s18 =	simm.s32 $0x1;
	s5 =	sand.u32 $0x1, s0;
	s0 =	rddreg [dreg:$0x2]  }
0x5: {  	s19 =	simm.s32 $0x0;
	s6 =	smul.u32 $0x2710, s1;
	[smem:$0x7FF] =	sst s3  }
0x6: {  	s8 =	smul.u32 $0x9C00, s1;
	s10 =	sadd.s32 $0x9C200, s7;
	s30 =	sshll.u32 s1, $0x6  }
0x7: {  	s15 =	sadd.s32 $0x9C000, s2;
	p0 =	sne.s32 s1, $0xF;
	s4 =	smul.u32 $0x27100, s5  }
0x8: {  	_ =	strace $0x80000050;
	s29 =	ssub.s32 $0x2, s5;
	s13 =	smul.u32 $0x9C400, s5  }
0x9: {  	s15 =	sshrl.u32 @!p0 s15, $0x3;
	s9 =	sshrl.u32 s8, $0x3;
	s11 =	sshrl.u32 s29, $0x1  }
0xa: {  	s14 =	sadd.s32 s8, s2;
	s6 =	sadd.s32 s6, s4;
	s4 =	sadd.s32 $0x17C00, s7  }
0xb: {  	s28 =	sadd.s32 s9, s7;
	s11 =	ssub.s32 s29, s11;
	s8 =	sadd.s32 s8, s13  }
0xc: {  	s31 =	sshrl.u32 s13, $0x3;
	s13 =	sshrl.u32 s14, $0x3;
	s14 =	simm.s32 $0x2  }
0xd: {  	s6 =	sshrl.u32 s6, $0x3;
	s5 =	sadd.s32 $0x2B600, s28;
	s8 =	sshrl.u32 s8, $0x3  }
0xe: {  	s9 =	sadd.s32 s10, s31;
	s12 =	sadd.s32 s6, s7;
	s6 =	sor.u32 $0x1C02, s30  }
0xf: {  	s7 =	sadd.s32 $0x3EE00, s7;
	s8 =	sadd.s32 s10, s8;
	s9 =	sadd.s32 $0x13800, s9  }
0x10: {  	s10 =	smax.u32 s11, $0x1;
	s11 =	sadd.s32 $0x4000, s12;
	s12 =	sadd.s32 $0xDE00, s12  }
.LBB2_1:
0x11: {  	[spmem:s13], [sflag:s6] =	dma.local [hbm:s5], $0x1380  }
0x12: {  	_ =	swait.ge [sflag:s14], $0x1380  }
0x13: {  	[sflag:s14] =	ssyncset.done $0x0  }
0x14: {  	s20 =	simm.s32 @!p0 $0x2;
	[sflag:s14] =	ssyncadd.s32 $0xFFFFEC80  }
0x15: {  	[spmem:s15], [sflag:s6] =	dma.local @!p0 [hbm:s7], $0x80  }
0x16: {  	_ =	swait.ge @!p0 [sflag:s20], $0x80  }
0x17: {  	[sflag:s20] =	ssyncset.done @!p0 $0x0  }
0x18: {  	[sflag:s20] =	ssyncadd.s32 @!p0 $0xFFFFFF80  }
0x19: {  	s30 =	sadd.s32 $0x0, s12;
	[bflag:$0x0] =	sbarrier.arrive $0xFFFF  }
0x1a: {  	[tilespmem:s3], [sflag:$0x2] =	stream.linear.gather [hbm4b:s30+s3], $0x50, $0x38;
	[tilespmem:$0xB0E0] =	vst v63  }
0x1b: {  	_ =	swait.ge [sflag:s14], $0x50  }
0x1c: {  	[sflag:s14] =	ssyncset.done $0x0  }
0x1d: {  	s31 =	sadd.s32 $0x0, s11;
	[sflag:s14] =	ssyncadd.s32 $0xFFFFFFB0  }
0x1e: {  	[tilespmem:s16], [sflag:$0x2] =	stream.linear.gather [hbm4b:s31+s3], $0x50, $0x38;
	[tilespmem:$0xB0E0] =	vst v63  }
0x1f: {  	_ =	swait.ge [sflag:s14], $0x50  }
0x20: {  	[sflag:s14] =	ssyncset.done $0x0  }
0x21: {  	[sflag:s14] =	ssyncadd.s32 $0xFFFFFFB0  }
0x22: {  	[tilespmem:s17], [sflag:$0x1] =	stream.indirect.gather [hbm4b:s4+s16], $0x40, s3, s16, $0xb8;
	[tilespmem:$0xB0E0] =	vst v63  }
0x23: {  	_ =	swait.ge [sflag:s18], $0x1400  }
0x24: {  	[sflag:s18] =	ssyncset.done $0x0  }
0x25: {  	[sflag:s18] =	ssyncadd.s32 $0xFFFFEC00  }
0x26: {  	[spmem:s2] =	stream.indirect.scatter.add.f32 [tilespmem:s17], [sflag:$0x2], $0x40, s16, s16, $0xb8;
	[tilespmem:$0xB0E0] =	vst v63  }
0x27: {  	_ =	swait.ge [sflag:s14], $0x1400  }
0x28: {  	s21 =	simm.s32 $0x14;
	s20 =	simm.s32 $0xA;
	[sflag:s14] =	ssyncset.done $0x0  }
.LBB2_2:
0x29: {  	s22 =	sadd.s32 s20, s12  }
0x2a: {  	[sflag:s14] =	ssyncadd.s32 $0xFFFFEC00;
	s23 =	smov.u32 s21;
	s24 =	sadd.s32 $0xA, s21  }
0x2b: {  	[tilespmem:s3], [sflag:$0x2] =	stream.linear.gather [hbm4b:s22+s3], $0x50, $0x38;
	[tilespmem:$0xB0E0] =	vst v63  }
0x2c: {  	p1 =	sne.s32 s21, $0x4D8;
	_ =	swait.ge [sflag:s14], $0x50  }
0x2d: {  	[sflag:s14] =	ssyncset.done $0x0  }
0x2e: {  	s21 =	sadd.s32 s20, s11;
	s20 =	smov.u32 s23;
	[sflag:s14] =	ssyncadd.s32 $0xFFFFFFB0  }
0x2f: {  	[tilespmem:s16], [sflag:$0x2] =	stream.linear.gather [hbm4b:s21+s3], $0x50, $0x38;
	[tilespmem:$0xB0E0] =	vst v63  }
0x30: {  	_ =	swait.ge [sflag:s14], $0x50  }
0x31: {  	[sflag:s14] =	ssyncset.done $0x0  }
0x32: {  	[sflag:s14] =	ssyncadd.s32 $0xFFFFFFB0  }
0x33: {  	[tilespmem:s17], [sflag:$0x1] =	stream.indirect.gather [hbm4b:s4+s16], $0x40, s3, s16, $0xb8;
	[tilespmem:$0xB0E0] =	vst v63  }
0x34: {  	_ =	swait.ge [sflag:s18], $0x1400  }
.Ltmp0:
0x35: {  	[sflag:s18] =	ssyncset.done $0x0;
	(pc) =	sbr.rel @p1 .LBB2_2-.Ltmp0, $4  }
0x36: {  	[sflag:s18] =	ssyncadd.s32 $0xFFFFEC00  }
0x37: {  	[spmem:s2] =	stream.indirect.scatter.add.f32 [tilespmem:s17], [sflag:$0x2], $0x40, s16, s16, $0xb8;
	[tilespmem:$0xB0E0] =	vst v63  }
0x38: {  	_ =	swait.ge [sflag:s14], $0x1400  }
0x39: {  	s21 =	smov.u32 s24;
	[sflag:s14] =	ssyncset.done $0x0  }
0x3a: {  	s21 =	sadd.s32 s20, s12;
	[sflag:s14] =	ssyncadd.s32 $0xFFFFEC00  }
0x3b: {  	[tilespmem:s3], [sflag:$0x2] =	stream.linear.gather [hbm4b:s21+s3], $0x50, $0x38;
	[tilespmem:$0xB0E0] =	vst v63  }
0x3c: {  	_ =	swait.ge [sflag:s14], $0x50  }
0x3d: {  	[sflag:s14] =	ssyncset.done $0x0  }
0x3e: {  	s31 =	sadd.s32 s20, s11;
	[sflag:s14] =	ssyncadd.s32 $0xFFFFFFB0  }
0x3f: {  	[tilespmem:s16], [sflag:$0x2] =	stream.linear.gather [hbm4b:s31+s3], $0x50, $0x38;
	[tilespmem:$0xB0E0] =	vst v63  }
0x40: {  	_ =	swait.ge [sflag:s14], $0x50  }
0x41: {  	[sflag:s14] =	ssyncset.done $0x0  }
0x42: {  	[sflag:s14] =	ssyncadd.s32 $0xFFFFFFB0  }
0x43: {  	[tilespmem:s17], [sflag:$0x1] =	stream.indirect.gather [hbm4b:s4+s16], $0x40, s3, s16, $0xb8;
	[tilespmem:$0xB0E0] =	vst v63  }
0x44: {  	_ =	swait.ge [sflag:s18], $0x1400  }
0x45: {  	[sflag:s18] =	ssyncset.done $0x0  }
0x46: {  	[sflag:s18] =	ssyncadd.s32 $0xFFFFEC00  }
0x47: {  	[spmem:s2] =	stream.indirect.scatter.add.f32 [tilespmem:s17], [sflag:$0x2], $0x40, s16, s16, $0xb8;
	[tilespmem:$0xB0E0] =	vst v63  }
0x48: {  	_ =	swait.ge [sflag:s14], $0x1400  }
0x49: {  	[sflag:s14] =	ssyncset.done $0x0  }
0x4a: {  	[sflag:s14] =	ssyncadd.s32 $0xFFFFEC00  }
0x4b: {  	[bflag:$0x0] =	sbarrier.arrive $0xFFFF  }
0x4c: {  	[hbm:s8], [sflag:s6] =	dma.local [spmem:s13], $0x1380  }
0x4d: {  	s19 =	sadd.s32 $0x1, s19;
	_ =	swait.ge [sflag:s14], $0x1380  }
0x4e: {  	p1 =	sne.s32 s19, s10;
	[sflag:s14] =	ssyncset.done $0x0  }
.Ltmp1:
0x4f: {  	s20 =	simm.s32 @!p0 $0x2;
	[sflag:s14] =	ssyncadd.s32 $0xFFFFEC80;
	(pc) =	sbr.rel @p1 .LBB2_1-.Ltmp1, $4  }
0x50: {  	[hbm:s9], [sflag:s6] =	dma.local @!p0 [spmem:s15], $0x80  }
0x51: {  	_ =	swait.ge @!p0 [sflag:s20], $0x80  }
0x52: {  	[sflag:s20] =	ssyncset.done @!p0 $0x0  }
0x53: {  	[sflag:s20] =	ssyncadd.s32 @!p0 $0xFFFFFF80  }
0x54: {  	_ =	sfence.sel $0x180000  }
0x55: {  	[bflag:$0x0] =	sbarrier.arrive $0xFFFF  }
0x56: {  	p0 =	sne.s32 s1, $0x0;
	_ =	strace $0x90000050  }
0x57: {  	s0 =	sadd.s32 @!p0 $0x100000, s0;
	[bflag:$0x2] =	sbarrier.arrive $0xFFFF  }
0x58: {  	[sflag:s0] =	ssyncadd.tile.s32 @!p0 $0x1;
	_ =	shalt  }
.Lfunc_end2:
_tile_overlayer_lowered:
.L_overlay_start_2:
0x59: {  	(tag) =	ssettag $0x2  }
0x5a: {  	s0 =	rddreg [dreg:$0x0];
	s2 =	stileid.u32  }
0x5b: {  	s1 =	rddreg [dreg:$0x1];
	p0 =	sne.s32 s2, $0x0  }
0x5c: {  	s3 =	rddreg [dreg:$0x2];
	[bflag:$0x3] =	sbarrier.arrive $0xFFFF;
	s2 =	simm.s32 @!p0 $0x1C02  }
0x5d: {  	[timem:s3], [sflag:s2] =	dma.local @!p0 [hbm:s0], s1  }
0x5e: {  	s0 =	simm.s32 @!p0 $0x2  }
0x5f: {  	_ =	swait.ge @!p0 [sflag:s0], s1  }
0x60: {  	s1 =	ssub.s32 @!p0 $0x0, s1;
	[sflag:s0] =	ssyncset.done @!p0 $0x0  }
0x61: {  	[sflag:s0] =	ssyncadd.s32 @!p0 s1  }
0x62: {  	[bflag:$0x3] =	sbarrier.arrive $0xFFFF  }
0x63: {  	_ =	shalt  }

// kernel: kernel.28.cloned.1.call-start
scs
__scs_entry_jumppad:
0x0: {  	(pc) =	sbr.rel $0x88, $3  }
0x1: {  	(tag) =	ssettag $0x0;
	lr =	simm.s32 $0x1  }
0x2: {  	[smem:$0x3F8C] =	sst lr;
	_ =	strace $0xD0000000  }
0x3: {  	_ = 	snop  }
0x4: {  	_ = 	snop  }
0x5: {  	_ = 	snop  }
0x6: {  	_ = 	snop  }
0x7: {  	_ = 	snop  }
__scs_overlays_trampoline_lowered:
0x8: {  	[smem:$0x3F9B] =	sst s0  }
0x9: {  	[smem:$0x3F9C] =	sst s1  }
0xa: {  	[smem:$0x3F9D] =	sst s2  }
0xb: {  	[smem:$0x3F9E] =	sst s3  }
0xc: {  	[smem:$0x3F9F] =	sst s4  }
0xd: {  	[smem:$0x3FA0] =	sst s5  }
0xe: {  	[smem:$0x3FA1] =	sst s6  }
0xf: {  	[smem:$0x3FA2] =	sst s7  }
0x10: {  	[smem:$0x3FA3] =	sst s8  }
0x11: {  	[smem:$0x3FA4] =	sst s9;
	s0 =	simm.s32 @!p0 $0x0  }
0x12: {  	s1 =	sld [smem:$0x3F8A];
	s0 =	simm.s32 @p0 $0x1  }
0x13: {  	[smem:$0x3FA5] =	sst s0;
	s0 =	simm.s32 @!p1 $0x0  }
0x14: {  	s2 =	sld [smem:$0x3F89];
	s0 =	simm.s32 @p1 $0x1  }
0x15: {  	[smem:$0x3FA6] =	sst s0;
	s0 =	simm.s32 @!p2 $0x0  }
0x16: {  	s3 =	sld [smem:$0x3FDB];
	s0 =	simm.s32 @p2 $0x1  }
0x17: {  	s4 =	simm.s32 $0x1BF5;
	[smem:$0x3FA8] =	sst s0  }
0x18: {  	s0 =	sld [smem:$0x3F8B];
	_ =	swait.ge [sflag:s4], $0x0  }
0x19: {  	s7 =	sld [smem:$0x3F8C]  }
0x1a: {  	s8 =	sadd.s32 $0xFFFFE003, lr  }
0x1b: {  	s9 =	sadd.s32 $0xFFFFFEF7, lr;
	s5 =	simm.s32 $0xFFFFFFFF;
	p2 =	slt.u32 s8, $0xFFFFF086  }
0x1c: {  	p1 =	slt.u32 s9, $0xF7A;
	s5 =	simm.s32 @!p2 $0x0  }
0x1d: {  	s5 =	simm.s32 @p1 $0x1;
	p0 =	seq.s32 s7, s2  }
0x1e: {  	s7 =	smul.u32 @!p0 $0xF7A, s2;
	p2 =	seq.s32 @!p0 s5, $0x0  }
0x1f: {  	s9 =	smul.u32 $0xF7A, s1;
	s8 =	simm.s32 @!p0 $0x1BF5;
	p2 =	por !p2, p0  }
0x20: {  	[sflag:s8] =	ssyncset.s32 @!p0 $0xFFFFF086;
	s6 =	sadd.s32 @!p0 s3, s7;
	s7 =	simm.s32 @!p0 $0x108  }
0x21: {  	s3 =	sadd.s32 s3, s9;
	s6 =	sadd.s32 @!p0 $0x88, s6;
	s7 =	simm.s32 @p2 $0x1082  }
0x22: {  	[simem:s7], [sflag:s8] =	dma.local @!p0 [hbm:s6], $0xF7A  }
0x23: {  	s9 =	sor.u32 $0xD0000000, s2;
	s6 =	simm.s32 $0x108;
	_ =	swait.ge @!p0 [sflag:s8], $0x0  }
0x24: {  	s3 =	sadd.s32 $0x88, s3;
	s6 =	simm.s32 @!p1 $0x1082;
	[sflag:s4] =	ssyncset.s32 $0xFFFFF086  }
0x25: {  	[simem:s6], [sflag:s4] =	dma.local [hbm:s3], $0xF7A  }
0x26: {  	[smem:$0x3F8C] =	sst s1;
	(tag) =	ssettag s2;
	_ =	strace s9  }
0x27: {  	s1 =	sld [smem:$0x3F9C]  }
0x28: {  	s2 =	sld [smem:$0x3F9D]  }
0x29: {  	s4 =	sld [smem:$0x3F9F]  }
0x2a: {  	p0 =	seq.s32 s5, $0x0;
	s5 =	sld [smem:$0x3FA0]  }
0x2b: {  	s6 =	sld [smem:$0x3FA1]  }
0x2c: {  	s7 =	sld [smem:$0x3FA2]  }
0x2d: {  	s3 =	simm.s32 $0x108;
	s8 =	sld [smem:$0x3FA3]  }
0x2e: {  	s3 =	simm.s32 @!p0 $0x1082;
	s9 =	sld [smem:$0x3FA4]  }
0x2f: {  	lr =	sadd.s32 s0, s3;
	s0 =	sld [smem:$0x3F9B]  }
0x30: {  	s3 =	sld [smem:$0x3F9E]  }
0x31: {  	[smem:$0x3FA7] =	sst s10  }
0x32: {  	s10 =	sld [smem:$0x3FA5];
	_ =	sdelay $0x3  }
0x33: {  	p0 =	seq.s32 s10, $0x1;
	s10 =	sld [smem:$0x3FA7];
	_ =	sdelay $0x3  }
0x34: {  	[smem:$0x3FA7] =	sst s10  }
0x35: {  	s10 =	sld [smem:$0x3FA6];
	_ =	sdelay $0x3  }
0x36: {  	p1 =	seq.s32 s10, $0x1;
	s10 =	sld [smem:$0x3FA7];
	_ =	sdelay $0x3  }
0x37: {  	[smem:$0x3FA7] =	sst s10  }
0x38: {  	s10 =	sld [smem:$0x3FA8]  }
0x39: {  	_ = 	snop;
	(pc) =	sbr.ind lr, $3  }
0x3a: {  	_ = 	snop  }
0x3b: {  	_ = 	snop  }
0x3c: {  	p2 =	seq.s32 s10, $0x1;
	s10 =	sld [smem:$0x3FA7]  }
0x3d: {  	_ =	shalt  }
0x3e: {  	_ =	shalt  }
0x3f: {  	_ =	shalt  }
0x40: {  	_ =	shalt  }
0x41: {  	_ =	shalt  }
0x42: {  	_ =	shalt  }
0x43: {  	_ =	shalt  }
0x44: {  	_ =	shalt  }
0x45: {  	_ =	shalt  }
0x46: {  	_ =	shalt  }
0x47: {  	_ =	shalt  }
0x48: {  	_ =	shalt  }
0x49: {  	_ =	shalt  }
0x4a: {  	_ =	shalt  }
0x4b: {  	_ =	shalt  }
0x4c: {  	_ =	shalt  }
0x4d: {  	_ =	shalt  }
0x4e: {  	_ =	shalt  }
0x4f: {  	_ =	shalt  }
0x50: {  	_ =	shalt  }
0x51: {  	_ =	shalt  }
0x52: {  	_ =	shalt  }
0x53: {  	_ =	shalt  }
0x54: {  	_ =	shalt  }
0x55: {  	_ =	shalt  }
0x56: {  	_ =	shalt  }
0x57: {  	_ =	shalt  }
0x58: {  	_ =	shalt  }
0x59: {  	_ =	shalt  }
0x5a: {  	_ =	shalt  }
0x5b: {  	_ =	shalt  }
0x5c: {  	_ =	shalt  }
0x5d: {  	_ =	shalt  }
0x5e: {  	_ =	shalt  }
0x5f: {  	_ =	shalt  }
0x60: {  	_ =	shalt  }
0x61: {  	_ =	shalt  }
0x62: {  	_ =	shalt  }
0x63: {  	_ =	shalt  }
0x64: {  	_ =	shalt  }
0x65: {  	_ =	shalt  }
0x66: {  	_ =	shalt  }
0x67: {  	_ =	shalt  }
0x68: {  	_ =	shalt  }
0x69: {  	_ =	shalt  }
0x6a: {  	_ =	shalt  }
0x6b: {  	_ =	shalt  }
0x6c: {  	_ =	shalt  }
0x6d: {  	_ =	shalt  }
0x6e: {  	_ =	shalt  }
0x6f: {  	_ =	shalt  }
0x70: {  	_ =	shalt  }
0x71: {  	_ =	shalt  }
0x72: {  	_ =	shalt  }
0x73: {  	_ =	shalt  }
0x74: {  	_ =	shalt  }
0x75: {  	_ =	shalt  }
0x76: {  	_ =	shalt  }
0x77: {  	_ =	shalt  }
0x78: {  	_ =	shalt  }
0x79: {  	_ =	shalt  }
0x7a: {  	_ =	shalt  }
0x7b: {  	_ =	shalt  }
0x7c: {  	_ =	shalt  }
0x7d: {  	_ =	shalt  }
0x7e: {  	_ =	shalt  }
0x7f: {  	_ =	shalt  }
0x80: {  	_ =	shalt  }
0x81: {  	_ =	shalt  }
0x82: {  	_ =	shalt  }
0x83: {  	_ =	shalt  }
0x84: {  	_ =	shalt  }
0x85: {  	_ =	shalt  }
0x86: {  	_ =	shalt  }
0x87: {  	_ =	shalt  }
.Lfunc_end0:
.L_simem_size_0:
called_computation.4_lowered:
.L_overlay_start_0:
0x88: {  	s2 =	sld [smem:$0x3FD9]  }
0x89: {  	s3 =	sld [smem:$0x3FFE];
	_ =	sdelay $0x1  }
0x8a: {  	s1 =	srdreg.scid  }
0x8b: {  	s0 =	sand.u32 $0x1, s1  }
0x8c: {  	s16 =	sshll.u32 s0, $0xA;
	s2 =	sadd.s32 s3, s2  }
0x8d: {  	s2 =	sadd.s32 s2, s16  }
0x8e: {  	[smem:$0x3FB3] =	sst s2  }
0x8f: {  	_ = 	snop  }
0x90: {  	(tm) =	ssettm $0x1  }
0x91: {  	s17 =	sld [smem:$0x3FFB];
	_ =	sdelay $0x3  }
0x92: {  	_ =	strace s17  }
0x93: {  	s2 =	sld [smem:$0x3FFC];
	_ =	sdelay $0x3  }
0x94: {  	_ =	strace s2  }
0x95: {  	s2 =	sld [smem:$0x3FFD];
	_ =	sdelay $0x3  }
0x96: {  	_ =	strace s2  }
0x97: {  	_ =	strace $0x8FFFFFFF  }
0x98: {  	s18 =	sld [smem:$0x3FDB];
	_ =	sdelay $0x1  }
0x99: {  	s19 =	simm.s32 $_scs_section_size  }
0x9a: {  	s4 =	simm.s32 $_size__tile_overlayer_lowered;
	s5 =	simm.s32 $_tile_overlayer_lowered  }
0x9b: {  	s22 =	simm.s32 $0x1BFF;
	s21 =	sshll.u32 s5, $0x1;
	s2 =	sadd.s32 s19, s18  }
0x9c: {  	s6 =	simm.s32 $0x0;
	s20 =	sshll.u32 s4, $0x1;
	s4 =	sadd.s32 s21, s2  }
0x9d: {  	[timem:s6], [sflag:s22] =	dma.local [hbm:s4], s20  }
0x9e: {  	_ =	swait.ge [sflag:s22], s20  }
0x9f: {  	s3 =	ssub.s32 $0x0, s20;
	[sflag:s22] =	ssyncset.done $0x0  }
0xa0: {  	[sflag:s22] =	ssyncadd.s32 s3;
	_ =	sdelay $0x1  }
0xa1: {  	s23 =	simm.s32 $0x1B8B  }
0xa2: {  	_ =	swait.ge [sflag:s23], $0x1  }
0xa3: {  	[sflag:s23] =	ssyncset.done $0x0  }
0xa4: {  	s25 =	simm.s32 $0x1B8E;
	s24 =	sld [smem:$0x3FFE];
	[sflag:s23] =	ssyncadd.s32 $0xFFFFFFFF  }
0xa5: {  	s26 =	simm.s32 $execute0_lowered;
	[smem:$0x3FD2] =	sst s25  }
0xa6: {  	s4 =	sshll.u32 s26, $0x1;
	_ =	strace $0x80000052;
	[dreg:$0x1] =	wrdreg $0xFFFFFFFF  }
0xa7: {  	s28 =	simm.s32 $_size_execute0_lowered;
	s2 =	sadd.s32 s2, s4;
	[dreg:$0x0] =	wrdreg $0x0  }
0xa8: {  	s4 =	sshll.u32 s28, $0x1;
	[dreg:$0x2] =	wrdreg s2  }
0xa9: {  	[dreg:$0x3] =	wrdreg s4  }
0xaa: {  	[dreg:$0x4] =	wrdreg $0xC0  }
0xab: {  	_ =	task [dreg:s6], $0x5FFFF  }
0xac: {  	[dreg:$0x1] =	wrdreg $0xFFFFFFFF  }
0xad: {  	[dreg:$0x0] =	wrdreg $0x60  }
0xae: {  	[dreg:$0x2] =	wrdreg s24  }
0xaf: {  	[dreg:$0x3] =	wrdreg $0x14A00  }
0xb0: {  	[dreg:$0x4] =	wrdreg $0x9  }
0xb1: {  	_ =	task.clear_ibuf [dreg:s6], $0x5FFFF;
	_ =	strace $0x90000052  }
0xb2: {  	s29 =	simm.s32 $0x9;
	_ =	strace $0x80000054  }
0xb3: {  	_ =	swait.ge [sflag:s29], $0x1  }
0xb4: {  	[sflag:s29] =	ssyncadd.s32 $0xFFFFFFFF  }
0xb5: {  	_ =	strace $0x90000054  }
0xb6: {  	_ =	sfence  }
0xb7: {  	s30 =	sld [smem:$0x0];
	_ =	sdelay $0x2  }
0xb8: {  	s31 =	sshll.u32 s1, $0xD;
	s1 =	sshrl.u32 s1, $0x2  }
0xb9: {  	s3 =	sand.u32 $0x4000, s31;
	s1 =	sadd.s32 s1, s30  }
0xba: {  	s0 =	sor.u32 s3, s0;
	s1 =	sshll.u32 s1, $0x11  }
0xbb: {  	s0 =	sor.u32 s1, s0  }
0xbc: {  	s0 =	sadd.s32 $0x8F2B, s0  }
0xbd: {  	[sflag:s0] =	ssyncadd.remote.s32 $0x1  }
0xbe: {  	_ =	sfence.sel $0xFFFF  }
0xbf: {  	[dreg:$0x0] =	wrdreg $0xFFFFFFFF;
	(pc) =	sbr.abs _section_cstart, $3  }
0xc0: {  	[dreg:$0x1] =	wrdreg $0xFFFFFFFF  }
0xc1: {  	_ =	task.clear_ibuf [dreg:s6], $0x2FFFF;
	_ =	strace $0x9FFFFFFF  }
0xc2: {  	(tm) =	ssettm $0x7FFFFFFF  }
0xc3: {  	_ =	shalt  }
tec
execute0_lowered:
.L_overlay_start_1:
0x0: {  	(tag) =	ssettag $0x1  }
0x1: {  	s7 =	rddreg [dreg:$0x0];
	s0 =	srdreg.scid  }
0x2: {  	s2 =	rddreg [dreg:$0x1];
	s1 =	stileid.u32  }
0x3: {  	s3 =	simm.s32 $0x0;
	s16 =	simm.s32 $0x50;
	s17 =	simm.s32 $0xA0  }
0x4: {  	s18 =	simm.s32 $0x1;
	s5 =	sand.u32 $0x1, s0;
	s0 =	rddreg [dreg:$0x2]  }
0x5: {  	s19 =	simm.s32 $0x0;
	s6 =	smul.u32 $0x2710, s1;
	[smem:$0x7FF] =	sst s3  }
0x6: {  	s8 =	smul.u32 $0x9C00, s1;
	s10 =	sadd.s32 $0x9C200, s7;
	s30 =	sshll.u32 s1, $0x6  }
0x7: {  	s15 =	sadd.s32 $0x9C000, s2;
	p0 =	sne.s32 s1, $0xF;
	s4 =	smul.u32 $0x27100, s5  }
0x8: {  	_ =	strace $0x80000053;
	s29 =	ssub.s32 $0x2, s5;
	s13 =	smul.u32 $0x9C400, s5  }
0x9: {  	s15 =	sshrl.u32 @!p0 s15, $0x3;
	s9 =	sshrl.u32 s8, $0x3;
	s11 =	sshrl.u32 s29, $0x1  }
0xa: {  	s14 =	sadd.s32 s8, s2;
	s6 =	sadd.s32 s6, s4;
	s4 =	sadd.s32 $0x17C00, s7  }
0xb: {  	s28 =	sadd.s32 s9, s7;
	s11 =	ssub.s32 s29, s11;
	s8 =	sadd.s32 s8, s13  }
0xc: {  	s31 =	sshrl.u32 s13, $0x3;
	s13 =	sshrl.u32 s14, $0x3;
	s14 =	simm.s32 $0x2  }
0xd: {  	s6 =	sshrl.u32 s6, $0x3;
	s5 =	sadd.s32 $0x2B600, s28;
	s8 =	sshrl.u32 s8, $0x3  }
0xe: {  	s9 =	sadd.s32 s10, s31;
	s12 =	sadd.s32 s6, s7;
	s6 =	sor.u32 $0x1C02, s30  }
0xf: {  	s7 =	sadd.s32 $0x3EE00, s7;
	s8 =	sadd.s32 s10, s8;
	s9 =	sadd.s32 $0x13800, s9  }
0x10: {  	s10 =	smax.u32 s11, $0x1;
	s11 =	sadd.s32 $0x4000, s12;
	s12 =	sadd.s32 $0xDE00, s12  }
.LBB2_1:
0x11: {  	[spmem:s13], [sflag:s6] =	dma.local [hbm:s5], $0x1380  }
0x12: {  	_ =	swait.ge [sflag:s14], $0x1380  }
0x13: {  	[sflag:s14] =	ssyncset.done $0x0  }
0x14: {  	s20 =	simm.s32 @!p0 $0x2;
	[sflag:s14] =	ssyncadd.s32 $0xFFFFEC80  }
0x15: {  	[spmem:s15], [sflag:s6] =	dma.local @!p0 [hbm:s7], $0x80  }
0x16: {  	_ =	swait.ge @!p0 [sflag:s20], $0x80  }
0x17: {  	[sflag:s20] =	ssyncset.done @!p0 $0x0  }
0x18: {  	[sflag:s20] =	ssyncadd.s32 @!p0 $0xFFFFFF80  }
0x19: {  	s30 =	sadd.s32 $0x0, s12;
	[bflag:$0x0] =	sbarrier.arrive $0xFFFF  }
0x1a: {  	[tilespmem:s3], [sflag:$0x2] =	stream.linear.gather [hbm4b:s30+s3], $0x50, $0x38;
	[tilespmem:$0xB0E0] =	vst v63  }
0x1b: {  	_ =	swait.ge [sflag:s14], $0x50  }
0x1c: {  	[sflag:s14] =	ssyncset.done $0x0  }
0x1d: {  	s31 =	sadd.s32 $0x0, s11;
	[sflag:s14] =	ssyncadd.s32 $0xFFFFFFB0  }
0x1e: {  	[tilespmem:s16], [sflag:$0x2] =	stream.linear.gather [hbm4b:s31+s3], $0x50, $0x38;
	[tilespmem:$0xB0E0] =	vst v63  }
0x1f: {  	_ =	swait.ge [sflag:s14], $0x50  }
0x20: {  	[sflag:s14] =	ssyncset.done $0x0  }
0x21: {  	[sflag:s14] =	ssyncadd.s32 $0xFFFFFFB0  }
0x22: {  	[tilespmem:s17], [sflag:$0x1] =	stream.indirect.gather [hbm4b:s4+s16], $0x40, s3, s16, $0xb8;
	[tilespmem:$0xB0E0] =	vst v63  }
0x23: {  	_ =	swait.ge [sflag:s18], $0x1400  }
0x24: {  	[sflag:s18] =	ssyncset.done $0x0  }
0x25: {  	[sflag:s18] =	ssyncadd.s32 $0xFFFFEC00  }
0x26: {  	[spmem:s2] =	stream.indirect.scatter.add.f32 [tilespmem:s17], [sflag:$0x2], $0x40, s16, s16, $0xb8;
	[tilespmem:$0xB0E0] =	vst v63  }
0x27: {  	_ =	swait.ge [sflag:s14], $0x1400  }
0x28: {  	s21 =	simm.s32 $0x14;
	s20 =	simm.s32 $0xA;
	[sflag:s14] =	ssyncset.done $0x0  }
.LBB2_2:
0x29: {  	s22 =	sadd.s32 s20, s12  }
0x2a: {  	[sflag:s14] =	ssyncadd.s32 $0xFFFFEC00;
	s23 =	smov.u32 s21;
	s24 =	sadd.s32 $0xA, s21  }
0x2b: {  	[tilespmem:s3], [sflag:$0x2] =	stream.linear.gather [hbm4b:s22+s3], $0x50, $0x38;
	[tilespmem:$0xB0E0] =	vst v63  }
0x2c: {  	p1 =	sne.s32 s21, $0x4D8;
	_ =	swait.ge [sflag:s14], $0x50  }
0x2d: {  	[sflag:s14] =	ssyncset.done $0x0  }
0x2e: {  	s21 =	sadd.s32 s20, s11;
	s20 =	smov.u32 s23;
	[sflag:s14] =	ssyncadd.s32 $0xFFFFFFB0  }
0x2f: {  	[tilespmem:s16], [sflag:$0x2] =	stream.linear.gather [hbm4b:s21+s3], $0x50, $0x38;
	[tilespmem:$0xB0E0] =	vst v63  }
0x30: {  	_ =	swait.ge [sflag:s14], $0x50  }
0x31: {  	[sflag:s14] =	ssyncset.done $0x0  }
0x32: {  	[sflag:s14] =	ssyncadd.s32 $0xFFFFFFB0  }
0x33: {  	[tilespmem:s17], [sflag:$0x1] =	stream.indirect.gather [hbm4b:s4+s16], $0x40, s3, s16, $0xb8;
	[tilespmem:$0xB0E0] =	vst v63  }
0x34: {  	_ =	swait.ge [sflag:s18], $0x1400  }
.Ltmp0:
0x35: {  	[sflag:s18] =	ssyncset.done $0x0;
	(pc) =	sbr.rel @p1 .LBB2_2-.Ltmp0, $4  }
0x36: {  	[sflag:s18] =	ssyncadd.s32 $0xFFFFEC00  }
0x37: {  	[spmem:s2] =	stream.indirect.scatter.add.f32 [tilespmem:s17], [sflag:$0x2], $0x40, s16, s16, $0xb8;
	[tilespmem:$0xB0E0] =	vst v63  }
0x38: {  	_ =	swait.ge [sflag:s14], $0x1400  }
0x39: {  	s21 =	smov.u32 s24;
	[sflag:s14] =	ssyncset.done $0x0  }
0x3a: {  	s21 =	sadd.s32 s20, s12;
	[sflag:s14] =	ssyncadd.s32 $0xFFFFEC00  }
0x3b: {  	[tilespmem:s3], [sflag:$0x2] =	stream.linear.gather [hbm4b:s21+s3], $0x50, $0x38;
	[tilespmem:$0xB0E0] =	vst v63  }
0x3c: {  	_ =	swait.ge [sflag:s14], $0x50  }
0x3d: {  	[sflag:s14] =	ssyncset.done $0x0  }
0x3e: {  	s31 =	sadd.s32 s20, s11;
	[sflag:s14] =	ssyncadd.s32 $0xFFFFFFB0  }
0x3f: {  	[tilespmem:s16], [sflag:$0x2] =	stream.linear.gather [hbm4b:s31+s3], $0x50, $0x38;
	[tilespmem:$0xB0E0] =	vst v63  }
0x40: {  	_ =	swait.ge [sflag:s14], $0x50  }
0x41: {  	[sflag:s14] =	ssyncset.done $0x0  }
0x42: {  	[sflag:s14] =	ssyncadd.s32 $0xFFFFFFB0  }
0x43: {  	[tilespmem:s17], [sflag:$0x1] =	stream.indirect.gather [hbm4b:s4+s16], $0x40, s3, s16, $0xb8;
	[tilespmem:$0xB0E0] =	vst v63  }
0x44: {  	_ =	swait.ge [sflag:s18], $0x1400  }
0x45: {  	[sflag:s18] =	ssyncset.done $0x0  }
0x46: {  	[sflag:s18] =	ssyncadd.s32 $0xFFFFEC00  }
0x47: {  	[spmem:s2] =	stream.indirect.scatter.add.f32 [tilespmem:s17], [sflag:$0x2], $0x40, s16, s16, $0xb8;
	[tilespmem:$0xB0E0] =	vst v63  }
0x48: {  	_ =	swait.ge [sflag:s14], $0x1400  }
0x49: {  	[sflag:s14] =	ssyncset.done $0x0  }
0x4a: {  	[sflag:s14] =	ssyncadd.s32 $0xFFFFEC00  }
0x4b: {  	[bflag:$0x0] =	sbarrier.arrive $0xFFFF  }
0x4c: {  	[hbm:s8], [sflag:s6] =	dma.local [spmem:s13], $0x1380  }
0x4d: {  	s19 =	sadd.s32 $0x1, s19;
	_ =	swait.ge [sflag:s14], $0x1380  }
0x4e: {  	p1 =	sne.s32 s19, s10;
	[sflag:s14] =	ssyncset.done $0x0  }
.Ltmp1:
0x4f: {  	s20 =	simm.s32 @!p0 $0x2;
	[sflag:s14] =	ssyncadd.s32 $0xFFFFEC80;
	(pc) =	sbr.rel @p1 .LBB2_1-.Ltmp1, $4  }
0x50: {  	[hbm:s9], [sflag:s6] =	dma.local @!p0 [spmem:s15], $0x80  }
0x51: {  	_ =	swait.ge @!p0 [sflag:s20], $0x80  }
0x52: {  	[sflag:s20] =	ssyncset.done @!p0 $0x0  }
0x53: {  	[sflag:s20] =	ssyncadd.s32 @!p0 $0xFFFFFF80  }
0x54: {  	_ =	sfence.sel $0x180000  }
0x55: {  	[bflag:$0x0] =	sbarrier.arrive $0xFFFF  }
0x56: {  	p0 =	sne.s32 s1, $0x0;
	_ =	strace $0x90000053  }
0x57: {  	s0 =	sadd.s32 @!p0 $0x100000, s0;
	[bflag:$0x2] =	sbarrier.arrive $0xFFFF  }
0x58: {  	[sflag:s0] =	ssyncadd.tile.s32 @!p0 $0x1;
	_ =	shalt  }
.Lfunc_end2:
_tile_overlayer_lowered:
.L_overlay_start_2:
0x59: {  	(tag) =	ssettag $0x2  }
0x5a: {  	s0 =	rddreg [dreg:$0x0];
	s2 =	stileid.u32  }
0x5b: {  	s1 =	rddreg [dreg:$0x1];
	p0 =	sne.s32 s2, $0x0  }
0x5c: {  	s3 =	rddreg [dreg:$0x2];
	[bflag:$0x3] =	sbarrier.arrive $0xFFFF;
	s2 =	simm.s32 @!p0 $0x1C02  }
0x5d: {  	[timem:s3], [sflag:s2] =	dma.local @!p0 [hbm:s0], s1  }
0x5e: {  	s0 =	simm.s32 @!p0 $0x2  }
0x5f: {  	_ =	swait.ge @!p0 [sflag:s0], s1  }
0x60: {  	s1 =	ssub.s32 @!p0 $0x0, s1;
	[sflag:s0] =	ssyncset.done @!p0 $0x0  }
0x61: {  	[sflag:s0] =	ssyncadd.s32 @!p0 s1  }
0x62: {  	[bflag:$0x3] =	sbarrier.arrive $0xFFFF  }
0x63: {  	_ =	shalt  }

// kernel: kernel.31.cloned.1.call-start
scs
__scs_entry_jumppad:
0x0: {  	(pc) =	sbr.rel $0x88, $3  }
0x1: {  	(tag) =	ssettag $0x0;
	lr =	simm.s32 $0x1  }
0x2: {  	[smem:$0x3F8C] =	sst lr;
	_ =	strace $0xD0000000  }
0x3: {  	_ = 	snop  }
0x4: {  	_ = 	snop  }
0x5: {  	_ = 	snop  }
0x6: {  	_ = 	snop  }
0x7: {  	_ = 	snop  }
__scs_overlays_trampoline_lowered:
0x8: {  	[smem:$0x3F9B] =	sst s0  }
0x9: {  	[smem:$0x3F9C] =	sst s1  }
0xa: {  	[smem:$0x3F9D] =	sst s2  }
0xb: {  	[smem:$0x3F9E] =	sst s3  }
0xc: {  	[smem:$0x3F9F] =	sst s4  }
0xd: {  	[smem:$0x3FA0] =	sst s5  }
0xe: {  	[smem:$0x3FA1] =	sst s6  }
0xf: {  	[smem:$0x3FA2] =	sst s7  }
0x10: {  	[smem:$0x3FA3] =	sst s8  }
0x11: {  	[smem:$0x3FA4] =	sst s9;
	s0 =	simm.s32 @!p0 $0x0  }
0x12: {  	s1 =	sld [smem:$0x3F8A];
	s0 =	simm.s32 @p0 $0x1  }
0x13: {  	[smem:$0x3FA5] =	sst s0;
	s0 =	simm.s32 @!p1 $0x0  }
0x14: {  	s2 =	sld [smem:$0x3F89];
	s0 =	simm.s32 @p1 $0x1  }
0x15: {  	[smem:$0x3FA6] =	sst s0;
	s0 =	simm.s32 @!p2 $0x0  }
0x16: {  	s3 =	sld [smem:$0x3FDB];
	s0 =	simm.s32 @p2 $0x1  }
0x17: {  	s4 =	simm.s32 $0x1BF5;
	[smem:$0x3FA8] =	sst s0  }
0x18: {  	s0 =	sld [smem:$0x3F8B];
	_ =	swait.ge [sflag:s4], $0x0  }
0x19: {  	s7 =	sld [smem:$0x3F8C]  }
0x1a: {  	s8 =	sadd.s32 $0xFFFFE003, lr  }
0x1b: {  	s9 =	sadd.s32 $0xFFFFFEF7, lr;
	s5 =	simm.s32 $0xFFFFFFFF;
	p2 =	slt.u32 s8, $0xFFFFF086  }
0x1c: {  	p1 =	slt.u32 s9, $0xF7A;
	s5 =	simm.s32 @!p2 $0x0  }
0x1d: {  	s5 =	simm.s32 @p1 $0x1;
	p0 =	seq.s32 s7, s2  }
0x1e: {  	s7 =	smul.u32 @!p0 $0xF7A, s2;
	p2 =	seq.s32 @!p0 s5, $0x0  }
0x1f: {  	s9 =	smul.u32 $0xF7A, s1;
	s8 =	simm.s32 @!p0 $0x1BF5;
	p2 =	por !p2, p0  }
0x20: {  	[sflag:s8] =	ssyncset.s32 @!p0 $0xFFFFF086;
	s6 =	sadd.s32 @!p0 s3, s7;
	s7 =	simm.s32 @!p0 $0x108  }
0x21: {  	s3 =	sadd.s32 s3, s9;
	s6 =	sadd.s32 @!p0 $0x88, s6;
	s7 =	simm.s32 @p2 $0x1082  }
0x22: {  	[simem:s7], [sflag:s8] =	dma.local @!p0 [hbm:s6], $0xF7A  }
0x23: {  	s9 =	sor.u32 $0xD0000000, s2;
	s6 =	simm.s32 $0x108;
	_ =	swait.ge @!p0 [sflag:s8], $0x0  }
0x24: {  	s3 =	sadd.s32 $0x88, s3;
	s6 =	simm.s32 @!p1 $0x1082;
	[sflag:s4] =	ssyncset.s32 $0xFFFFF086  }
0x25: {  	[simem:s6], [sflag:s4] =	dma.local [hbm:s3], $0xF7A  }
0x26: {  	[smem:$0x3F8C] =	sst s1;
	(tag) =	ssettag s2;
	_ =	strace s9  }
0x27: {  	s1 =	sld [smem:$0x3F9C]  }
0x28: {  	s2 =	sld [smem:$0x3F9D]  }
0x29: {  	s4 =	sld [smem:$0x3F9F]  }
0x2a: {  	p0 =	seq.s32 s5, $0x0;
	s5 =	sld [smem:$0x3FA0]  }
0x2b: {  	s6 =	sld [smem:$0x3FA1]  }
0x2c: {  	s7 =	sld [smem:$0x3FA2]  }
0x2d: {  	s3 =	simm.s32 $0x108;
	s8 =	sld [smem:$0x3FA3]  }
0x2e: {  	s3 =	simm.s32 @!p0 $0x1082;
	s9 =	sld [smem:$0x3FA4]  }
0x2f: {  	lr =	sadd.s32 s0, s3;
	s0 =	sld [smem:$0x3F9B]  }
0x30: {  	s3 =	sld [smem:$0x3F9E]  }
0x31: {  	[smem:$0x3FA7] =	sst s10  }
0x32: {  	s10 =	sld [smem:$0x3FA5];
	_ =	sdelay $0x3  }
0x33: {  	p0 =	seq.s32 s10, $0x1;
	s10 =	sld [smem:$0x3FA7];
	_ =	sdelay $0x3  }
0x34: {  	[smem:$0x3FA7] =	sst s10  }
0x35: {  	s10 =	sld [smem:$0x3FA6];
	_ =	sdelay $0x3  }
0x36: {  	p1 =	seq.s32 s10, $0x1;
	s10 =	sld [smem:$0x3FA7];
	_ =	sdelay $0x3  }
0x37: {  	[smem:$0x3FA7] =	sst s10  }
0x38: {  	s10 =	sld [smem:$0x3FA8]  }
0x39: {  	_ = 	snop;
	(pc) =	sbr.ind lr, $3  }
0x3a: {  	_ = 	snop  }
0x3b: {  	_ = 	snop  }
0x3c: {  	p2 =	seq.s32 s10, $0x1;
	s10 =	sld [smem:$0x3FA7]  }
0x3d: {  	_ =	shalt  }
0x3e: {  	_ =	shalt  }
0x3f: {  	_ =	shalt  }
0x40: {  	_ =	shalt  }
0x41: {  	_ =	shalt  }
0x42: {  	_ =	shalt  }
0x43: {  	_ =	shalt  }
0x44: {  	_ =	shalt  }
0x45: {  	_ =	shalt  }
0x46: {  	_ =	shalt  }
0x47: {  	_ =	shalt  }
0x48: {  	_ =	shalt  }
0x49: {  	_ =	shalt  }
0x4a: {  	_ =	shalt  }
0x4b: {  	_ =	shalt  }
0x4c: {  	_ =	shalt  }
0x4d: {  	_ =	shalt  }
0x4e: {  	_ =	shalt  }
0x4f: {  	_ =	shalt  }
0x50: {  	_ =	shalt  }
0x51: {  	_ =	shalt  }
0x52: {  	_ =	shalt  }
0x53: {  	_ =	shalt  }
0x54: {  	_ =	shalt  }
0x55: {  	_ =	shalt  }
0x56: {  	_ =	shalt  }
0x57: {  	_ =	shalt  }
0x58: {  	_ =	shalt  }
0x59: {  	_ =	shalt  }
0x5a: {  	_ =	shalt  }
0x5b: {  	_ =	shalt  }
0x5c: {  	_ =	shalt  }
0x5d: {  	_ =	shalt  }
0x5e: {  	_ =	shalt  }
0x5f: {  	_ =	shalt  }
0x60: {  	_ =	shalt  }
0x61: {  	_ =	shalt  }
0x62: {  	_ =	shalt  }
0x63: {  	_ =	shalt  }
0x64: {  	_ =	shalt  }
0x65: {  	_ =	shalt  }
0x66: {  	_ =	shalt  }
0x67: {  	_ =	shalt  }
0x68: {  	_ =	shalt  }
0x69: {  	_ =	shalt  }
0x6a: {  	_ =	shalt  }
0x6b: {  	_ =	shalt  }
0x6c: {  	_ =	shalt  }
0x6d: {  	_ =	shalt  }
0x6e: {  	_ =	shalt  }
0x6f: {  	_ =	shalt  }
0x70: {  	_ =	shalt  }
0x71: {  	_ =	shalt  }
0x72: {  	_ =	shalt  }
0x73: {  	_ =	shalt  }
0x74: {  	_ =	shalt  }
0x75: {  	_ =	shalt  }
0x76: {  	_ =	shalt  }
0x77: {  	_ =	shalt  }
0x78: {  	_ =	shalt  }
0x79: {  	_ =	shalt  }
0x7a: {  	_ =	shalt  }
0x7b: {  	_ =	shalt  }
0x7c: {  	_ =	shalt  }
0x7d: {  	_ =	shalt  }
0x7e: {  	_ =	shalt  }
0x7f: {  	_ =	shalt  }
0x80: {  	_ =	shalt  }
0x81: {  	_ =	shalt  }
0x82: {  	_ =	shalt  }
0x83: {  	_ =	shalt  }
0x84: {  	_ =	shalt  }
0x85: {  	_ =	shalt  }
0x86: {  	_ =	shalt  }
0x87: {  	_ =	shalt  }
.Lfunc_end0:
.L_simem_size_0:
called_computation.5_lowered:
.L_overlay_start_0:
0x88: {  	s2 =	sld [smem:$0x3FD9]  }
0x89: {  	s3 =	sld [smem:$0x3FFE];
	_ =	sdelay $0x1  }
0x8a: {  	s1 =	srdreg.scid  }
0x8b: {  	s0 =	sand.u32 $0x1, s1  }
0x8c: {  	s16 =	sshll.u32 s0, $0xA;
	s2 =	sadd.s32 s3, s2  }
0x8d: {  	s2 =	sadd.s32 s2, s16  }
0x8e: {  	[smem:$0x3FB3] =	sst s2  }
0x8f: {  	_ = 	snop  }
0x90: {  	(tm) =	ssettm $0x1  }
0x91: {  	s17 =	sld [smem:$0x3FFB];
	_ =	sdelay $0x3  }
0x92: {  	_ =	strace s17  }
0x93: {  	s2 =	sld [smem:$0x3FFC];
	_ =	sdelay $0x3  }
0x94: {  	_ =	strace s2  }
0x95: {  	s2 =	sld [smem:$0x3FFD];
	_ =	sdelay $0x3  }
0x96: {  	_ =	strace s2  }
0x97: {  	_ =	strace $0x8FFFFFFF  }
0x98: {  	s18 =	sld [smem:$0x3FDB];
	_ =	sdelay $0x1  }
0x99: {  	s19 =	simm.s32 $_scs_section_size  }
0x9a: {  	s4 =	simm.s32 $_size__tile_overlayer_lowered;
	s5 =	simm.s32 $_tile_overlayer_lowered  }
0x9b: {  	s22 =	simm.s32 $0x1BFF;
	s21 =	sshll.u32 s5, $0x1;
	s2 =	sadd.s32 s19, s18  }
0x9c: {  	s6 =	simm.s32 $0x0;
	s20 =	sshll.u32 s4, $0x1;
	s4 =	sadd.s32 s21, s2  }
0x9d: {  	[timem:s6], [sflag:s22] =	dma.local [hbm:s4], s20  }
0x9e: {  	_ =	swait.ge [sflag:s22], s20  }
0x9f: {  	s3 =	ssub.s32 $0x0, s20;
	[sflag:s22] =	ssyncset.done $0x0  }
0xa0: {  	[sflag:s22] =	ssyncadd.s32 s3;
	_ =	sdelay $0x1  }
0xa1: {  	s23 =	simm.s32 $0x1B8B  }
0xa2: {  	_ =	swait.ge [sflag:s23], $0x1  }
0xa3: {  	[sflag:s23] =	ssyncset.done $0x0  }
0xa4: {  	s25 =	simm.s32 $0x1B8E;
	s24 =	sld [smem:$0x3FFE];
	[sflag:s23] =	ssyncadd.s32 $0xFFFFFFFF  }
0xa5: {  	s26 =	simm.s32 $execute0_lowered;
	[smem:$0x3FD2] =	sst s25  }
0xa6: {  	s4 =	sshll.u32 s26, $0x1;
	_ =	strace $0x80000055;
	[dreg:$0x1] =	wrdreg $0xFFFFFFFF  }
0xa7: {  	s28 =	simm.s32 $_size_execute0_lowered;
	s2 =	sadd.s32 s2, s4;
	[dreg:$0x0] =	wrdreg $0x0  }
0xa8: {  	s4 =	sshll.u32 s28, $0x1;
	[dreg:$0x2] =	wrdreg s2  }
0xa9: {  	[dreg:$0x3] =	wrdreg s4  }
0xaa: {  	[dreg:$0x4] =	wrdreg $0xC0  }
0xab: {  	_ =	task [dreg:s6], $0x5FFFF  }
0xac: {  	[dreg:$0x1] =	wrdreg $0xFFFFFFFF  }
0xad: {  	[dreg:$0x0] =	wrdreg $0x60  }
0xae: {  	[dreg:$0x2] =	wrdreg s24  }
0xaf: {  	[dreg:$0x3] =	wrdreg $0x14A00  }
0xb0: {  	[dreg:$0x4] =	wrdreg $0x9  }
0xb1: {  	_ =	task.clear_ibuf [dreg:s6], $0x5FFFF;
	_ =	strace $0x90000055  }
0xb2: {  	s29 =	simm.s32 $0x9;
	_ =	strace $0x80000057  }
0xb3: {  	_ =	swait.ge [sflag:s29], $0x1  }
0xb4: {  	[sflag:s29] =	ssyncadd.s32 $0xFFFFFFFF  }
0xb5: {  	_ =	strace $0x90000057  }
0xb6: {  	_ =	sfence  }
0xb7: {  	s30 =	sld [smem:$0x0];
	_ =	sdelay $0x2  }
0xb8: {  	s31 =	sshll.u32 s1, $0xD;
	s1 =	sshrl.u32 s1, $0x2  }
0xb9: {  	s3 =	sand.u32 $0x4000, s31;
	s1 =	sadd.s32 s1, s30  }
0xba: {  	s0 =	sor.u32 s3, s0;
	s1 =	sshll.u32 s1, $0x11  }
0xbb: {  	s0 =	sor.u32 s1, s0  }
0xbc: {  	s0 =	sadd.s32 $0x8F2B, s0  }
0xbd: {  	[sflag:s0] =	ssyncadd.remote.s32 $0x1  }
0xbe: {  	_ =	sfence.sel $0xFFFF  }
0xbf: {  	[dreg:$0x0] =	wrdreg $0xFFFFFFFF;
	(pc) =	sbr.abs _section_cstart, $3  }
0xc0: {  	[dreg:$0x1] =	wrdreg $0xFFFFFFFF  }
0xc1: {  	_ =	task.clear_ibuf [dreg:s6], $0x2FFFF;
	_ =	strace $0x9FFFFFFF  }
0xc2: {  	(tm) =	ssettm $0x7FFFFFFF  }
0xc3: {  	_ =	shalt  }
tec
execute0_lowered:
.L_overlay_start_1:
0x0: {  	(tag) =	ssettag $0x1  }
0x1: {  	s7 =	rddreg [dreg:$0x0];
	s0 =	srdreg.scid  }
0x2: {  	s2 =	rddreg [dreg:$0x1];
	s1 =	stileid.u32  }
0x3: {  	s3 =	simm.s32 $0x0;
	s16 =	simm.s32 $0x50;
	s17 =	simm.s32 $0xA0  }
0x4: {  	s18 =	simm.s32 $0x1;
	s5 =	sand.u32 $0x1, s0;
	s0 =	rddreg [dreg:$0x2]  }
0x5: {  	s19 =	simm.s32 $0x0;
	s6 =	smul.u32 $0x2710, s1;
	[smem:$0x7FF] =	sst s3  }
0x6: {  	s8 =	smul.u32 $0x9C00, s1;
	s10 =	sadd.s32 $0x9C200, s7;
	s30 =	sshll.u32 s1, $0x6  }
0x7: {  	s15 =	sadd.s32 $0x9C000, s2;
	p0 =	sne.s32 s1, $0xF;
	s4 =	smul.u32 $0x27100, s5  }
0x8: {  	_ =	strace $0x80000056;
	s29 =	ssub.s32 $0x2, s5;
	s13 =	smul.u32 $0x9C400, s5  }
0x9: {  	s15 =	sshrl.u32 @!p0 s15, $0x3;
	s9 =	sshrl.u32 s8, $0x3;
	s11 =	sshrl.u32 s29, $0x1  }
0xa: {  	s14 =	sadd.s32 s8, s2;
	s6 =	sadd.s32 s6, s4;
	s4 =	sadd.s32 $0x17C00, s7  }
0xb: {  	s28 =	sadd.s32 s9, s7;
	s11 =	ssub.s32 s29, s11;
	s8 =	sadd.s32 s8, s13  }
0xc: {  	s31 =	sshrl.u32 s13, $0x3;
	s13 =	sshrl.u32 s14, $0x3;
	s14 =	simm.s32 $0x2  }
0xd: {  	s6 =	sshrl.u32 s6, $0x3;
	s5 =	sadd.s32 $0x2B600, s28;
	s8 =	sshrl.u32 s8, $0x3  }
0xe: {  	s9 =	sadd.s32 s10, s31;
	s12 =	sadd.s32 s6, s7;
	s6 =	sor.u32 $0x1C02, s30  }
0xf: {  	s7 =	sadd.s32 $0x3EE00, s7;
	s8 =	sadd.s32 s10, s8;
	s9 =	sadd.s32 $0x13800, s9  }
0x10: {  	s10 =	smax.u32 s11, $0x1;
	s11 =	sadd.s32 $0x4000, s12;
	s12 =	sadd.s32 $0xDE00, s12  }
.LBB2_1:
0x11: {  	[spmem:s13], [sflag:s6] =	dma.local [hbm:s5], $0x1380  }
0x12: {  	_ =	swait.ge [sflag:s14], $0x1380  }
0x13: {  	[sflag:s14] =	ssyncset.done $0x0  }
0x14: {  	s20 =	simm.s32 @!p0 $0x2;
	[sflag:s14] =	ssyncadd.s32 $0xFFFFEC80  }
0x15: {  	[spmem:s15], [sflag:s6] =	dma.local @!p0 [hbm:s7], $0x80  }
0x16: {  	_ =	swait.ge @!p0 [sflag:s20], $0x80  }
0x17: {  	[sflag:s20] =	ssyncset.done @!p0 $0x0  }
0x18: {  	[sflag:s20] =	ssyncadd.s32 @!p0 $0xFFFFFF80  }
0x19: {  	s30 =	sadd.s32 $0x0, s12;
	[bflag:$0x0] =	sbarrier.arrive $0xFFFF  }
0x1a: {  	[tilespmem:s3], [sflag:$0x2] =	stream.linear.gather [hbm4b:s30+s3], $0x50, $0x38;
	[tilespmem:$0xB0E0] =	vst v63  }
0x1b: {  	_ =	swait.ge [sflag:s14], $0x50  }
0x1c: {  	[sflag:s14] =	ssyncset.done $0x0  }
0x1d: {  	s31 =	sadd.s32 $0x0, s11;
	[sflag:s14] =	ssyncadd.s32 $0xFFFFFFB0  }
0x1e: {  	[tilespmem:s16], [sflag:$0x2] =	stream.linear.gather [hbm4b:s31+s3], $0x50, $0x38;
	[tilespmem:$0xB0E0] =	vst v63  }
0x1f: {  	_ =	swait.ge [sflag:s14], $0x50  }
0x20: {  	[sflag:s14] =	ssyncset.done $0x0  }
0x21: {  	[sflag:s14] =	ssyncadd.s32 $0xFFFFFFB0  }
0x22: {  	[tilespmem:s17], [sflag:$0x1] =	stream.indirect.gather [hbm4b:s4+s16], $0x40, s3, s16, $0xb8;
	[tilespmem:$0xB0E0] =	vst v63  }
0x23: {  	_ =	swait.ge [sflag:s18], $0x1400  }
0x24: {  	[sflag:s18] =	ssyncset.done $0x0  }
0x25: {  	[sflag:s18] =	ssyncadd.s32 $0xFFFFEC00  }
0x26: {  	[spmem:s2] =	stream.indirect.scatter.add.f32 [tilespmem:s17], [sflag:$0x2], $0x40, s16, s16, $0xb8;
	[tilespmem:$0xB0E0] =	vst v63  }
0x27: {  	_ =	swait.ge [sflag:s14], $0x1400  }
0x28: {  	s21 =	simm.s32 $0x14;
	s20 =	simm.s32 $0xA;
	[sflag:s14] =	ssyncset.done $0x0  }
.LBB2_2:
0x29: {  	s22 =	sadd.s32 s20, s12  }
0x2a: {  	[sflag:s14] =	ssyncadd.s32 $0xFFFFEC00;
	s23 =	smov.u32 s21;
	s24 =	sadd.s32 $0xA, s21  }
0x2b: {  	[tilespmem:s3], [sflag:$0x2] =	stream.linear.gather [hbm4b:s22+s3], $0x50, $0x38;
	[tilespmem:$0xB0E0] =	vst v63  }
0x2c: {  	p1 =	sne.s32 s21, $0x4D8;
	_ =	swait.ge [sflag:s14], $0x50  }
0x2d: {  	[sflag:s14] =	ssyncset.done $0x0  }
0x2e: {  	s21 =	sadd.s32 s20, s11;
	s20 =	smov.u32 s23;
	[sflag:s14] =	ssyncadd.s32 $0xFFFFFFB0  }
0x2f: {  	[tilespmem:s16], [sflag:$0x2] =	stream.linear.gather [hbm4b:s21+s3], $0x50, $0x38;
	[tilespmem:$0xB0E0] =	vst v63  }
0x30: {  	_ =	swait.ge [sflag:s14], $0x50  }
0x31: {  	[sflag:s14] =	ssyncset.done $0x0  }
0x32: {  	[sflag:s14] =	ssyncadd.s32 $0xFFFFFFB0  }
0x33: {  	[tilespmem:s17], [sflag:$0x1] =	stream.indirect.gather [hbm4b:s4+s16], $0x40, s3, s16, $0xb8;
	[tilespmem:$0xB0E0] =	vst v63  }
0x34: {  	_ =	swait.ge [sflag:s18], $0x1400  }
.Ltmp0:
0x35: {  	[sflag:s18] =	ssyncset.done $0x0;
	(pc) =	sbr.rel @p1 .LBB2_2-.Ltmp0, $4  }
0x36: {  	[sflag:s18] =	ssyncadd.s32 $0xFFFFEC00  }
0x37: {  	[spmem:s2] =	stream.indirect.scatter.add.f32 [tilespmem:s17], [sflag:$0x2], $0x40, s16, s16, $0xb8;
	[tilespmem:$0xB0E0] =	vst v63  }
0x38: {  	_ =	swait.ge [sflag:s14], $0x1400  }
0x39: {  	s21 =	smov.u32 s24;
	[sflag:s14] =	ssyncset.done $0x0  }
0x3a: {  	s21 =	sadd.s32 s20, s12;
	[sflag:s14] =	ssyncadd.s32 $0xFFFFEC00  }
0x3b: {  	[tilespmem:s3], [sflag:$0x2] =	stream.linear.gather [hbm4b:s21+s3], $0x50, $0x38;
	[tilespmem:$0xB0E0] =	vst v63  }
0x3c: {  	_ =	swait.ge [sflag:s14], $0x50  }
0x3d: {  	[sflag:s14] =	ssyncset.done $0x0  }
0x3e: {  	s31 =	sadd.s32 s20, s11;
	[sflag:s14] =	ssyncadd.s32 $0xFFFFFFB0  }
0x3f: {  	[tilespmem:s16], [sflag:$0x2] =	stream.linear.gather [hbm4b:s31+s3], $0x50, $0x38;
	[tilespmem:$0xB0E0] =	vst v63  }
0x40: {  	_ =	swait.ge [sflag:s14], $0x50  }
0x41: {  	[sflag:s14] =	ssyncset.done $0x0  }
0x42: {  	[sflag:s14] =	ssyncadd.s32 $0xFFFFFFB0  }
0x43: {  	[tilespmem:s17], [sflag:$0x1] =	stream.indirect.gather [hbm4b:s4+s16], $0x40, s3, s16, $0xb8;
	[tilespmem:$0xB0E0] =	vst v63  }
0x44: {  	_ =	swait.ge [sflag:s18], $0x1400  }
0x45: {  	[sflag:s18] =	ssyncset.done $0x0  }
0x46: {  	[sflag:s18] =	ssyncadd.s32 $0xFFFFEC00  }
0x47: {  	[spmem:s2] =	stream.indirect.scatter.add.f32 [tilespmem:s17], [sflag:$0x2], $0x40, s16, s16, $0xb8;
	[tilespmem:$0xB0E0] =	vst v63  }
0x48: {  	_ =	swait.ge [sflag:s14], $0x1400  }
0x49: {  	[sflag:s14] =	ssyncset.done $0x0  }
0x4a: {  	[sflag:s14] =	ssyncadd.s32 $0xFFFFEC00  }
0x4b: {  	[bflag:$0x0] =	sbarrier.arrive $0xFFFF  }
0x4c: {  	[hbm:s8], [sflag:s6] =	dma.local [spmem:s13], $0x1380  }
0x4d: {  	s19 =	sadd.s32 $0x1, s19;
	_ =	swait.ge [sflag:s14], $0x1380  }
0x4e: {  	p1 =	sne.s32 s19, s10;
	[sflag:s14] =	ssyncset.done $0x0  }
.Ltmp1:
0x4f: {  	s20 =	simm.s32 @!p0 $0x2;
	[sflag:s14] =	ssyncadd.s32 $0xFFFFEC80;
	(pc) =	sbr.rel @p1 .LBB2_1-.Ltmp1, $4  }
0x50: {  	[hbm:s9], [sflag:s6] =	dma.local @!p0 [spmem:s15], $0x80  }
0x51: {  	_ =	swait.ge @!p0 [sflag:s20], $0x80  }
0x52: {  	[sflag:s20] =	ssyncset.done @!p0 $0x0  }
0x53: {  	[sflag:s20] =	ssyncadd.s32 @!p0 $0xFFFFFF80  }
0x54: {  	_ =	sfence.sel $0x180000  }
0x55: {  	[bflag:$0x0] =	sbarrier.arrive $0xFFFF  }
0x56: {  	p0 =	sne.s32 s1, $0x0;
	_ =	strace $0x90000056  }
0x57: {  	s0 =	sadd.s32 @!p0 $0x100000, s0;
	[bflag:$0x2] =	sbarrier.arrive $0xFFFF  }
0x58: {  	[sflag:s0] =	ssyncadd.tile.s32 @!p0 $0x1;
	_ =	shalt  }
.Lfunc_end2:
_tile_overlayer_lowered:
.L_overlay_start_2:
0x59: {  	(tag) =	ssettag $0x2  }
0x5a: {  	s0 =	rddreg [dreg:$0x0];
	s2 =	stileid.u32  }
0x5b: {  	s1 =	rddreg [dreg:$0x1];
	p0 =	sne.s32 s2, $0x0  }
0x5c: {  	s3 =	rddreg [dreg:$0x2];
	[bflag:$0x3] =	sbarrier.arrive $0xFFFF;
	s2 =	simm.s32 @!p0 $0x1C02  }
0x5d: {  	[timem:s3], [sflag:s2] =	dma.local @!p0 [hbm:s0], s1  }
0x5e: {  	s0 =	simm.s32 @!p0 $0x2  }
0x5f: {  	_ =	swait.ge @!p0 [sflag:s0], s1  }
0x60: {  	s1 =	ssub.s32 @!p0 $0x0, s1;
	[sflag:s0] =	ssyncset.done @!p0 $0x0  }
0x61: {  	[sflag:s0] =	ssyncadd.s32 @!p0 s1  }
0x62: {  	[bflag:$0x3] =	sbarrier.arrive $0xFFFF  }
0x63: {  	_ =	shalt  }

// kernel: kernel.34.cloned.1.call-start
scs
__scs_entry_jumppad:
0x0: {  	(pc) =	sbr.rel $0x88, $3  }
0x1: {  	(tag) =	ssettag $0x0;
	lr =	simm.s32 $0x1  }
0x2: {  	[smem:$0x3F8C] =	sst lr;
	_ =	strace $0xD0000000  }
0x3: {  	_ = 	snop  }
0x4: {  	_ = 	snop  }
0x5: {  	_ = 	snop  }
0x6: {  	_ = 	snop  }
0x7: {  	_ = 	snop  }
__scs_overlays_trampoline_lowered:
0x8: {  	[smem:$0x3F9B] =	sst s0  }
0x9: {  	[smem:$0x3F9C] =	sst s1  }
0xa: {  	[smem:$0x3F9D] =	sst s2  }
0xb: {  	[smem:$0x3F9E] =	sst s3  }
0xc: {  	[smem:$0x3F9F] =	sst s4  }
0xd: {  	[smem:$0x3FA0] =	sst s5  }
0xe: {  	[smem:$0x3FA1] =	sst s6  }
0xf: {  	[smem:$0x3FA2] =	sst s7  }
0x10: {  	[smem:$0x3FA3] =	sst s8  }
0x11: {  	[smem:$0x3FA4] =	sst s9;
	s0 =	simm.s32 @!p0 $0x0  }
0x12: {  	s1 =	sld [smem:$0x3F8A];
	s0 =	simm.s32 @p0 $0x1  }
0x13: {  	[smem:$0x3FA5] =	sst s0;
	s0 =	simm.s32 @!p1 $0x0  }
0x14: {  	s2 =	sld [smem:$0x3F89];
	s0 =	simm.s32 @p1 $0x1  }
0x15: {  	[smem:$0x3FA6] =	sst s0;
	s0 =	simm.s32 @!p2 $0x0  }
0x16: {  	s3 =	sld [smem:$0x3FDB];
	s0 =	simm.s32 @p2 $0x1  }
0x17: {  	s4 =	simm.s32 $0x1BF5;
	[smem:$0x3FA8] =	sst s0  }
0x18: {  	s0 =	sld [smem:$0x3F8B];
	_ =	swait.ge [sflag:s4], $0x0  }
0x19: {  	s7 =	sld [smem:$0x3F8C]  }
0x1a: {  	s8 =	sadd.s32 $0xFFFFE003, lr  }
0x1b: {  	s9 =	sadd.s32 $0xFFFFFEF7, lr;
	s5 =	simm.s32 $0xFFFFFFFF;
	p2 =	slt.u32 s8, $0xFFFFF086  }
0x1c: {  	p1 =	slt.u32 s9, $0xF7A;
	s5 =	simm.s32 @!p2 $0x0  }
0x1d: {  	s5 =	simm.s32 @p1 $0x1;
	p0 =	seq.s32 s7, s2  }
0x1e: {  	s7 =	smul.u32 @!p0 $0xF7A, s2;
	p2 =	seq.s32 @!p0 s5, $0x0  }
0x1f: {  	s9 =	smul.u32 $0xF7A, s1;
	s8 =	simm.s32 @!p0 $0x1BF5;
	p2 =	por !p2, p0  }
0x20: {  	[sflag:s8] =	ssyncset.s32 @!p0 $0xFFFFF086;
	s6 =	sadd.s32 @!p0 s3, s7;
	s7 =	simm.s32 @!p0 $0x108  }
0x21: {  	s3 =	sadd.s32 s3, s9;
	s6 =	sadd.s32 @!p0 $0x88, s6;
	s7 =	simm.s32 @p2 $0x1082  }
0x22: {  	[simem:s7], [sflag:s8] =	dma.local @!p0 [hbm:s6], $0xF7A  }
0x23: {  	s9 =	sor.u32 $0xD0000000, s2;
	s6 =	simm.s32 $0x108;
	_ =	swait.ge @!p0 [sflag:s8], $0x0  }
0x24: {  	s3 =	sadd.s32 $0x88, s3;
	s6 =	simm.s32 @!p1 $0x1082;
	[sflag:s4] =	ssyncset.s32 $0xFFFFF086  }
0x25: {  	[simem:s6], [sflag:s4] =	dma.local [hbm:s3], $0xF7A  }
0x26: {  	[smem:$0x3F8C] =	sst s1;
	(tag) =	ssettag s2;
	_ =	strace s9  }
0x27: {  	s1 =	sld [smem:$0x3F9C]  }
0x28: {  	s2 =	sld [smem:$0x3F9D]  }
0x29: {  	s4 =	sld [smem:$0x3F9F]  }
0x2a: {  	p0 =	seq.s32 s5, $0x0;
	s5 =	sld [smem:$0x3FA0]  }
0x2b: {  	s6 =	sld [smem:$0x3FA1]  }
0x2c: {  	s7 =	sld [smem:$0x3FA2]  }
0x2d: {  	s3 =	simm.s32 $0x108;
	s8 =	sld [smem:$0x3FA3]  }
0x2e: {  	s3 =	simm.s32 @!p0 $0x1082;
	s9 =	sld [smem:$0x3FA4]  }
0x2f: {  	lr =	sadd.s32 s0, s3;
	s0 =	sld [smem:$0x3F9B]  }
0x30: {  	s3 =	sld [smem:$0x3F9E]  }
0x31: {  	[smem:$0x3FA7] =	sst s10  }
0x32: {  	s10 =	sld [smem:$0x3FA5];
	_ =	sdelay $0x3  }
0x33: {  	p0 =	seq.s32 s10, $0x1;
	s10 =	sld [smem:$0x3FA7];
	_ =	sdelay $0x3  }
0x34: {  	[smem:$0x3FA7] =	sst s10  }
0x35: {  	s10 =	sld [smem:$0x3FA6];
	_ =	sdelay $0x3  }
0x36: {  	p1 =	seq.s32 s10, $0x1;
	s10 =	sld [smem:$0x3FA7];
	_ =	sdelay $0x3  }
0x37: {  	[smem:$0x3FA7] =	sst s10  }
0x38: {  	s10 =	sld [smem:$0x3FA8]  }
0x39: {  	_ = 	snop;
	(pc) =	sbr.ind lr, $3  }
0x3a: {  	_ = 	snop  }
0x3b: {  	_ = 	snop  }
0x3c: {  	p2 =	seq.s32 s10, $0x1;
	s10 =	sld [smem:$0x3FA7]  }
0x3d: {  	_ =	shalt  }
0x3e: {  	_ =	shalt  }
0x3f: {  	_ =	shalt  }
0x40: {  	_ =	shalt  }
0x41: {  	_ =	shalt  }
0x42: {  	_ =	shalt  }
0x43: {  	_ =	shalt  }
0x44: {  	_ =	shalt  }
0x45: {  	_ =	shalt  }
0x46: {  	_ =	shalt  }
0x47: {  	_ =	shalt  }
0x48: {  	_ =	shalt  }
0x49: {  	_ =	shalt  }
0x4a: {  	_ =	shalt  }
0x4b: {  	_ =	shalt  }
0x4c: {  	_ =	shalt  }
0x4d: {  	_ =	shalt  }
0x4e: {  	_ =	shalt  }
0x4f: {  	_ =	shalt  }
0x50: {  	_ =	shalt  }
0x51: {  	_ =	shalt  }
0x52: {  	_ =	shalt  }
0x53: {  	_ =	shalt  }
0x54: {  	_ =	shalt  }
0x55: {  	_ =	shalt  }
0x56: {  	_ =	shalt  }
0x57: {  	_ =	shalt  }
0x58: {  	_ =	shalt  }
0x59: {  	_ =	shalt  }
0x5a: {  	_ =	shalt  }
0x5b: {  	_ =	shalt  }
0x5c: {  	_ =	shalt  }
0x5d: {  	_ =	shalt  }
0x5e: {  	_ =	shalt  }
0x5f: {  	_ =	shalt  }
0x60: {  	_ =	shalt  }
0x61: {  	_ =	shalt  }
0x62: {  	_ =	shalt  }
0x63: {  	_ =	shalt  }
0x64: {  	_ =	shalt  }
0x65: {  	_ =	shalt  }
0x66: {  	_ =	shalt  }
0x67: {  	_ =	shalt  }
0x68: {  	_ =	shalt  }
0x69: {  	_ =	shalt  }
0x6a: {  	_ =	shalt  }
0x6b: {  	_ =	shalt  }
0x6c: {  	_ =	shalt  }
0x6d: {  	_ =	shalt  }
0x6e: {  	_ =	shalt  }
0x6f: {  	_ =	shalt  }
0x70: {  	_ =	shalt  }
0x71: {  	_ =	shalt  }
0x72: {  	_ =	shalt  }
0x73: {  	_ =	shalt  }
0x74: {  	_ =	shalt  }
0x75: {  	_ =	shalt  }
0x76: {  	_ =	shalt  }
0x77: {  	_ =	shalt  }
0x78: {  	_ =	shalt  }
0x79: {  	_ =	shalt  }
0x7a: {  	_ =	shalt  }
0x7b: {  	_ =	shalt  }
0x7c: {  	_ =	shalt  }
0x7d: {  	_ =	shalt  }
0x7e: {  	_ =	shalt  }
0x7f: {  	_ =	shalt  }
0x80: {  	_ =	shalt  }
0x81: {  	_ =	shalt  }
0x82: {  	_ =	shalt  }
0x83: {  	_ =	shalt  }
0x84: {  	_ =	shalt  }
0x85: {  	_ =	shalt  }
0x86: {  	_ =	shalt  }
0x87: {  	_ =	shalt  }
.Lfunc_end0:
.L_simem_size_0:
called_computation.6_lowered:
.L_overlay_start_0:
0x88: {  	s2 =	sld [smem:$0x3FD9]  }
0x89: {  	s3 =	sld [smem:$0x3FFE];
	_ =	sdelay $0x1  }
0x8a: {  	s1 =	srdreg.scid  }
0x8b: {  	s0 =	sand.u32 $0x1, s1  }
0x8c: {  	s17 =	sshll.u32 s0, $0xA;
	s2 =	sadd.s32 s3, s2  }
0x8d: {  	s2 =	sadd.s32 s2, s17  }
0x8e: {  	[smem:$0x3FB3] =	sst s2  }
0x8f: {  	_ = 	snop  }
0x90: {  	s2 =	sld [smem:$0x3FC7];
	(tm) =	ssettm $0x1  }
0x91: {  	s18 =	sld [smem:$0x3FFB];
	_ =	sdelay $0x3  }
0x92: {  	_ =	strace s18  }
0x93: {  	s3 =	sld [smem:$0x3FFC];
	_ =	sdelay $0x3  }
0x94: {  	_ =	strace s3  }
0x95: {  	s3 =	sld [smem:$0x3FFD];
	_ =	sdelay $0x3  }
0x96: {  	_ =	strace s3  }
0x97: {  	_ =	strace $0x8FFFFFFF  }
0x98: {  	s19 =	sld [smem:$0x3FDB];
	_ =	sdelay $0x1  }
0x99: {  	s4 =	simm.s32 $_scs_section_size  }
0x9a: {  	s5 =	simm.s32 $_size__tile_overlayer_lowered;
	s6 =	simm.s32 $_tile_overlayer_lowered  }
0x9b: {  	s22 =	simm.s32 $0x1BFF;
	s21 =	sshll.u32 s6, $0x1;
	s3 =	sadd.s32 s4, s19  }
0x9c: {  	s7 =	simm.s32 $0x0;
	s20 =	sshll.u32 s5, $0x1;
	s5 =	sadd.s32 s21, s3  }
0x9d: {  	[timem:s7], [sflag:s22] =	dma.local [hbm:s5], s20  }
0x9e: {  	_ =	swait.ge [sflag:s22], s20  }
0x9f: {  	s4 =	ssub.s32 $0x0, s20;
	[sflag:s22] =	ssyncset.done $0x0  }
0xa0: {  	[sflag:s22] =	ssyncadd.s32 s4;
	_ =	sdelay $0x1  }
0xa1: {  	s23 =	simm.s32 $0x1B8B  }
0xa2: {  	_ =	swait.ge [sflag:s23], $0x1  }
0xa3: {  	[sflag:s23] =	ssyncset.done $0x0  }
0xa4: {  	s25 =	simm.s32 $0x1B8E;
	s24 =	sld [smem:$0x3FFE];
	[sflag:s23] =	ssyncadd.s32 $0xFFFFFFFF  }
0xa5: {  	s26 =	simm.s32 $execute0_lowered;
	[smem:$0x3FD2] =	sst s25  }
0xa6: {  	s5 =	sshll.u32 s26, $0x1;
	_ =	strace $0x80000058;
	[dreg:$0x1] =	wrdreg $0xFFFFFFFF  }
0xa7: {  	s28 =	simm.s32 $_size_execute0_lowered;
	s3 =	sadd.s32 s3, s5;
	[dreg:$0x0] =	wrdreg $0x0  }
0xa8: {  	s5 =	sshll.u32 s28, $0x1;
	[dreg:$0x2] =	wrdreg s3  }
0xa9: {  	[dreg:$0x3] =	wrdreg s5  }
0xaa: {  	[dreg:$0x4] =	wrdreg $0xC0  }
0xab: {  	_ =	task [dreg:s7], $0x5FFFF  }
0xac: {  	[dreg:$0x1] =	wrdreg $0xFFFFFFFF  }
0xad: {  	[dreg:$0x0] =	wrdreg $0x60  }
0xae: {  	[dreg:$0x2] =	wrdreg s24  }
0xaf: {  	[dreg:$0x3] =	wrdreg s2  }
0xb0: {  	[dreg:$0x4] =	wrdreg $0x1E780  }
0xb1: {  	[dreg:$0x5] =	wrdreg $0x9  }
0xb2: {  	_ =	task.clear_ibuf [dreg:s7], $0x6FFFF;
	_ =	strace $0x90000058  }
0xb3: {  	s29 =	simm.s32 $0x9;
	_ =	strace $0x8000005A  }
0xb4: {  	_ =	swait.ge [sflag:s29], $0x1  }
0xb5: {  	[sflag:s29] =	ssyncadd.s32 $0xFFFFFFFF  }
0xb6: {  	_ =	strace $0x9000005A  }
0xb7: {  	_ =	sfence  }
0xb8: {  	s30 =	sld [smem:$0x0];
	_ =	sdelay $0x2  }
0xb9: {  	s31 =	sshll.u32 s1, $0xD;
	s1 =	sshrl.u32 s1, $0x2  }
0xba: {  	s3 =	sand.u32 $0x4000, s31;
	s1 =	sadd.s32 s1, s30  }
0xbb: {  	s0 =	sor.u32 s3, s0;
	s1 =	sshll.u32 s1, $0x11  }
0xbc: {  	s0 =	sor.u32 s1, s0  }
0xbd: {  	s0 =	sadd.s32 $0x8F2B, s0  }
0xbe: {  	[sflag:s0] =	ssyncadd.remote.s32 $0x1  }
0xbf: {  	_ =	sfence.sel $0xFFFF  }
0xc0: {  	[dreg:$0x0] =	wrdreg $0xFFFFFFFF;
	(pc) =	sbr.abs _section_cstart, $3  }
0xc1: {  	[dreg:$0x1] =	wrdreg $0xFFFFFFFF  }
0xc2: {  	_ =	task.clear_ibuf [dreg:s7], $0x2FFFF;
	_ =	strace $0x9FFFFFFF  }
0xc3: {  	(tm) =	ssettm $0x7FFFFFFF  }
tec
execute0_lowered:
.L_overlay_start_1:
0x0: {  	(tag) =	ssettag $0x1  }
0x1: {  	s22 =	rddreg [dreg:$0x0]  }
0x2: {  	s15 =	rddreg [dreg:$0x1]  }
0x3: {  	s2 =	rddreg [dreg:$0x2]  }
0x4: {  	s0 =	rddreg [dreg:$0x3];
	s3 =	simm.s32 $0x0;
	s1 =	stileid.u32  }
0x5: {  	s4 =	srdreg.scid;
	[smem:$0x7FF] =	sst s3  }
0x6: {  	s5 =	sshll.u32 s1, $0x6;
	s21 =	sand.u32 $0x1, s4;
	s23 =	sshll.u32 s1, $0x9  }
0x7: {  	_ =	strace $0x80000059;
	s28 =	sadd.s32 s5, s22;
	s6 =	sshll.u32 s21, $0x4  }
0x8: {  	s29 =	sadd.s32 s23, s2;
	s5 =	sor.u32 $0x1C01, s5;
	s16 =	sor.u32 s1, s6  }
0x9: {  	s4 =	sadd.s32 $0x17A00, s28;
	s7 =	sshrl.u32 s29, $0x3;
	s6 =	simm.s32 $0x1  }
0xa: {  	[spmem:s7], [sflag:s5] =	dma.local [hbm:s4], $0x40  }
0xb: {  	s13 =	smul.u32 $0x138, s16;
	_ =	swait.ge [sflag:s6], $0x40  }
0xc: {  	[sflag:s6] =	ssyncset.done $0x0  }
0xd: {  	s8 =	sshrl.u32 s13, $0x3;
	[sflag:s6] =	ssyncadd.s32 $0xFFFFFFC0  }
0xe: {  	s8 =	sadd.s32 s15, s8;
	[bflag:$0x0] =	sbarrier.arrive $0xFFFF  }
0xf: {  	[tilespmem:s3], [sflag:$0x1] =	stream.linear.gather [hbm4b:s8+s3], $0x68, $0x38;
	[tilespmem:$0x2078] =	vst v63  }
0x10: {  	s9 =	smul.u32 $0x9C0, s16;
	_ =	swait.ge [sflag:s6], $0x68  }
0x11: {  	s14 =	sadd.s32 $0x4000, s22;
	[sflag:s6] =	ssyncset.done $0x0  }
0x12: {  	s10 =	simm.s32 $0x68;
	s9 =	sadd.s32 s14, s9;
	[sflag:s6] =	ssyncadd.s32 $0xFFFFFF98  }
0x13: {  	[tilespmem:s10], [sflag:$0x1] =	stream.linear.gather [hbm4b:s9+s3], $0x1A00, $0x38;
	[tilespmem:$0x2078] =	vst v63  }
0x14: {  	_ =	swait.ge [sflag:s6], $0x1A00  }
0x15: {  	[sflag:s6] =	ssyncset.done $0x0  }
0x16: {  	[sflag:s6] =	ssyncadd.s32 $0xFFFFE600  }
0x17: {  	[spmem:s2] =	stream.indirect.scatter.add.f32 [tilespmem:s10], [sflag:$0x1], $0x40, s3, s10, $0xb8;
	[tilespmem:$0x2078] =	vst v63  }
0x18: {  	s12 =	sadd.s32 $0x68, s13;
	_ =	swait.ge [sflag:s6], $0x1A00  }
0x19: {  	s11 =	sshrl.u32 s12, $0x3;
	[sflag:s6] =	ssyncset.done $0x0  }
0x1a: {  	s11 =	sadd.s32 s15, s11;
	[sflag:s6] =	ssyncadd.s32 $0xFFFFE600  }
0x1b: {  	[tilespmem:s3], [sflag:$0x1] =	stream.linear.gather [hbm4b:s11+s3], $0x68, $0x38;
	[tilespmem:$0x2078] =	vst v63  }
0x1c: {  	_ =	swait.ge [sflag:s6], $0x68  }
0x1d: {  	s12 =	sshll.u32 s12, $0x3;
	[sflag:s6] =	ssyncset.done $0x0  }
0x1e: {  	s12 =	sadd.s32 s14, s12;
	[sflag:s6] =	ssyncadd.s32 $0xFFFFFF98  }
0x1f: {  	[tilespmem:s10], [sflag:$0x1] =	stream.linear.gather [hbm4b:s12+s3], $0x1A00, $0x38;
	[tilespmem:$0x2078] =	vst v63  }
0x20: {  	_ =	swait.ge [sflag:s6], $0x1A00  }
0x21: {  	[sflag:s6] =	ssyncset.done $0x0  }
0x22: {  	[sflag:s6] =	ssyncadd.s32 $0xFFFFE600  }
0x23: {  	[spmem:s2] =	stream.indirect.scatter.add.f32 [tilespmem:s10], [sflag:$0x1], $0x40, s3, s10, $0xb8;
	[tilespmem:$0x2078] =	vst v63  }
0x24: {  	s17 =	sadd.s32 $0xD0, s13;
	_ =	swait.ge [sflag:s6], $0x1A00  }
0x25: {  	s13 =	sshrl.u32 s17, $0x3;
	[sflag:s6] =	ssyncset.done $0x0  }
0x26: {  	s13 =	sadd.s32 s15, s13;
	[sflag:s6] =	ssyncadd.s32 $0xFFFFE600  }
0x27: {  	[tilespmem:s3], [sflag:$0x1] =	stream.linear.gather [hbm4b:s13+s3], $0x68, $0x38;
	[tilespmem:$0x2078] =	vst v63  }
0x28: {  	_ =	swait.ge [sflag:s6], $0x68  }
0x29: {  	s17 =	sshll.u32 s17, $0x3;
	[sflag:s6] =	ssyncset.done $0x0  }
0x2a: {  	s14 =	sadd.s32 s14, s17;
	[sflag:s6] =	ssyncadd.s32 $0xFFFFFF98  }
0x2b: {  	[tilespmem:s10], [sflag:$0x1] =	stream.linear.gather [hbm4b:s14+s3], $0x1A00, $0x38;
	[tilespmem:$0x2078] =	vst v63  }
0x2c: {  	_ =	swait.ge [sflag:s6], $0x1A00  }
0x2d: {  	[sflag:s6] =	ssyncset.done $0x0  }
0x2e: {  	[sflag:s6] =	ssyncadd.s32 $0xFFFFE600  }
0x2f: {  	[spmem:s2] =	stream.indirect.scatter.add.f32 [tilespmem:s10], [sflag:$0x1], $0x40, s3, s10, $0xb8;
	[tilespmem:$0x2078] =	vst v63  }
0x30: {  	p0 =	sne.s32 s16, $0x1F;
	_ =	swait.ge [sflag:s6], $0x1A00  }
0x31: {  	s16 =	simm.s32 @!p0 $0x1;
	s18 =	simm.s32 @!p0 $0x1A68;
	[sflag:s6] =	ssyncset.done $0x0  }
0x32: {  	s15 =	sadd.s32 $0x4E0, s15;
	s17 =	simm.s32 @!p0 $0x0;
	[sflag:s6] =	ssyncadd.s32 $0xFFFFE600  }
0x33: {  	[tilespmem:s18], [sflag:$0x1] =	stream.linear.gather @!p0 [hbm4b:s15+s17], $0x10, $0x38;
	[tilespmem:$0x2078] =	vst v63  }
0x34: {  	_ =	swait.ge @!p0 [sflag:s16], $0x10  }
0x35: {  	s19 =	sadd.s32 $0x17800, s22;
	s24 =	sshll.u32 s21, $0xD;
	[sflag:s16] =	ssyncset.done @!p0 $0x0  }
0x36: {  	s25 =	ssub.s32 $0x2, s21;
	s20 =	simm.s32 @!p0 $0x1A78;
	[sflag:s16] =	ssyncadd.s32 @!p0 $0xFFFFFFF0  }
0x37: {  	[tilespmem:s20], [sflag:$0x1] =	stream.linear.gather @!p0 [hbm4b:s19+s17], $0x400, $0x38;
	[tilespmem:$0x2078] =	vst v63  }
0x38: {  	s23 =	sor.u32 s23, s24;
	s30 =	sshrl.u32 s25, $0x1;
	_ =	swait.ge @!p0 [sflag:s16], $0x400  }
0x39: {  	s24 =	ssub.s32 s25, s30;
	s23 =	sshrl.u32 s23, $0x3;
	[sflag:s16] =	ssyncset.done @!p0 $0x0  }
0x3a: {  	s21 =	simm.s32 @!p0 $0x10;
	s31 =	smax.u32 s24, $0x1;
	[sflag:s16] =	ssyncadd.s32 @!p0 $0xFFFFFC00  }
0x3b: {  	[spmem:s2] =	stream.indirect.scatter.add.f32 @!p0 [tilespmem:s20], [sflag:$0x1], $0x40, s18, s21, $0xb8;
	[tilespmem:$0x2078] =	vst v63  }
0x3c: {  	s22 =	sadd.s32 s23, s22;
	s23 =	sadd.s32 $0xFFFFFFFF, s31;
	_ =	swait.ge @!p0 [sflag:s16], $0x400  }
0x3d: {  	p1 =	sne.s32 s23, $0x0;
	[sflag:s16] =	ssyncset.done @!p0 $0x0  }
.Ltmp0:
0x3e: {  	[sflag:s16] =	ssyncadd.s32 @!p0 $0xFFFFFC00;
	(pc) =	sbr.rel @!p1 .LBB2_2-.Ltmp0, $4  }
0x3f: {  	s22 =	sadd.s32 $0x17E00, s22;
	[bflag:$0x0] =	sbarrier.arrive $0xFFFF  }
0x40: {  	[hbm:s22], [sflag:s5] =	dma.local [spmem:s7], $0x40  }
0x41: {  	_ =	swait.ge [sflag:s6], $0x40  }
0x42: {  	[sflag:s6] =	ssyncset.done $0x0  }
.LBB2_1:
0x43: {  	s23 =	sadd.s32 $0xFFFFFFFF, s23;
	[sflag:s6] =	ssyncadd.s32 $0xFFFFFFC0  }
0x44: {  	[spmem:s7], [sflag:s5] =	dma.local [hbm:s4], $0x40  }
0x45: {  	p1 =	sne.s32 s23, $0x0;
	_ =	swait.ge [sflag:s6], $0x40  }
0x46: {  	[sflag:s6] =	ssyncset.done $0x0  }
0x47: {  	[sflag:s6] =	ssyncadd.s32 $0xFFFFFFC0  }
0x48: {  	[bflag:$0x0] =	sbarrier.arrive $0xFFFF  }
0x49: {  	[tilespmem:s3], [sflag:$0x1] =	stream.linear.gather [hbm4b:s8+s3], $0x68, $0x38;
	[tilespmem:$0x2078] =	vst v63  }
0x4a: {  	_ =	swait.ge [sflag:s6], $0x68  }
0x4b: {  	[sflag:s6] =	ssyncset.done $0x0  }
0x4c: {  	[sflag:s6] =	ssyncadd.s32 $0xFFFFFF98  }
0x4d: {  	[tilespmem:s10], [sflag:$0x1] =	stream.linear.gather [hbm4b:s9+s3], $0x1A00, $0x38;
	[tilespmem:$0x2078] =	vst v63  }
0x4e: {  	_ =	swait.ge [sflag:s6], $0x1A00  }
0x4f: {  	[sflag:s6] =	ssyncset.done $0x0  }
0x50: {  	[sflag:s6] =	ssyncadd.s32 $0xFFFFE600  }
0x51: {  	[spmem:s2] =	stream.indirect.scatter.add.f32 [tilespmem:s10], [sflag:$0x1], $0x40, s3, s10, $0xb8;
	[tilespmem:$0x2078] =	vst v63  }
0x52: {  	_ =	swait.ge [sflag:s6], $0x1A00  }
0x53: {  	[sflag:s6] =	ssyncset.done $0x0  }
0x54: {  	[sflag:s6] =	ssyncadd.s32 $0xFFFFE600  }
0x55: {  	[tilespmem:s3], [sflag:$0x1] =	stream.linear.gather [hbm4b:s11+s3], $0x68, $0x38;
	[tilespmem:$0x2078] =	vst v63  }
0x56: {  	_ =	swait.ge [sflag:s6], $0x68  }
0x57: {  	[sflag:s6] =	ssyncset.done $0x0  }
0x58: {  	[sflag:s6] =	ssyncadd.s32 $0xFFFFFF98  }
0x59: {  	[tilespmem:s10], [sflag:$0x1] =	stream.linear.gather [hbm4b:s12+s3], $0x1A00, $0x38;
	[tilespmem:$0x2078] =	vst v63  }
0x5a: {  	_ =	swait.ge [sflag:s6], $0x1A00  }
0x5b: {  	[sflag:s6] =	ssyncset.done $0x0  }
0x5c: {  	[sflag:s6] =	ssyncadd.s32 $0xFFFFE600  }
0x5d: {  	[spmem:s2] =	stream.indirect.scatter.add.f32 [tilespmem:s10], [sflag:$0x1], $0x40, s3, s10, $0xb8;
	[tilespmem:$0x2078] =	vst v63  }
0x5e: {  	_ =	swait.ge [sflag:s6], $0x1A00  }
0x5f: {  	[sflag:s6] =	ssyncset.done $0x0  }
0x60: {  	[sflag:s6] =	ssyncadd.s32 $0xFFFFE600  }
0x61: {  	[tilespmem:s3], [sflag:$0x1] =	stream.linear.gather [hbm4b:s13+s3], $0x68, $0x38;
	[tilespmem:$0x2078] =	vst v63  }
0x62: {  	_ =	swait.ge [sflag:s6], $0x68  }
0x63: {  	[sflag:s6] =	ssyncset.done $0x0  }
0x64: {  	[sflag:s6] =	ssyncadd.s32 $0xFFFFFF98  }
0x65: {  	[tilespmem:s10], [sflag:$0x1] =	stream.linear.gather [hbm4b:s14+s3], $0x1A00, $0x38;
	[tilespmem:$0x2078] =	vst v63  }
0x66: {  	_ =	swait.ge [sflag:s6], $0x1A00  }
0x67: {  	[sflag:s6] =	ssyncset.done $0x0  }
0x68: {  	[sflag:s6] =	ssyncadd.s32 $0xFFFFE600  }
0x69: {  	[spmem:s2] =	stream.indirect.scatter.add.f32 [tilespmem:s10], [sflag:$0x1], $0x40, s3, s10, $0xb8;
	[tilespmem:$0x2078] =	vst v63  }
0x6a: {  	_ =	swait.ge [sflag:s6], $0x1A00  }
0x6b: {  	[sflag:s6] =	ssyncset.done $0x0  }
0x6c: {  	[sflag:s6] =	ssyncadd.s32 $0xFFFFE600  }
0x6d: {  	[tilespmem:s18], [sflag:$0x1] =	stream.linear.gather @!p0 [hbm4b:s15+s17], $0x10, $0x38;
	[tilespmem:$0x2078] =	vst v63  }
0x6e: {  	_ =	swait.ge @!p0 [sflag:s16], $0x10  }
0x6f: {  	[sflag:s16] =	ssyncset.done @!p0 $0x0  }
0x70: {  	[sflag:s16] =	ssyncadd.s32 @!p0 $0xFFFFFFF0  }
0x71: {  	[tilespmem:s20], [sflag:$0x1] =	stream.linear.gather @!p0 [hbm4b:s19+s17], $0x400, $0x38;
	[tilespmem:$0x2078] =	vst v63  }
0x72: {  	_ =	swait.ge @!p0 [sflag:s16], $0x400  }
0x73: {  	[sflag:s16] =	ssyncset.done @!p0 $0x0  }
0x74: {  	[sflag:s16] =	ssyncadd.s32 @!p0 $0xFFFFFC00  }
0x75: {  	[spmem:s2] =	stream.indirect.scatter.add.f32 @!p0 [tilespmem:s20], [sflag:$0x1], $0x40, s18, s21, $0xb8;
	[tilespmem:$0x2078] =	vst v63  }
0x76: {  	_ =	swait.ge @!p0 [sflag:s16], $0x400  }
0x77: {  	[sflag:s16] =	ssyncset.done @!p0 $0x0  }
.Ltmp1:
0x78: {  	[sflag:s16] =	ssyncadd.s32 @!p0 $0xFFFFFC00;
	(pc) =	sbr.rel @p1 .LBB2_1-.Ltmp1, $4  }
0x79: {  	[bflag:$0x0] =	sbarrier.arrive $0xFFFF  }
0x7a: {  	[hbm:s22], [sflag:s5] =	dma.local [spmem:s7], $0x40  }
0x7b: {  	_ =	swait.ge [sflag:s6], $0x40  }
0x7c: {  	[sflag:s6] =	ssyncset.done $0x0  }
.LBB2_2:
0x7d: {  	[sflag:s6] =	ssyncadd.s32 $0xFFFFFFC0  }
0x7e: {  	_ =	sfence.sel $0x180000  }
0x7f: {  	[bflag:$0x0] =	sbarrier.arrive $0xFFFF  }
0x80: {  	p0 =	sne.s32 s1, $0x0;
	_ =	strace $0x90000059  }
0x81: {  	s0 =	sadd.s32 @!p0 $0x100000, s0;
	[bflag:$0x2] =	sbarrier.arrive $0xFFFF  }
0x82: {  	[sflag:s0] =	ssyncadd.tile.s32 @!p0 $0x1;
	_ =	shalt  }
.Lfunc_end2:
_tile_overlayer_lowered:
.L_overlay_start_2:
0x83: {  	(tag) =	ssettag $0x2  }
0x84: {  	s0 =	rddreg [dreg:$0x0];
	s2 =	stileid.u32  }
0x85: {  	s1 =	rddreg [dreg:$0x1];
	p0 =	sne.s32 s2, $0x0  }
0x86: {  	s3 =	rddreg [dreg:$0x2];
	[bflag:$0x3] =	sbarrier.arrive $0xFFFF;
	s2 =	simm.s32 @!p0 $0x1C01  }
0x87: {  	[timem:s3], [sflag:s2] =	dma.local @!p0 [hbm:s0], s1  }
0x88: {  	s0 =	simm.s32 @!p0 $0x1  }
0x89: {  	_ =	swait.ge @!p0 [sflag:s0], s1  }
0x8a: {  	s1 =	ssub.s32 @!p0 $0x0, s1;
	[sflag:s0] =	ssyncset.done @!p0 $0x0  }
0x8b: {  	[sflag:s0] =	ssyncadd.s32 @!p0 s1  }
0x8c: {  	[bflag:$0x3] =	sbarrier.arrive $0xFFFF  }
0x8d: {  	_ =	shalt  }

</sc_bundles>
